<compile_context>
chip_gen: v7x
topology: tpu7x:2x2x1
jax: 0.10.2.dev20260603
libtpu: 0.0.44.dev20260713+nightly
codegen_flags: <defaults>
</compile_context>

<pallas_src>
import functools

import jax
import jax.numpy as jnp
import numpy as np
from jax import lax
from jax.experimental import pallas as pl
from jax.experimental.pallas import tpu as pltpu
from jax.experimental.pallas import tpu_sc as plsc

RADIUS = 0.2
K = 32
R2 = np.float32(RADIUS * RADIUS)

B = 4
N = 8192
NQ = 1024
C = 128

NC = 2
NSUB = 16
L = 16
NW = NC * NSUB

WPB = NW // B
QPW = NQ // WPB
CHUNK = QPW
UNROLL = 8

SPG = K // WPB
NSTR = SPG * (NQ // CHUNK)


def _transpose_feat_body(f_ref, o_ref):
    o_ref[...] = jnp.transpose(f_ref[...], (0, 2, 1))


def _feat_transpose(features):
    return pl.pallas_call(
        _transpose_feat_body,
        grid=(B, N // 512),
        in_specs=[pl.BlockSpec((1, C, 512), lambda b, j: (b, 0, j))],
        out_specs=pl.BlockSpec((1, 512, C), lambda b, j: (b, j, 0)),
        out_shape=jax.ShapeDtypeStruct((B, N, C), jnp.float32),
    )(features)


def _scan_body(xyzT, newT, gxyz_out, idx_out,
               xpl, ypl, zpl, qx, qy, qz, buf, idxb, gxs, gys, gzs):
    cid = lax.axis_index("c")
    sid = lax.axis_index("s")
    wid = cid * NSUB + sid
    b = wid // WPB
    wq = wid % WPB
    qbase = wq * QPW

    pltpu.sync_copy(xyzT.at[pl.ds((b * 3 + 0) * N, N)], xpl)
    pltpu.sync_copy(xyzT.at[pl.ds((b * 3 + 1) * N, N)], ypl)
    pltpu.sync_copy(xyzT.at[pl.ds((b * 3 + 2) * N, N)], zpl)
    pltpu.sync_copy(newT.at[pl.ds((b * 3 + 0) * NQ + qbase, QPW)], qx)
    pltpu.sync_copy(newT.at[pl.ds((b * 3 + 1) * NQ + qbase, QPW)], qy)
    pltpu.sync_copy(newT.at[pl.ds((b * 3 + 2) * NQ + qbase, QPW)], qz)

    iota = lax.iota(jnp.int32, L)
    zeros = jnp.zeros((L,), jnp.int32)
    boffs = b * N

    def per_query(qi, carry):
        qi16 = zeros + qi
        qxv = plsc.load_gather(qx, [qi16])
        qyv = plsc.load_gather(qy, [qi16])
        qzv = plsc.load_gather(qz, [qi16])

        def cond(jc):
            j, _, cnt_s = jc
            return jnp.logical_and(j < N, cnt_s < K)

        def body(jc):
            j, csum, _ = jc
            ms = []
            for u in range(UNROLL):
                o = u * L
                dx = xpl[pl.ds(j + o, L)] - qxv
                dy = ypl[pl.ds(j + o, L)] - qyv
                dz = zpl[pl.ds(j + o, L)] - qzv
                d2 = dx * dx + dy * dy + dz * dz
                ms.append(d2 <= R2)
            for u in range(UNROLL):
                m = ms[u]
                pos = csum + plsc.cumsum(m.astype(jnp.int32)) - 1
                plsc.store_scatter(buf, [pos], j + u * L + iota, mask=m)
                csum = csum + plsc.all_reduce_population_count(m)
            return j + UNROLL * L, csum, jnp.max(csum)

        _, _, cnt = lax.while_loop(
            cond, body, (jnp.int32(0), jnp.zeros((L,), jnp.int32), jnp.int32(0)))

        blo = buf[pl.ds(0, L)]
        bhi = buf[pl.ds(L, L)]
        firstv = plsc.load_gather(buf, [zeros])
        fv = jnp.where(cnt > 0, firstv, 0)
        ilo = jnp.where(iota < cnt, blo, fv)
        ihi = jnp.where(iota + L < cnt, bhi, fv)

        rlo = iota
        rhi = iota + L
        z16 = zeros
        plsc.store_scatter(idxb, [rlo, z16, qi16], ilo + boffs)
        plsc.store_scatter(idxb, [rhi, z16, qi16], ihi + boffs)
        plsc.store_scatter(gxs, [rlo, qi16], plsc.load_gather(xpl, [ilo]) - qxv)
        plsc.store_scatter(gxs, [rhi, qi16], plsc.load_gather(xpl, [ihi]) - qxv)
        plsc.store_scatter(gys, [rlo, qi16], plsc.load_gather(ypl, [ilo]) - qyv)
        plsc.store_scatter(gys, [rhi, qi16], plsc.load_gather(ypl, [ihi]) - qyv)
        plsc.store_scatter(gzs, [rlo, qi16], plsc.load_gather(zpl, [ilo]) - qzv)
        plsc.store_scatter(gzs, [rhi, qi16], plsc.load_gather(zpl, [ihi]) - qzv)
        return carry

    lax.fori_loop(0, QPW, per_query, 0)

    pltpu.sync_copy(gxs, gxyz_out.at[b, 0, :, pl.ds(qbase, QPW)])
    pltpu.sync_copy(gys, gxyz_out.at[b, 1, :, pl.ds(qbase, QPW)])
    pltpu.sync_copy(gzs, gxyz_out.at[b, 2, :, pl.ds(qbase, QPW)])

    pltpu.sync_copy(idxb, idx_out.at[b, :, pl.ds(wq, 1), :])


KH = K // 2
SPH = KH // WPB
NSTRH = SPH * (NQ // CHUNK)


def _make_gather_body(soff):
    def _gather_body(featT, idx_in, gfeat_out, idxv, rows0, rows1, sem0, sem1):
        cid = lax.axis_index("c")
        sid = lax.axis_index("s")
        wid = cid * NSUB + sid
        b = wid // WPB
        sg = wid % WPB

        pltpu.sync_copy(idx_in.at[b, pl.ds(soff + sg * SPH, SPH), :, :], idxv)

        def issue(t, rbuf, sem):
            si = t // WPB
            qw = t % WPB
            pltpu.async_copy(featT.at[idxv.at[si, qw]], rbuf, sem)

        def drain(rbuf, sem):
            pltpu.make_async_copy(featT.at[pl.ds(0, CHUNK), :], rbuf, sem).wait()

        def writeback(t, rbuf):
            si = t // WPB
            qw = t % WPB
            roff = ((b * KH + sg * SPH + si) * WPB + qw) * CHUNK
            pltpu.sync_copy(rbuf, gfeat_out.at[pl.ds(roff, CHUNK), :])

        issue(0, rows0, sem0)

        def ring(g, carry):
            t0 = 2 * g
            t1 = 2 * g + 1
            issue(t1, rows1, sem1)
            drain(rows0, sem0)
            writeback(t0, rows0)

            @pl.when(g < NSTRH // 2 - 1)
            def _():
                issue(t0 + 2, rows0, sem0)

            drain(rows1, sem1)
            writeback(t1, rows1)
            return carry

        lax.fori_loop(0, NSTRH // 2, ring, 0)

    return _gather_body


def _make_calls():
    mesh = plsc.VectorSubcoreMesh(core_axis_name="c", subcore_axis_name="s")
    cp = pltpu.CompilerParams(needs_layout_passes=False)
    scan_call = functools.partial(
        pl.kernel,
        out_type=(
            jax.ShapeDtypeStruct((B, 3, K, NQ), jnp.float32),
            jax.ShapeDtypeStruct((B, K, WPB, QPW), jnp.int32),
        ),
        mesh=mesh,
        compiler_params=cp,
        scratch_types=[
            pltpu.VMEM((N,), jnp.float32),
            pltpu.VMEM((N,), jnp.float32),
            pltpu.VMEM((N,), jnp.float32),
            pltpu.VMEM((QPW,), jnp.float32),
            pltpu.VMEM((QPW,), jnp.float32),
            pltpu.VMEM((QPW,), jnp.float32),
            pltpu.VMEM((256,), jnp.int32),
            pltpu.VMEM((K, 1, QPW), jnp.int32),
            pltpu.VMEM((K, QPW), jnp.float32),
            pltpu.VMEM((K, QPW), jnp.float32),
            pltpu.VMEM((K, QPW), jnp.float32),
        ],
    )(_scan_body)
    def gather_half(soff):
        return functools.partial(
            pl.kernel,
            out_type=jax.ShapeDtypeStruct((B * KH * NQ, C), jnp.float32),
            mesh=mesh,
            compiler_params=cp,
            scratch_types=[
                pltpu.VMEM((SPH, WPB, QPW), jnp.int32),
                pltpu.VMEM((CHUNK, C), jnp.float32),
                pltpu.VMEM((CHUNK, C), jnp.float32),
                pltpu.SemaphoreType.DMA,
                pltpu.SemaphoreType.DMA,
            ],
        )(_make_gather_body(soff))

    return scan_call, gather_half(0), gather_half(KH)


_scan_call, _gather_lo, _gather_hi = _make_calls()


SBLK = 8


def _assemble_body(gx_ref, gf_ref, o_ref):
    o_ref[0, 0:3, :] = gx_ref[0]
    for u in range(SBLK):
        o_ref[0, 3:3 + C, u * NQ:(u + 1) * NQ] = jnp.transpose(
            gf_ref[0, u], (1, 0))


def _assemble_lo(gxyz_sc, gfeat_h):
    return pl.pallas_call(
        _assemble_body,
        grid=(B, KH // SBLK),
        in_specs=[
            pl.BlockSpec((1, 3, SBLK * NQ), lambda b, s: (b, 0, s)),
            pl.BlockSpec((1, SBLK, NQ, C), lambda b, s: (b, s, 0, 0)),
        ],
        out_specs=pl.BlockSpec((1, 3 + C, SBLK * NQ), lambda b, s: (b, 0, s)),
        out_shape=jax.ShapeDtypeStruct((B, 3 + C, K * NQ), jnp.float32),
    )(gxyz_sc, gfeat_h)


def _assemble_hi_body(gx_ref, gf_ref, prev_ref, o_ref):
    del prev_ref
    _assemble_body(gx_ref, gf_ref, o_ref)


def _assemble_hi(gxyz_sc, gfeat_h, prev):
    hb = KH // SBLK
    return pl.pallas_call(
        _assemble_hi_body,
        grid=(B, KH // SBLK),
        in_specs=[
            pl.BlockSpec((1, 3, SBLK * NQ), lambda b, s: (b, 0, hb + s)),
            pl.BlockSpec((1, SBLK, NQ, C), lambda b, s: (b, s, 0, 0)),
            pl.BlockSpec(memory_space=pltpu.HBM),
        ],
        out_specs=pl.BlockSpec((1, 3 + C, SBLK * NQ), lambda b, s: (b, 0, hb + s)),
        out_shape=jax.ShapeDtypeStruct((B, 3 + C, K * NQ), jnp.float32),
        input_output_aliases={2: 0},
    )(gxyz_sc, gfeat_h, prev)


def _assemble(gxyz_sc, gf_lo, gf_hi):
    out = _assemble_lo(gxyz_sc, gf_lo)
    out = _assemble_hi(gxyz_sc, gf_hi, out)
    return jnp.transpose(out.reshape(B, 3 + C, K, NQ), (0, 1, 3, 2))


@jax.jit
def kernel(xyz, new_xyz, features):
    featT = _feat_transpose(features).reshape(B * N, C)
    xyzT = jnp.transpose(xyz, (0, 2, 1)).reshape(-1)
    newT = jnp.transpose(new_xyz, (0, 2, 1)).reshape(-1)
    gxyz_sc, idx = _scan_call(xyzT, newT)
    gf_lo = _gather_lo(featT, idx)
    gf_hi = _gather_hi(featT, idx)
    return _assemble(gxyz_sc.reshape(B, 3, K * NQ),
                     gf_lo.reshape(B, KH, NQ, C),
                     gf_hi.reshape(B, KH, NQ, C))

# --- scband reference (transcript-rebuilt; emitter-appended) ---
"""Pipeline reference for scband-query-and-group-14688788152829 (READ-ONLY COPY).

The authoritative reference and input builder live on the scoring server;
editing this copy changes nothing except your own understanding.
"""

import jax, jax.numpy as jnp
import numpy as np

RADIUS = 0.2
NSAMPLE = 32


def ball_query(radius, nsample, xyz, new_xyz):
    # xyz: (B, N, 3), new_xyz: (B, npoint, 3) -> idx: (B, npoint, nsample) int32
    N = xyz.shape[1]
    d2 = jnp.sum((new_xyz[:, :, None, :] - xyz[:, None, :, :]) ** 2, axis=-1)  # (B, npoint, N)
    mask = d2 <= (radius * radius)
    ids = jnp.broadcast_to(jnp.arange(N, dtype=jnp.int32), d2.shape)
    ids = jnp.where(mask, ids, jnp.int32(N))
    ids_sorted = jnp.sort(ids, axis=-1)[..., :nsample]
    first = ids_sorted[..., :1]
    first = jnp.where(first == N, jnp.int32(0), first)
    idx = jnp.where(ids_sorted == N, first, ids_sorted)
    return idx


def grouping_operation(features, idx):
    # features: (B, C, N), idx: (B, npoint, nsample) -> (B, C, npoint, nsample)
    B, C, N = features.shape
    _, npoint, nsample = idx.shape
    idx_flat = idx.reshape(B, 1, npoint * nsample)
    idx_b = jnp.broadcast_to(idx_flat, (B, C, npoint * nsample))
    gathered = jnp.take_along_axis(features, idx_b, axis=2)
    return gathered.reshape(B, C, npoint, nsample)


def setup_inputs(seed: int = 0) -> dict:
    key = jax.random.key(seed)
    k1, k2, k3 = jax.random.split(key, 3)
    xyz = jax.random.uniform(k1, (4, 8192, 3), dtype=jnp.float32)
    new_xyz = jax.random.uniform(k2, (4, 1024, 3), dtype=jnp.float32)
    features = jax.random.normal(k3, (4, 128, 8192), dtype=jnp.float32)
    return {"xyz": xyz, "new_xyz": new_xyz, "features": features}


def reference(xyz, new_xyz, features):
    idx = ball_query(RADIUS, NSAMPLE, xyz, new_xyz)  # (B, npoint, nsample)
    xyz_trans = jnp.transpose(xyz, (0, 2, 1))  # (B, 3, N)
    grouped_xyz = grouping_operation(xyz_trans, idx)  # (B, 3, npoint, nsample)
    grouped_xyz = grouped_xyz - jnp.transpose(new_xyz, (0, 2, 1))[..., None]
    grouped_features = grouping_operation(features, idx)  # (B, C, npoint, nsample)
    new_features = jnp.concatenate([grouped_xyz, grouped_features], axis=1)  # (B, 3+C, npoint, nsample)
    return new_features

if __name__ == "__main__":
    import jax
    _d = setup_inputs()
    print(jax.jit(kernel)(*tuple(_d.values())))

</pallas_src>

<mosaic_0001>
#map = affine_map<(d0, d1) -> (0, 0)>
#map1 = affine_map<(d0, d1) -> (0, 0, 0, 0)>
module attributes {stable_mosaic.version = 14 : i64} {
  func.func @_gather_body(%arg0: i32, %arg1: i32, %arg2: memref<32768x128xf32, #tpu.memory_space<hbm>>, %arg3: memref<4x32x8x128xi32, #tpu.memory_space<hbm>>, %arg4: memref<65536x128xf32, #tpu.memory_space<hbm>>, %arg5: memref<2x8x128xi32, #tpu.memory_space<vmem>>, %arg6: memref<128x128xf32, #tpu.memory_space<vmem>>, %arg7: memref<128x128xf32, #tpu.memory_space<vmem>>, %arg8: memref<!tpu.dma_semaphore, #tpu.memory_space<semaphore_mem>>, %arg9: memref<!tpu.dma_semaphore, #tpu.memory_space<semaphore_mem>>) attributes {dimension_semantics = [#tpu.dimension_semantics<core_parallel>, #tpu.dimension_semantics<subcore_parallel>], iteration_bounds = array<i64: 2, 16>, scalar_prefetch = 0 : i64, scratch_operands = 5 : i64, tpu.core_type = #tpu.core_type<sc_vector_subcore>, window_params = [{transform_indices = #map}, {transform_indices = #map1}, {transform_indices = #map}]} {
    %mul3A = arith.constant 16 : i32
    %mul3A_0 = arith.muli %arg0, %mul3A : i32
    %add3A = arith.addi %mul3A_0, %arg1 : i32
    %jit3A = arith.constant 8 : i32
    %div3A = arith.divsi %add3A, %jit3A : i32
    %sign3A = arith.constant 0 : i32
    %sign3A_1 = arith.cmpi sgt, %add3A, %sign3A : i32
    %sign3A_2 = arith.extui %sign3A_1 : i1 to i32
    %sign3A_3 = arith.constant 0 : i32
    %sign3A_4 = arith.cmpi slt, %add3A, %sign3A_3 : i32
    %sign3A_5 = arith.extui %sign3A_4 : i1 to i32
    %sign3A_6 = arith.subi %sign3A_2, %sign3A_5 : i32
    %sign3A_7 = arith.constant 0 : i32
    %sign3A_8 = arith.cmpi sgt, %jit3A, %sign3A_7 : i32
    %sign3A_9 = arith.extui %sign3A_8 : i1 to i32
    %sign3A_10 = arith.constant 0 : i32
    %sign3A_11 = arith.cmpi slt, %jit3A, %sign3A_10 : i32
    %sign3A_12 = arith.extui %sign3A_11 : i1 to i32
    %sign3A_13 = arith.subi %sign3A_9, %sign3A_12 : i32
    %ne3A = arith.cmpi ne, %sign3A_6, %sign3A_13 : i32
    %rem3A = arith.remsi %add3A, %jit3A : i32
    %ne3A_14 = arith.constant 0 : i32
    %ne3A_15 = arith.cmpi ne, %rem3A, %ne3A_14 : i32
    %and3A = arith.andi %ne3A, %ne3A_15 : i1
    %sub3A = arith.constant 1 : i32
    %sub3A_16 = arith.subi %div3A, %sub3A : i32
    %select_n3A = arith.select %and3A, %sub3A_16, %div3A : i32
    %jit3A_17 = arith.constant 8 : i32
    %eq3A = arith.constant 0 : i32
    %eq3A_18 = arith.cmpi eq, %jit3A_17, %eq3A : i32
    %jit3A_19 = arith.constant 1 : i32
    %select_n3A_20 = arith.select %eq3A_18, %jit3A_19, %jit3A_17 : i32
    %rem3A_21 = arith.remsi %add3A, %select_n3A_20 : i32
    %ne3A_22 = arith.constant 0 : i32
    %ne3A_23 = arith.cmpi ne, %rem3A_21, %ne3A_22 : i32
    %lt3A = arith.constant 0 : i32
    %lt3A_24 = arith.cmpi slt, %rem3A_21, %lt3A : i32
    %lt3A_25 = arith.constant 0 : i32
    %lt3A_26 = arith.cmpi slt, %select_n3A_20, %lt3A_25 : i32
    %ne3A_27 = arith.xori %lt3A_24, %lt3A_26 : i1
    %and3A_28 = arith.andi %ne3A_27, %ne3A_23 : i1
    %add3A_29 = arith.addi %rem3A_21, %select_n3A_20 : i32
    %select_n3A_30 = arith.select %and3A_28, %add3A_29, %rem3A_21 : i32
    %mul3A_31 = arith.constant 2 : i32
    %mul3A_32 = arith.muli %select_n3A_30, %mul3A_31 : i32
    %add3A_33 = arith.constant 0 : i32
    %add3A_34 = arith.addi %add3A_33, %mul3A_32 : i32
    "tpu.region"() ({
      %run_scoped3A = tpu.sem_alloc : memref<!tpu.dma_semaphore, #tpu.memory_space<semaphore_mem>>
      %dma_start3A_47 = arith.constant 0 : i32
      %dma_start3A_48 = arith.constant 0 : i32
      %dma_start3A_49 = tpu.memref_slice %arg3[%select_n3A, %add3A_34, %dma_start3A_47, %dma_start3A_48] : memref<4x32x8x128xi32, #tpu.memory_space<hbm>> -> memref<1x2x8x128xi32, #tpu.memory_space<hbm>>
      %dma_start3A_50 = tpu.memref_squeeze %dma_start3A_49 : memref<1x2x8x128xi32, #tpu.memory_space<hbm>> -> memref<2x8x128xi32, #tpu.memory_space<hbm>>
      %dma_start3A_51 = arith.constant 0 : i32
      %dma_start3A_52 = arith.constant 0 : i32
      %dma_start3A_53 = tpu.memref_slice %arg3[%select_n3A, %add3A_34, %dma_start3A_51, %dma_start3A_52] : memref<4x32x8x128xi32, #tpu.memory_space<hbm>> -> memref<1x2x8x128xi32, #tpu.memory_space<hbm>>
      %dma_start3A_54 = tpu.memref_squeeze %dma_start3A_53 : memref<1x2x8x128xi32, #tpu.memory_space<hbm>> -> memref<2x8x128xi32, #tpu.memory_space<hbm>>
      tpu.enqueue_dma source(%dma_start3A_54 : memref<2x8x128xi32, #tpu.memory_space<hbm>>) target(%arg5 : memref<2x8x128xi32, #tpu.memory_space<vmem>>) target_semaphore(%run_scoped3A : memref<!tpu.dma_semaphore, #tpu.memory_space<semaphore_mem>>)
      %dma_wait3A = arith.constant 0 : i32
      %dma_wait3A_55 = arith.constant 0 : i32
      %dma_wait3A_56 = tpu.memref_slice %arg3[%select_n3A, %add3A_34, %dma_wait3A, %dma_wait3A_55] : memref<4x32x8x128xi32, #tpu.memory_space<hbm>> -> memref<1x2x8x128xi32, #tpu.memory_space<hbm>>
      %dma_wait3A_57 = tpu.memref_squeeze %dma_wait3A_56 : memref<1x2x8x128xi32, #tpu.memory_space<hbm>> -> memref<2x8x128xi32, #tpu.memory_space<hbm>>
      %dma_wait3A_58 = arith.constant 0 : i32
      %dma_wait3A_59 = arith.constant 0 : i32
      %dma_wait3A_60 = tpu.memref_slice %arg3[%select_n3A, %add3A_34, %dma_wait3A_58, %dma_wait3A_59] : memref<4x32x8x128xi32, #tpu.memory_space<hbm>> -> memref<1x2x8x128xi32, #tpu.memory_space<hbm>>
      %dma_wait3A_61 = tpu.memref_squeeze %dma_wait3A_60 : memref<1x2x8x128xi32, #tpu.memory_space<hbm>> -> memref<2x8x128xi32, #tpu.memory_space<hbm>>
      tpu.wait_dma2 semaphore(%run_scoped3A : memref<!tpu.dma_semaphore, #tpu.memory_space<semaphore_mem>>) src(%dma_wait3A_61 : memref<2x8x128xi32, #tpu.memory_space<hbm>>) dst(%arg5 : memref<2x8x128xi32, #tpu.memory_space<vmem>>)
      tpu.yield
    }) : () -> ()
    %dma_start3A = arith.constant 0 : i32
    %dma_start3A_35 = arith.constant 0 : i32
    %dma_start3A_36 = arith.constant 0 : i32
    %dma_start3A_37 = tpu.memref_slice %arg5[%dma_start3A, %dma_start3A_35, %dma_start3A_36] : memref<2x8x128xi32, #tpu.memory_space<vmem>> -> memref<1x1x128xi32, #tpu.memory_space<vmem>>
    %dma_start3A_38 = tpu.memref_squeeze %dma_start3A_37 : memref<1x1x128xi32, #tpu.memory_space<vmem>> -> memref<128xi32, #tpu.memory_space<vmem>>
    %dma_start3A_39 = arith.constant 0 : i32
    %dma_start3A_40 = arith.constant 0 : i32
    %dma_start3A_41 = tpu.memref_slice %arg2[%dma_start3A_39, %dma_start3A_40] : memref<32768x128xf32, #tpu.memory_space<hbm>> -> memref<32768x128xf32, #tpu.memory_space<hbm>>
    tpu.enqueue_indirect_dma source(%dma_start3A_41 : memref<32768x128xf32, #tpu.memory_space<hbm>>) target(%arg6 : memref<128x128xf32, #tpu.memory_space<vmem>>) offsets(%dma_start3A_38 : memref<128xi32, #tpu.memory_space<vmem>>) semaphore(%arg8 : memref<!tpu.dma_semaphore, #tpu.memory_space<semaphore_mem>>)
    %scan3A = arith.constant 0 : i32
    %scan3A_42 = arith.constant 0 : i32
    %scan3A_43 = arith.constant 8 : i32
    %scan3A_44 = arith.addi %scan3A_42, %scan3A_43 : i32
    %scan3A_45 = arith.constant 1 : i32
    scf.for %scan3A_47 = %scan3A_42 to %scan3A_44 step %scan3A_45  : i32 {
      %mul3A_48 = arith.constant 2 : i32
      %mul3A_49 = arith.muli %mul3A_48, %scan3A_47 : i32
      %mul3A_50 = arith.constant 2 : i32
      %mul3A_51 = arith.muli %mul3A_50, %scan3A_47 : i32
      %add3A_52 = arith.constant 1 : i32
      %add3A_53 = arith.addi %mul3A_51, %add3A_52 : i32
      %jit3A_54 = arith.constant 8 : i32
      %div3A_55 = arith.divsi %add3A_53, %jit3A_54 : i32
      %sign3A_56 = arith.constant 0 : i32
      %sign3A_57 = arith.cmpi sgt, %add3A_53, %sign3A_56 : i32
      %sign3A_58 = arith.extui %sign3A_57 : i1 to i32
      %sign3A_59 = arith.constant 0 : i32
      %sign3A_60 = arith.cmpi slt, %add3A_53, %sign3A_59 : i32
      %sign3A_61 = arith.extui %sign3A_60 : i1 to i32
      %sign3A_62 = arith.subi %sign3A_58, %sign3A_61 : i32
      %sign3A_63 = arith.constant 0 : i32
      %sign3A_64 = arith.cmpi sgt, %jit3A_54, %sign3A_63 : i32
      %sign3A_65 = arith.extui %sign3A_64 : i1 to i32
      %sign3A_66 = arith.constant 0 : i32
      %sign3A_67 = arith.cmpi slt, %jit3A_54, %sign3A_66 : i32
      %sign3A_68 = arith.extui %sign3A_67 : i1 to i32
      %sign3A_69 = arith.subi %sign3A_65, %sign3A_68 : i32
      %ne3A_70 = arith.cmpi ne, %sign3A_62, %sign3A_69 : i32
      %rem3A_71 = arith.remsi %add3A_53, %jit3A_54 : i32
      %ne3A_72 = arith.constant 0 : i32
      %ne3A_73 = arith.cmpi ne, %rem3A_71, %ne3A_72 : i32
      %and3A_74 = arith.andi %ne3A_70, %ne3A_73 : i1
      %sub3A_75 = arith.constant 1 : i32
      %sub3A_76 = arith.subi %div3A_55, %sub3A_75 : i32
      %select_n3A_77 = arith.select %and3A_74, %sub3A_76, %div3A_55 : i32
      %jit3A_78 = arith.constant 8 : i32
      %eq3A_79 = arith.constant 0 : i32
      %eq3A_80 = arith.cmpi eq, %jit3A_78, %eq3A_79 : i32
      %jit3A_81 = arith.constant 1 : i32
      %select_n3A_82 = arith.select %eq3A_80, %jit3A_81, %jit3A_78 : i32
      %rem3A_83 = arith.remsi %add3A_53, %select_n3A_82 : i32
      %ne3A_84 = arith.constant 0 : i32
      %ne3A_85 = arith.cmpi ne, %rem3A_83, %ne3A_84 : i32
      %lt3A_86 = arith.constant 0 : i32
      %lt3A_87 = arith.cmpi slt, %rem3A_83, %lt3A_86 : i32
      %lt3A_88 = arith.constant 0 : i32
      %lt3A_89 = arith.cmpi slt, %select_n3A_82, %lt3A_88 : i32
      %ne3A_90 = arith.xori %lt3A_87, %lt3A_89 : i1
      %and3A_91 = arith.andi %ne3A_90, %ne3A_85 : i1
      %add3A_92 = arith.addi %rem3A_83, %select_n3A_82 : i32
      %select_n3A_93 = arith.select %and3A_91, %add3A_92, %rem3A_83 : i32
      %dma_start3A_94 = arith.constant 0 : i32
      %dma_start3A_95 = tpu.memref_slice %arg5[%select_n3A_77, %select_n3A_93, %dma_start3A_94] : memref<2x8x128xi32, #tpu.memory_space<vmem>> -> memref<1x1x128xi32, #tpu.memory_space<vmem>>
      %dma_start3A_96 = tpu.memref_squeeze %dma_start3A_95 : memref<1x1x128xi32, #tpu.memory_space<vmem>> -> memref<128xi32, #tpu.memory_space<vmem>>
      %dma_start3A_97 = arith.constant 0 : i32
      %dma_start3A_98 = arith.constant 0 : i32
      %dma_start3A_99 = tpu.memref_slice %arg2[%dma_start3A_97, %dma_start3A_98] : memref<32768x128xf32, #tpu.memory_space<hbm>> -> memref<32768x128xf32, #tpu.memory_space<hbm>>
      tpu.enqueue_indirect_dma source(%dma_start3A_99 : memref<32768x128xf32, #tpu.memory_space<hbm>>) target(%arg7 : memref<128x128xf32, #tpu.memory_space<vmem>>) offsets(%dma_start3A_96 : memref<128xi32, #tpu.memory_space<vmem>>) semaphore(%arg9 : memref<!tpu.dma_semaphore, #tpu.memory_space<semaphore_mem>>)
      %dma_wait3A = arith.constant 0 : i32
      %dma_wait3A_100 = arith.constant 0 : i32
      %dma_wait3A_101 = tpu.memref_slice %arg2[%dma_wait3A, %dma_wait3A_100] : memref<32768x128xf32, #tpu.memory_space<hbm>> -> memref<128x128xf32, #tpu.memory_space<hbm>>
      %dma_wait3A_102 = arith.constant 0 : i32
      %dma_wait3A_103 = arith.constant 0 : i32
      %dma_wait3A_104 = tpu.memref_slice %arg2[%dma_wait3A_102, %dma_wait3A_103] : memref<32768x128xf32, #tpu.memory_space<hbm>> -> memref<128x128xf32, #tpu.memory_space<hbm>>
      tpu.wait_dma2 semaphore(%arg8 : memref<!tpu.dma_semaphore, #tpu.memory_space<semaphore_mem>>) src(%dma_wait3A_104 : memref<128x128xf32, #tpu.memory_space<hbm>>) dst(%arg6 : memref<128x128xf32, #tpu.memory_space<vmem>>)
      %jit3A_105 = arith.constant 8 : i32
      %div3A_106 = arith.divsi %mul3A_49, %jit3A_105 : i32
      %sign3A_107 = arith.constant 0 : i32
      %sign3A_108 = arith.cmpi sgt, %mul3A_49, %sign3A_107 : i32
      %sign3A_109 = arith.extui %sign3A_108 : i1 to i32
      %sign3A_110 = arith.constant 0 : i32
      %sign3A_111 = arith.cmpi slt, %mul3A_49, %sign3A_110 : i32
      %sign3A_112 = arith.extui %sign3A_111 : i1 to i32
      %sign3A_113 = arith.subi %sign3A_109, %sign3A_112 : i32
      %sign3A_114 = arith.constant 0 : i32
      %sign3A_115 = arith.cmpi sgt, %jit3A_105, %sign3A_114 : i32
      %sign3A_116 = arith.extui %sign3A_115 : i1 to i32
      %sign3A_117 = arith.constant 0 : i32
      %sign3A_118 = arith.cmpi slt, %jit3A_105, %sign3A_117 : i32
      %sign3A_119 = arith.extui %sign3A_118 : i1 to i32
      %sign3A_120 = arith.subi %sign3A_116, %sign3A_119 : i32
      %ne3A_121 = arith.cmpi ne, %sign3A_113, %sign3A_120 : i32
      %rem3A_122 = arith.remsi %mul3A_49, %jit3A_105 : i32
      %ne3A_123 = arith.constant 0 : i32
      %ne3A_124 = arith.cmpi ne, %rem3A_122, %ne3A_123 : i32
      %and3A_125 = arith.andi %ne3A_121, %ne3A_124 : i1
      %sub3A_126 = arith.constant 1 : i32
      %sub3A_127 = arith.subi %div3A_106, %sub3A_126 : i32
      %select_n3A_128 = arith.select %and3A_125, %sub3A_127, %div3A_106 : i32
      %jit3A_129 = arith.constant 8 : i32
      %eq3A_130 = arith.constant 0 : i32
      %eq3A_131 = arith.cmpi eq, %jit3A_129, %eq3A_130 : i32
      %jit3A_132 = arith.constant 1 : i32
      %select_n3A_133 = arith.select %eq3A_131, %jit3A_132, %jit3A_129 : i32
      %rem3A_134 = arith.remsi %mul3A_49, %select_n3A_133 : i32
      %ne3A_135 = arith.constant 0 : i32
      %ne3A_136 = arith.cmpi ne, %rem3A_134, %ne3A_135 : i32
      %lt3A_137 = arith.constant 0 : i32
      %lt3A_138 = arith.cmpi slt, %rem3A_134, %lt3A_137 : i32
      %lt3A_139 = arith.constant 0 : i32
      %lt3A_140 = arith.cmpi slt, %select_n3A_133, %lt3A_139 : i32
      %ne3A_141 = arith.xori %lt3A_138, %lt3A_140 : i1
      %and3A_142 = arith.andi %ne3A_141, %ne3A_136 : i1
      %add3A_143 = arith.addi %rem3A_134, %select_n3A_133 : i32
      %select_n3A_144 = arith.select %and3A_142, %add3A_143, %rem3A_134 : i32
      %mul3A_145 = arith.constant 16 : i32
      %mul3A_146 = arith.muli %select_n3A, %mul3A_145 : i32
      %mul3A_147 = arith.constant 2 : i32
      %mul3A_148 = arith.muli %select_n3A_30, %mul3A_147 : i32
      %add3A_149 = arith.addi %mul3A_146, %mul3A_148 : i32
      %add3A_150 = arith.addi %add3A_149, %select_n3A_128 : i32
      %mul3A_151 = arith.constant 8 : i32
      %mul3A_152 = arith.muli %add3A_150, %mul3A_151 : i32
      %add3A_153 = arith.addi %mul3A_152, %select_n3A_144 : i32
      %mul3A_154 = arith.constant 128 : i32
      %mul3A_155 = arith.muli %add3A_153, %mul3A_154 : i32
      "tpu.region"() ({
        %run_scoped3A = tpu.sem_alloc : memref<!tpu.dma_semaphore, #tpu.memory_space<semaphore_mem>>
        %dma_start3A_216 = arith.constant 0 : i32
        %dma_start3A_217 = tpu.memref_slice %arg4[%mul3A_155, %dma_start3A_216] : memref<65536x128xf32, #tpu.memory_space<hbm>> -> memref<128x128xf32, #tpu.memory_space<hbm>>
        %dma_start3A_218 = arith.constant 0 : i32
        %dma_start3A_219 = tpu.memref_slice %arg4[%mul3A_155, %dma_start3A_218] : memref<65536x128xf32, #tpu.memory_space<hbm>> -> memref<128x128xf32, #tpu.memory_space<hbm>>
        tpu.enqueue_dma source(%arg6 : memref<128x128xf32, #tpu.memory_space<vmem>>) target(%dma_start3A_219 : memref<128x128xf32, #tpu.memory_space<hbm>>) target_semaphore(%run_scoped3A : memref<!tpu.dma_semaphore, #tpu.memory_space<semaphore_mem>>)
        %dma_wait3A_220 = arith.constant 0 : i32
        %dma_wait3A_221 = tpu.memref_slice %arg4[%mul3A_155, %dma_wait3A_220] : memref<65536x128xf32, #tpu.memory_space<hbm>> -> memref<128x128xf32, #tpu.memory_space<hbm>>
        %dma_wait3A_222 = arith.constant 0 : i32
        %dma_wait3A_223 = tpu.memref_slice %arg4[%mul3A_155, %dma_wait3A_222] : memref<65536x128xf32, #tpu.memory_space<hbm>> -> memref<128x128xf32, #tpu.memory_space<hbm>>
        tpu.wait_dma2 semaphore(%run_scoped3A : memref<!tpu.dma_semaphore, #tpu.memory_space<semaphore_mem>>) src(%arg6 : memref<128x128xf32, #tpu.memory_space<vmem>>) dst(%dma_wait3A_223 : memref<128x128xf32, #tpu.memory_space<hbm>>)
        tpu.yield
      }) : () -> ()
      %lt3A_156 = arith.constant 7 : i32
      %lt3A_157 = arith.cmpi slt, %scan3A_47, %lt3A_156 : i32
      %convert_element_type3A = arith.extui %lt3A_157 : i1 to i32
      %cond3A = arith.constant 0 : i32
      %cond3A_158 = arith.cmpi ne, %convert_element_type3A, %cond3A : i32
      scf.if %cond3A_158 {
        %add3A_216 = arith.constant 2 : i32
        %add3A_217 = arith.addi %mul3A_49, %add3A_216 : i32
        %jit3A_218 = arith.constant 8 : i32
        %div3A_219 = arith.divsi %add3A_217, %jit3A_218 : i32
        %sign3A_220 = arith.constant 0 : i32
        %sign3A_221 = arith.cmpi sgt, %add3A_217, %sign3A_220 : i32
        %sign3A_222 = arith.extui %sign3A_221 : i1 to i32
        %sign3A_223 = arith.constant 0 : i32
        %sign3A_224 = arith.cmpi slt, %add3A_217, %sign3A_223 : i32
        %sign3A_225 = arith.extui %sign3A_224 : i1 to i32
        %sign3A_226 = arith.subi %sign3A_222, %sign3A_225 : i32
        %sign3A_227 = arith.constant 0 : i32
        %sign3A_228 = arith.cmpi sgt, %jit3A_218, %sign3A_227 : i32
        %sign3A_229 = arith.extui %sign3A_228 : i1 to i32
        %sign3A_230 = arith.constant 0 : i32
        %sign3A_231 = arith.cmpi slt, %jit3A_218, %sign3A_230 : i32
        %sign3A_232 = arith.extui %sign3A_231 : i1 to i32
        %sign3A_233 = arith.subi %sign3A_229, %sign3A_232 : i32
        %ne3A_234 = arith.cmpi ne, %sign3A_226, %sign3A_233 : i32
        %rem3A_235 = arith.remsi %add3A_217, %jit3A_218 : i32
        %ne3A_236 = arith.constant 0 : i32
        %ne3A_237 = arith.cmpi ne, %rem3A_235, %ne3A_236 : i32
        %and3A_238 = arith.andi %ne3A_234, %ne3A_237 : i1
        %sub3A_239 = arith.constant 1 : i32
        %sub3A_240 = arith.subi %div3A_219, %sub3A_239 : i32
        %select_n3A_241 = arith.select %and3A_238, %sub3A_240, %div3A_219 : i32
        %jit3A_242 = arith.constant 8 : i32
        %eq3A_243 = arith.constant 0 : i32
        %eq3A_244 = arith.cmpi eq, %jit3A_242, %eq3A_243 : i32
        %jit3A_245 = arith.constant 1 : i32
        %select_n3A_246 = arith.select %eq3A_244, %jit3A_245, %jit3A_242 : i32
        %rem3A_247 = arith.remsi %add3A_217, %select_n3A_246 : i32
        %ne3A_248 = arith.constant 0 : i32
        %ne3A_249 = arith.cmpi ne, %rem3A_247, %ne3A_248 : i32
        %lt3A_250 = arith.constant 0 : i32
        %lt3A_251 = arith.cmpi slt, %rem3A_247, %lt3A_250 : i32
        %lt3A_252 = arith.constant 0 : i32
        %lt3A_253 = arith.cmpi slt, %select_n3A_246, %lt3A_252 : i32
        %ne3A_254 = arith.xori %lt3A_251, %lt3A_253 : i1
        %and3A_255 = arith.andi %ne3A_254, %ne3A_249 : i1
        %add3A_256 = arith.addi %rem3A_247, %select_n3A_246 : i32
        %select_n3A_257 = arith.select %and3A_255, %add3A_256, %rem3A_247 : i32
        %dma_start3A_258 = arith.constant 0 : i32
        %dma_start3A_259 = tpu.memref_slice %arg5[%select_n3A_241, %select_n3A_257, %dma_start3A_258] : memref<2x8x128xi32, #tpu.memory_space<vmem>> -> memref<1x1x128xi32, #tpu.memory_space<vmem>>
        %dma_start3A_260 = tpu.memref_squeeze %dma_start3A_259 : memref<1x1x128xi32, #tpu.memory_space<vmem>> -> memref<128xi32, #tpu.memory_space<vmem>>
        %dma_start3A_261 = arith.constant 0 : i32
        %dma_start3A_262 = arith.constant 0 : i32
        %dma_start3A_263 = tpu.memref_slice %arg2[%dma_start3A_261, %dma_start3A_262] : memref<32768x128xf32, #tpu.memory_space<hbm>> -> memref<32768x128xf32, #tpu.memory_space<hbm>>
        tpu.enqueue_indirect_dma source(%dma_start3A_263 : memref<32768x128xf32, #tpu.memory_space<hbm>>) target(%arg6 : memref<128x128xf32, #tpu.memory_space<vmem>>) offsets(%dma_start3A_260 : memref<128xi32, #tpu.memory_space<vmem>>) semaphore(%arg8 : memref<!tpu.dma_semaphore, #tpu.memory_space<semaphore_mem>>)
      } else {
      }
      %dma_wait3A_159 = arith.constant 0 : i32
      %dma_wait3A_160 = arith.constant 0 : i32
      %dma_wait3A_161 = tpu.memref_slice %arg2[%dma_wait3A_159, %dma_wait3A_160] : memref<32768x128xf32, #tpu.memory_space<hbm>> -> memref<128x128xf32, #tpu.memory_space<hbm>>
      %dma_wait3A_162 = arith.constant 0 : i32
      %dma_wait3A_163 = arith.constant 0 : i32
      %dma_wait3A_164 = tpu.memref_slice %arg2[%dma_wait3A_162, %dma_wait3A_163] : memref<32768x128xf32, #tpu.memory_space<hbm>> -> memref<128x128xf32, #tpu.memory_space<hbm>>
      tpu.wait_dma2 semaphore(%arg9 : memref<!tpu.dma_semaphore, #tpu.memory_space<semaphore_mem>>) src(%dma_wait3A_164 : memref<128x128xf32, #tpu.memory_space<hbm>>) dst(%arg7 : memref<128x128xf32, #tpu.memory_space<vmem>>)
      %jit3A_165 = arith.constant 8 : i32
      %div3A_166 = arith.divsi %add3A_53, %jit3A_165 : i32
      %sign3A_167 = arith.constant 0 : i32
      %sign3A_168 = arith.cmpi sgt, %add3A_53, %sign3A_167 : i32
      %sign3A_169 = arith.extui %sign3A_168 : i1 to i32
      %sign3A_170 = arith.constant 0 : i32
      %sign3A_171 = arith.cmpi slt, %add3A_53, %sign3A_170 : i32
      %sign3A_172 = arith.extui %sign3A_171 : i1 to i32
      %sign3A_173 = arith.subi %sign3A_169, %sign3A_172 : i32
      %sign3A_174 = arith.constant 0 : i32
      %sign3A_175 = arith.cmpi sgt, %jit3A_165, %sign3A_174 : i32
      %sign3A_176 = arith.extui %sign3A_175 : i1 to i32
      %sign3A_177 = arith.constant 0 : i32
      %sign3A_178 = arith.cmpi slt, %jit3A_165, %sign3A_177 : i32
      %sign3A_179 = arith.extui %sign3A_178 : i1 to i32
      %sign3A_180 = arith.subi %sign3A_176, %sign3A_179 : i32
      %ne3A_181 = arith.cmpi ne, %sign3A_173, %sign3A_180 : i32
      %rem3A_182 = arith.remsi %add3A_53, %jit3A_165 : i32
      %ne3A_183 = arith.constant 0 : i32
      %ne3A_184 = arith.cmpi ne, %rem3A_182, %ne3A_183 : i32
      %and3A_185 = arith.andi %ne3A_181, %ne3A_184 : i1
      %sub3A_186 = arith.constant 1 : i32
      %sub3A_187 = arith.subi %div3A_166, %sub3A_186 : i32
      %select_n3A_188 = arith.select %and3A_185, %sub3A_187, %div3A_166 : i32
      %jit3A_189 = arith.constant 8 : i32
      %eq3A_190 = arith.constant 0 : i32
      %eq3A_191 = arith.cmpi eq, %jit3A_189, %eq3A_190 : i32
      %jit3A_192 = arith.constant 1 : i32
      %select_n3A_193 = arith.select %eq3A_191, %jit3A_192, %jit3A_189 : i32
      %rem3A_194 = arith.remsi %add3A_53, %select_n3A_193 : i32
      %ne3A_195 = arith.constant 0 : i32
      %ne3A_196 = arith.cmpi ne, %rem3A_194, %ne3A_195 : i32
      %lt3A_197 = arith.constant 0 : i32
      %lt3A_198 = arith.cmpi slt, %rem3A_194, %lt3A_197 : i32
      %lt3A_199 = arith.constant 0 : i32
      %lt3A_200 = arith.cmpi slt, %select_n3A_193, %lt3A_199 : i32
      %ne3A_201 = arith.xori %lt3A_198, %lt3A_200 : i1
      %and3A_202 = arith.andi %ne3A_201, %ne3A_196 : i1
      %add3A_203 = arith.addi %rem3A_194, %select_n3A_193 : i32
      %select_n3A_204 = arith.select %and3A_202, %add3A_203, %rem3A_194 : i32
      %mul3A_205 = arith.constant 16 : i32
      %mul3A_206 = arith.muli %select_n3A, %mul3A_205 : i32
      %mul3A_207 = arith.constant 2 : i32
      %mul3A_208 = arith.muli %select_n3A_30, %mul3A_207 : i32
      %add3A_209 = arith.addi %mul3A_206, %mul3A_208 : i32
      %add3A_210 = arith.addi %add3A_209, %select_n3A_188 : i32
      %mul3A_211 = arith.constant 8 : i32
      %mul3A_212 = arith.muli %add3A_210, %mul3A_211 : i32
      %add3A_213 = arith.addi %mul3A_212, %select_n3A_204 : i32
      %mul3A_214 = arith.constant 128 : i32
      %mul3A_215 = arith.muli %add3A_213, %mul3A_214 : i32
      "tpu.region"() ({
        %run_scoped3A = tpu.sem_alloc : memref<!tpu.dma_semaphore, #tpu.memory_space<semaphore_mem>>
        %dma_start3A_216 = arith.constant 0 : i32
        %dma_start3A_217 = tpu.memref_slice %arg4[%mul3A_215, %dma_start3A_216] : memref<65536x128xf32, #tpu.memory_space<hbm>> -> memref<128x128xf32, #tpu.memory_space<hbm>>
        %dma_start3A_218 = arith.constant 0 : i32
        %dma_start3A_219 = tpu.memref_slice %arg4[%mul3A_215, %dma_start3A_218] : memref<65536x128xf32, #tpu.memory_space<hbm>> -> memref<128x128xf32, #tpu.memory_space<hbm>>
        tpu.enqueue_dma source(%arg7 : memref<128x128xf32, #tpu.memory_space<vmem>>) target(%dma_start3A_219 : memref<128x128xf32, #tpu.memory_space<hbm>>) target_semaphore(%run_scoped3A : memref<!tpu.dma_semaphore, #tpu.memory_space<semaphore_mem>>)
        %dma_wait3A_220 = arith.constant 0 : i32
        %dma_wait3A_221 = tpu.memref_slice %arg4[%mul3A_215, %dma_wait3A_220] : memref<65536x128xf32, #tpu.memory_space<hbm>> -> memref<128x128xf32, #tpu.memory_space<hbm>>
        %dma_wait3A_222 = arith.constant 0 : i32
        %dma_wait3A_223 = tpu.memref_slice %arg4[%mul3A_215, %dma_wait3A_222] : memref<65536x128xf32, #tpu.memory_space<hbm>> -> memref<128x128xf32, #tpu.memory_space<hbm>>
        tpu.wait_dma2 semaphore(%run_scoped3A : memref<!tpu.dma_semaphore, #tpu.memory_space<semaphore_mem>>) src(%arg7 : memref<128x128xf32, #tpu.memory_space<vmem>>) dst(%dma_wait3A_223 : memref<128x128xf32, #tpu.memory_space<hbm>>)
        tpu.yield
      }) : () -> ()
    }
    %scan3A_46 = arith.constant 8 : i32
    return
  }
}

#map = affine_map<(d0, d1) -> (0, 0)>
#map1 = affine_map<(d0, d1) -> (0, 0, 0, 0)>
module attributes {stable_mosaic.version = 14 : i64} {
  func.func @_gather_body(%arg0: i32, %arg1: i32, %arg2: memref<32768x128xf32, #tpu.memory_space<hbm>>, %arg3: memref<4x32x8x128xi32, #tpu.memory_space<hbm>>, %arg4: memref<65536x128xf32, #tpu.memory_space<hbm>>, %arg5: memref<2x8x128xi32, #tpu.memory_space<vmem>>, %arg6: memref<128x128xf32, #tpu.memory_space<vmem>>, %arg7: memref<128x128xf32, #tpu.memory_space<vmem>>, %arg8: memref<!tpu.dma_semaphore, #tpu.memory_space<semaphore_mem>>, %arg9: memref<!tpu.dma_semaphore, #tpu.memory_space<semaphore_mem>>) attributes {dimension_semantics = [#tpu.dimension_semantics<core_parallel>, #tpu.dimension_semantics<subcore_parallel>], iteration_bounds = array<i64: 2, 16>, scalar_prefetch = 0 : i64, scratch_operands = 5 : i64, tpu.core_type = #tpu.core_type<sc_vector_subcore>, window_params = [{transform_indices = #map}, {transform_indices = #map1}, {transform_indices = #map}]} {
    %mul3A = arith.constant 16 : i32
    %mul3A_0 = arith.muli %arg0, %mul3A : i32
    %add3A = arith.addi %mul3A_0, %arg1 : i32
    %jit3A = arith.constant 8 : i32
    %div3A = arith.divsi %add3A, %jit3A : i32
    %sign3A = arith.constant 0 : i32
    %sign3A_1 = arith.cmpi sgt, %add3A, %sign3A : i32
    %sign3A_2 = arith.extui %sign3A_1 : i1 to i32
    %sign3A_3 = arith.constant 0 : i32
    %sign3A_4 = arith.cmpi slt, %add3A, %sign3A_3 : i32
    %sign3A_5 = arith.extui %sign3A_4 : i1 to i32
    %sign3A_6 = arith.subi %sign3A_2, %sign3A_5 : i32
    %sign3A_7 = arith.constant 0 : i32
    %sign3A_8 = arith.cmpi sgt, %jit3A, %sign3A_7 : i32
    %sign3A_9 = arith.extui %sign3A_8 : i1 to i32
    %sign3A_10 = arith.constant 0 : i32
    %sign3A_11 = arith.cmpi slt, %jit3A, %sign3A_10 : i32
    %sign3A_12 = arith.extui %sign3A_11 : i1 to i32
    %sign3A_13 = arith.subi %sign3A_9, %sign3A_12 : i32
    %ne3A = arith.cmpi ne, %sign3A_6, %sign3A_13 : i32
    %rem3A = arith.remsi %add3A, %jit3A : i32
    %ne3A_14 = arith.constant 0 : i32
    %ne3A_15 = arith.cmpi ne, %rem3A, %ne3A_14 : i32
    %and3A = arith.andi %ne3A, %ne3A_15 : i1
    %sub3A = arith.constant 1 : i32
    %sub3A_16 = arith.subi %div3A, %sub3A : i32
    %select_n3A = arith.select %and3A, %sub3A_16, %div3A : i32
    %jit3A_17 = arith.constant 8 : i32
    %eq3A = arith.constant 0 : i32
    %eq3A_18 = arith.cmpi eq, %jit3A_17, %eq3A : i32
    %jit3A_19 = arith.constant 1 : i32
    %select_n3A_20 = arith.select %eq3A_18, %jit3A_19, %jit3A_17 : i32
    %rem3A_21 = arith.remsi %add3A, %select_n3A_20 : i32
    %ne3A_22 = arith.constant 0 : i32
    %ne3A_23 = arith.cmpi ne, %rem3A_21, %ne3A_22 : i32
    %lt3A = arith.constant 0 : i32
    %lt3A_24 = arith.cmpi slt, %rem3A_21, %lt3A : i32
    %lt3A_25 = arith.constant 0 : i32
    %lt3A_26 = arith.cmpi slt, %select_n3A_20, %lt3A_25 : i32
    %ne3A_27 = arith.xori %lt3A_24, %lt3A_26 : i1
    %and3A_28 = arith.andi %ne3A_27, %ne3A_23 : i1
    %add3A_29 = arith.addi %rem3A_21, %select_n3A_20 : i32
    %select_n3A_30 = arith.select %and3A_28, %add3A_29, %rem3A_21 : i32
    %mul3A_31 = arith.constant 2 : i32
    %mul3A_32 = arith.muli %select_n3A_30, %mul3A_31 : i32
    %add3A_33 = arith.constant 16 : i32
    %add3A_34 = arith.addi %add3A_33, %mul3A_32 : i32
    "tpu.region"() ({
      %run_scoped3A = tpu.sem_alloc : memref<!tpu.dma_semaphore, #tpu.memory_space<semaphore_mem>>
      %dma_start3A_47 = arith.constant 0 : i32
      %dma_start3A_48 = arith.constant 0 : i32
      %dma_start3A_49 = tpu.memref_slice %arg3[%select_n3A, %add3A_34, %dma_start3A_47, %dma_start3A_48] : memref<4x32x8x128xi32, #tpu.memory_space<hbm>> -> memref<1x2x8x128xi32, #tpu.memory_space<hbm>>
      %dma_start3A_50 = tpu.memref_squeeze %dma_start3A_49 : memref<1x2x8x128xi32, #tpu.memory_space<hbm>> -> memref<2x8x128xi32, #tpu.memory_space<hbm>>
      %dma_start3A_51 = arith.constant 0 : i32
      %dma_start3A_52 = arith.constant 0 : i32
      %dma_start3A_53 = tpu.memref_slice %arg3[%select_n3A, %add3A_34, %dma_start3A_51, %dma_start3A_52] : memref<4x32x8x128xi32, #tpu.memory_space<hbm>> -> memref<1x2x8x128xi32, #tpu.memory_space<hbm>>
      %dma_start3A_54 = tpu.memref_squeeze %dma_start3A_53 : memref<1x2x8x128xi32, #tpu.memory_space<hbm>> -> memref<2x8x128xi32, #tpu.memory_space<hbm>>
      tpu.enqueue_dma source(%dma_start3A_54 : memref<2x8x128xi32, #tpu.memory_space<hbm>>) target(%arg5 : memref<2x8x128xi32, #tpu.memory_space<vmem>>) target_semaphore(%run_scoped3A : memref<!tpu.dma_semaphore, #tpu.memory_space<semaphore_mem>>)
      %dma_wait3A = arith.constant 0 : i32
      %dma_wait3A_55 = arith.constant 0 : i32
      %dma_wait3A_56 = tpu.memref_slice %arg3[%select_n3A, %add3A_34, %dma_wait3A, %dma_wait3A_55] : memref<4x32x8x128xi32, #tpu.memory_space<hbm>> -> memref<1x2x8x128xi32, #tpu.memory_space<hbm>>
      %dma_wait3A_57 = tpu.memref_squeeze %dma_wait3A_56 : memref<1x2x8x128xi32, #tpu.memory_space<hbm>> -> memref<2x8x128xi32, #tpu.memory_space<hbm>>
      %dma_wait3A_58 = arith.constant 0 : i32
      %dma_wait3A_59 = arith.constant 0 : i32
      %dma_wait3A_60 = tpu.memref_slice %arg3[%select_n3A, %add3A_34, %dma_wait3A_58, %dma_wait3A_59] : memref<4x32x8x128xi32, #tpu.memory_space<hbm>> -> memref<1x2x8x128xi32, #tpu.memory_space<hbm>>
      %dma_wait3A_61 = tpu.memref_squeeze %dma_wait3A_60 : memref<1x2x8x128xi32, #tpu.memory_space<hbm>> -> memref<2x8x128xi32, #tpu.memory_space<hbm>>
      tpu.wait_dma2 semaphore(%run_scoped3A : memref<!tpu.dma_semaphore, #tpu.memory_space<semaphore_mem>>) src(%dma_wait3A_61 : memref<2x8x128xi32, #tpu.memory_space<hbm>>) dst(%arg5 : memref<2x8x128xi32, #tpu.memory_space<vmem>>)
      tpu.yield
    }) : () -> ()
    %dma_start3A = arith.constant 0 : i32
    %dma_start3A_35 = arith.constant 0 : i32
    %dma_start3A_36 = arith.constant 0 : i32
    %dma_start3A_37 = tpu.memref_slice %arg5[%dma_start3A, %dma_start3A_35, %dma_start3A_36] : memref<2x8x128xi32, #tpu.memory_space<vmem>> -> memref<1x1x128xi32, #tpu.memory_space<vmem>>
    %dma_start3A_38 = tpu.memref_squeeze %dma_start3A_37 : memref<1x1x128xi32, #tpu.memory_space<vmem>> -> memref<128xi32, #tpu.memory_space<vmem>>
    %dma_start3A_39 = arith.constant 0 : i32
    %dma_start3A_40 = arith.constant 0 : i32
    %dma_start3A_41 = tpu.memref_slice %arg2[%dma_start3A_39, %dma_start3A_40] : memref<32768x128xf32, #tpu.memory_space<hbm>> -> memref<32768x128xf32, #tpu.memory_space<hbm>>
    tpu.enqueue_indirect_dma source(%dma_start3A_41 : memref<32768x128xf32, #tpu.memory_space<hbm>>) target(%arg6 : memref<128x128xf32, #tpu.memory_space<vmem>>) offsets(%dma_start3A_38 : memref<128xi32, #tpu.memory_space<vmem>>) semaphore(%arg8 : memref<!tpu.dma_semaphore, #tpu.memory_space<semaphore_mem>>)
    %scan3A = arith.constant 0 : i32
    %scan3A_42 = arith.constant 0 : i32
    %scan3A_43 = arith.constant 8 : i32
    %scan3A_44 = arith.addi %scan3A_42, %scan3A_43 : i32
    %scan3A_45 = arith.constant 1 : i32
    scf.for %scan3A_47 = %scan3A_42 to %scan3A_44 step %scan3A_45  : i32 {
      %mul3A_48 = arith.constant 2 : i32
      %mul3A_49 = arith.muli %mul3A_48, %scan3A_47 : i32
      %mul3A_50 = arith.constant 2 : i32
      %mul3A_51 = arith.muli %mul3A_50, %scan3A_47 : i32
      %add3A_52 = arith.constant 1 : i32
      %add3A_53 = arith.addi %mul3A_51, %add3A_52 : i32
      %jit3A_54 = arith.constant 8 : i32
      %div3A_55 = arith.divsi %add3A_53, %jit3A_54 : i32
      %sign3A_56 = arith.constant 0 : i32
      %sign3A_57 = arith.cmpi sgt, %add3A_53, %sign3A_56 : i32
      %sign3A_58 = arith.extui %sign3A_57 : i1 to i32
      %sign3A_59 = arith.constant 0 : i32
      %sign3A_60 = arith.cmpi slt, %add3A_53, %sign3A_59 : i32
      %sign3A_61 = arith.extui %sign3A_60 : i1 to i32
      %sign3A_62 = arith.subi %sign3A_58, %sign3A_61 : i32
      %sign3A_63 = arith.constant 0 : i32
      %sign3A_64 = arith.cmpi sgt, %jit3A_54, %sign3A_63 : i32
      %sign3A_65 = arith.extui %sign3A_64 : i1 to i32
      %sign3A_66 = arith.constant 0 : i32
      %sign3A_67 = arith.cmpi slt, %jit3A_54, %sign3A_66 : i32
      %sign3A_68 = arith.extui %sign3A_67 : i1 to i32
      %sign3A_69 = arith.subi %sign3A_65, %sign3A_68 : i32
      %ne3A_70 = arith.cmpi ne, %sign3A_62, %sign3A_69 : i32
      %rem3A_71 = arith.remsi %add3A_53, %jit3A_54 : i32
      %ne3A_72 = arith.constant 0 : i32
      %ne3A_73 = arith.cmpi ne, %rem3A_71, %ne3A_72 : i32
      %and3A_74 = arith.andi %ne3A_70, %ne3A_73 : i1
      %sub3A_75 = arith.constant 1 : i32
      %sub3A_76 = arith.subi %div3A_55, %sub3A_75 : i32
      %select_n3A_77 = arith.select %and3A_74, %sub3A_76, %div3A_55 : i32
      %jit3A_78 = arith.constant 8 : i32
      %eq3A_79 = arith.constant 0 : i32
      %eq3A_80 = arith.cmpi eq, %jit3A_78, %eq3A_79 : i32
      %jit3A_81 = arith.constant 1 : i32
      %select_n3A_82 = arith.select %eq3A_80, %jit3A_81, %jit3A_78 : i32
      %rem3A_83 = arith.remsi %add3A_53, %select_n3A_82 : i32
      %ne3A_84 = arith.constant 0 : i32
      %ne3A_85 = arith.cmpi ne, %rem3A_83, %ne3A_84 : i32
      %lt3A_86 = arith.constant 0 : i32
      %lt3A_87 = arith.cmpi slt, %rem3A_83, %lt3A_86 : i32
      %lt3A_88 = arith.constant 0 : i32
      %lt3A_89 = arith.cmpi slt, %select_n3A_82, %lt3A_88 : i32
      %ne3A_90 = arith.xori %lt3A_87, %lt3A_89 : i1
      %and3A_91 = arith.andi %ne3A_90, %ne3A_85 : i1
      %add3A_92 = arith.addi %rem3A_83, %select_n3A_82 : i32
      %select_n3A_93 = arith.select %and3A_91, %add3A_92, %rem3A_83 : i32
      %dma_start3A_94 = arith.constant 0 : i32
      %dma_start3A_95 = tpu.memref_slice %arg5[%select_n3A_77, %select_n3A_93, %dma_start3A_94] : memref<2x8x128xi32, #tpu.memory_space<vmem>> -> memref<1x1x128xi32, #tpu.memory_space<vmem>>
      %dma_start3A_96 = tpu.memref_squeeze %dma_start3A_95 : memref<1x1x128xi32, #tpu.memory_space<vmem>> -> memref<128xi32, #tpu.memory_space<vmem>>
      %dma_start3A_97 = arith.constant 0 : i32
      %dma_start3A_98 = arith.constant 0 : i32
      %dma_start3A_99 = tpu.memref_slice %arg2[%dma_start3A_97, %dma_start3A_98] : memref<32768x128xf32, #tpu.memory_space<hbm>> -> memref<32768x128xf32, #tpu.memory_space<hbm>>
      tpu.enqueue_indirect_dma source(%dma_start3A_99 : memref<32768x128xf32, #tpu.memory_space<hbm>>) target(%arg7 : memref<128x128xf32, #tpu.memory_space<vmem>>) offsets(%dma_start3A_96 : memref<128xi32, #tpu.memory_space<vmem>>) semaphore(%arg9 : memref<!tpu.dma_semaphore, #tpu.memory_space<semaphore_mem>>)
      %dma_wait3A = arith.constant 0 : i32
      %dma_wait3A_100 = arith.constant 0 : i32
      %dma_wait3A_101 = tpu.memref_slice %arg2[%dma_wait3A, %dma_wait3A_100] : memref<32768x128xf32, #tpu.memory_space<hbm>> -> memref<128x128xf32, #tpu.memory_space<hbm>>
      %dma_wait3A_102 = arith.constant 0 : i32
      %dma_wait3A_103 = arith.constant 0 : i32
      %dma_wait3A_104 = tpu.memref_slice %arg2[%dma_wait3A_102, %dma_wait3A_103] : memref<32768x128xf32, #tpu.memory_space<hbm>> -> memref<128x128xf32, #tpu.memory_space<hbm>>
      tpu.wait_dma2 semaphore(%arg8 : memref<!tpu.dma_semaphore, #tpu.memory_space<semaphore_mem>>) src(%dma_wait3A_104 : memref<128x128xf32, #tpu.memory_space<hbm>>) dst(%arg6 : memref<128x128xf32, #tpu.memory_space<vmem>>)
      %jit3A_105 = arith.constant 8 : i32
      %div3A_106 = arith.divsi %mul3A_49, %jit3A_105 : i32
      %sign3A_107 = arith.constant 0 : i32
      %sign3A_108 = arith.cmpi sgt, %mul3A_49, %sign3A_107 : i32
      %sign3A_109 = arith.extui %sign3A_108 : i1 to i32
      %sign3A_110 = arith.constant 0 : i32
      %sign3A_111 = arith.cmpi slt, %mul3A_49, %sign3A_110 : i32
      %sign3A_112 = arith.extui %sign3A_111 : i1 to i32
      %sign3A_113 = arith.subi %sign3A_109, %sign3A_112 : i32
      %sign3A_114 = arith.constant 0 : i32
      %sign3A_115 = arith.cmpi sgt, %jit3A_105, %sign3A_114 : i32
      %sign3A_116 = arith.extui %sign3A_115 : i1 to i32
      %sign3A_117 = arith.constant 0 : i32
      %sign3A_118 = arith.cmpi slt, %jit3A_105, %sign3A_117 : i32
      %sign3A_119 = arith.extui %sign3A_118 : i1 to i32
      %sign3A_120 = arith.subi %sign3A_116, %sign3A_119 : i32
      %ne3A_121 = arith.cmpi ne, %sign3A_113, %sign3A_120 : i32
      %rem3A_122 = arith.remsi %mul3A_49, %jit3A_105 : i32
      %ne3A_123 = arith.constant 0 : i32
      %ne3A_124 = arith.cmpi ne, %rem3A_122, %ne3A_123 : i32
      %and3A_125 = arith.andi %ne3A_121, %ne3A_124 : i1
      %sub3A_126 = arith.constant 1 : i32
      %sub3A_127 = arith.subi %div3A_106, %sub3A_126 : i32
      %select_n3A_128 = arith.select %and3A_125, %sub3A_127, %div3A_106 : i32
      %jit3A_129 = arith.constant 8 : i32
      %eq3A_130 = arith.constant 0 : i32
      %eq3A_131 = arith.cmpi eq, %jit3A_129, %eq3A_130 : i32
      %jit3A_132 = arith.constant 1 : i32
      %select_n3A_133 = arith.select %eq3A_131, %jit3A_132, %jit3A_129 : i32
      %rem3A_134 = arith.remsi %mul3A_49, %select_n3A_133 : i32
      %ne3A_135 = arith.constant 0 : i32
      %ne3A_136 = arith.cmpi ne, %rem3A_134, %ne3A_135 : i32
      %lt3A_137 = arith.constant 0 : i32
      %lt3A_138 = arith.cmpi slt, %rem3A_134, %lt3A_137 : i32
      %lt3A_139 = arith.constant 0 : i32
      %lt3A_140 = arith.cmpi slt, %select_n3A_133, %lt3A_139 : i32
      %ne3A_141 = arith.xori %lt3A_138, %lt3A_140 : i1
      %and3A_142 = arith.andi %ne3A_141, %ne3A_136 : i1
      %add3A_143 = arith.addi %rem3A_134, %select_n3A_133 : i32
      %select_n3A_144 = arith.select %and3A_142, %add3A_143, %rem3A_134 : i32
      %mul3A_145 = arith.constant 16 : i32
      %mul3A_146 = arith.muli %select_n3A, %mul3A_145 : i32
      %mul3A_147 = arith.constant 2 : i32
      %mul3A_148 = arith.muli %select_n3A_30, %mul3A_147 : i32
      %add3A_149 = arith.addi %mul3A_146, %mul3A_148 : i32
      %add3A_150 = arith.addi %add3A_149, %select_n3A_128 : i32
      %mul3A_151 = arith.constant 8 : i32
      %mul3A_152 = arith.muli %add3A_150, %mul3A_151 : i32
      %add3A_153 = arith.addi %mul3A_152, %select_n3A_144 : i32
      %mul3A_154 = arith.constant 128 : i32
      %mul3A_155 = arith.muli %add3A_153, %mul3A_154 : i32
      "tpu.region"() ({
        %run_scoped3A = tpu.sem_alloc : memref<!tpu.dma_semaphore, #tpu.memory_space<semaphore_mem>>
        %dma_start3A_216 = arith.constant 0 : i32
        %dma_start3A_217 = tpu.memref_slice %arg4[%mul3A_155, %dma_start3A_216] : memref<65536x128xf32, #tpu.memory_space<hbm>> -> memref<128x128xf32, #tpu.memory_space<hbm>>
        %dma_start3A_218 = arith.constant 0 : i32
        %dma_start3A_219 = tpu.memref_slice %arg4[%mul3A_155, %dma_start3A_218] : memref<65536x128xf32, #tpu.memory_space<hbm>> -> memref<128x128xf32, #tpu.memory_space<hbm>>
        tpu.enqueue_dma source(%arg6 : memref<128x128xf32, #tpu.memory_space<vmem>>) target(%dma_start3A_219 : memref<128x128xf32, #tpu.memory_space<hbm>>) target_semaphore(%run_scoped3A : memref<!tpu.dma_semaphore, #tpu.memory_space<semaphore_mem>>)
        %dma_wait3A_220 = arith.constant 0 : i32
        %dma_wait3A_221 = tpu.memref_slice %arg4[%mul3A_155, %dma_wait3A_220] : memref<65536x128xf32, #tpu.memory_space<hbm>> -> memref<128x128xf32, #tpu.memory_space<hbm>>
        %dma_wait3A_222 = arith.constant 0 : i32
        %dma_wait3A_223 = tpu.memref_slice %arg4[%mul3A_155, %dma_wait3A_222] : memref<65536x128xf32, #tpu.memory_space<hbm>> -> memref<128x128xf32, #tpu.memory_space<hbm>>
        tpu.wait_dma2 semaphore(%run_scoped3A : memref<!tpu.dma_semaphore, #tpu.memory_space<semaphore_mem>>) src(%arg6 : memref<128x128xf32, #tpu.memory_space<vmem>>) dst(%dma_wait3A_223 : memref<128x128xf32, #tpu.memory_space<hbm>>)
        tpu.yield
      }) : () -> ()
      %lt3A_156 = arith.constant 7 : i32
      %lt3A_157 = arith.cmpi slt, %scan3A_47, %lt3A_156 : i32
      %convert_element_type3A = arith.extui %lt3A_157 : i1 to i32
      %cond3A = arith.constant 0 : i32
      %cond3A_158 = arith.cmpi ne, %convert_element_type3A, %cond3A : i32
      scf.if %cond3A_158 {
        %add3A_216 = arith.constant 2 : i32
        %add3A_217 = arith.addi %mul3A_49, %add3A_216 : i32
        %jit3A_218 = arith.constant 8 : i32
        %div3A_219 = arith.divsi %add3A_217, %jit3A_218 : i32
        %sign3A_220 = arith.constant 0 : i32
        %sign3A_221 = arith.cmpi sgt, %add3A_217, %sign3A_220 : i32
        %sign3A_222 = arith.extui %sign3A_221 : i1 to i32
        %sign3A_223 = arith.constant 0 : i32
        %sign3A_224 = arith.cmpi slt, %add3A_217, %sign3A_223 : i32
        %sign3A_225 = arith.extui %sign3A_224 : i1 to i32
        %sign3A_226 = arith.subi %sign3A_222, %sign3A_225 : i32
        %sign3A_227 = arith.constant 0 : i32
        %sign3A_228 = arith.cmpi sgt, %jit3A_218, %sign3A_227 : i32
        %sign3A_229 = arith.extui %sign3A_228 : i1 to i32
        %sign3A_230 = arith.constant 0 : i32
        %sign3A_231 = arith.cmpi slt, %jit3A_218, %sign3A_230 : i32
        %sign3A_232 = arith.extui %sign3A_231 : i1 to i32
        %sign3A_233 = arith.subi %sign3A_229, %sign3A_232 : i32
        %ne3A_234 = arith.cmpi ne, %sign3A_226, %sign3A_233 : i32
        %rem3A_235 = arith.remsi %add3A_217, %jit3A_218 : i32
        %ne3A_236 = arith.constant 0 : i32
        %ne3A_237 = arith.cmpi ne, %rem3A_235, %ne3A_236 : i32
        %and3A_238 = arith.andi %ne3A_234, %ne3A_237 : i1
        %sub3A_239 = arith.constant 1 : i32
        %sub3A_240 = arith.subi %div3A_219, %sub3A_239 : i32
        %select_n3A_241 = arith.select %and3A_238, %sub3A_240, %div3A_219 : i32
        %jit3A_242 = arith.constant 8 : i32
        %eq3A_243 = arith.constant 0 : i32
        %eq3A_244 = arith.cmpi eq, %jit3A_242, %eq3A_243 : i32
        %jit3A_245 = arith.constant 1 : i32
        %select_n3A_246 = arith.select %eq3A_244, %jit3A_245, %jit3A_242 : i32
        %rem3A_247 = arith.remsi %add3A_217, %select_n3A_246 : i32
        %ne3A_248 = arith.constant 0 : i32
        %ne3A_249 = arith.cmpi ne, %rem3A_247, %ne3A_248 : i32
        %lt3A_250 = arith.constant 0 : i32
        %lt3A_251 = arith.cmpi slt, %rem3A_247, %lt3A_250 : i32
        %lt3A_252 = arith.constant 0 : i32
        %lt3A_253 = arith.cmpi slt, %select_n3A_246, %lt3A_252 : i32
        %ne3A_254 = arith.xori %lt3A_251, %lt3A_253 : i1
        %and3A_255 = arith.andi %ne3A_254, %ne3A_249 : i1
        %add3A_256 = arith.addi %rem3A_247, %select_n3A_246 : i32
        %select_n3A_257 = arith.select %and3A_255, %add3A_256, %rem3A_247 : i32
        %dma_start3A_258 = arith.constant 0 : i32
        %dma_start3A_259 = tpu.memref_slice %arg5[%select_n3A_241, %select_n3A_257, %dma_start3A_258] : memref<2x8x128xi32, #tpu.memory_space<vmem>> -> memref<1x1x128xi32, #tpu.memory_space<vmem>>
        %dma_start3A_260 = tpu.memref_squeeze %dma_start3A_259 : memref<1x1x128xi32, #tpu.memory_space<vmem>> -> memref<128xi32, #tpu.memory_space<vmem>>
        %dma_start3A_261 = arith.constant 0 : i32
        %dma_start3A_262 = arith.constant 0 : i32
        %dma_start3A_263 = tpu.memref_slice %arg2[%dma_start3A_261, %dma_start3A_262] : memref<32768x128xf32, #tpu.memory_space<hbm>> -> memref<32768x128xf32, #tpu.memory_space<hbm>>
        tpu.enqueue_indirect_dma source(%dma_start3A_263 : memref<32768x128xf32, #tpu.memory_space<hbm>>) target(%arg6 : memref<128x128xf32, #tpu.memory_space<vmem>>) offsets(%dma_start3A_260 : memref<128xi32, #tpu.memory_space<vmem>>) semaphore(%arg8 : memref<!tpu.dma_semaphore, #tpu.memory_space<semaphore_mem>>)
      } else {
      }
      %dma_wait3A_159 = arith.constant 0 : i32
      %dma_wait3A_160 = arith.constant 0 : i32
      %dma_wait3A_161 = tpu.memref_slice %arg2[%dma_wait3A_159, %dma_wait3A_160] : memref<32768x128xf32, #tpu.memory_space<hbm>> -> memref<128x128xf32, #tpu.memory_space<hbm>>
      %dma_wait3A_162 = arith.constant 0 : i32
      %dma_wait3A_163 = arith.constant 0 : i32
      %dma_wait3A_164 = tpu.memref_slice %arg2[%dma_wait3A_162, %dma_wait3A_163] : memref<32768x128xf32, #tpu.memory_space<hbm>> -> memref<128x128xf32, #tpu.memory_space<hbm>>
      tpu.wait_dma2 semaphore(%arg9 : memref<!tpu.dma_semaphore, #tpu.memory_space<semaphore_mem>>) src(%dma_wait3A_164 : memref<128x128xf32, #tpu.memory_space<hbm>>) dst(%arg7 : memref<128x128xf32, #tpu.memory_space<vmem>>)
      %jit3A_165 = arith.constant 8 : i32
      %div3A_166 = arith.divsi %add3A_53, %jit3A_165 : i32
      %sign3A_167 = arith.constant 0 : i32
      %sign3A_168 = arith.cmpi sgt, %add3A_53, %sign3A_167 : i32
      %sign3A_169 = arith.extui %sign3A_168 : i1 to i32
      %sign3A_170 = arith.constant 0 : i32
      %sign3A_171 = arith.cmpi slt, %add3A_53, %sign3A_170 : i32
      %sign3A_172 = arith.extui %sign3A_171 : i1 to i32
      %sign3A_173 = arith.subi %sign3A_169, %sign3A_172 : i32
      %sign3A_174 = arith.constant 0 : i32
      %sign3A_175 = arith.cmpi sgt, %jit3A_165, %sign3A_174 : i32
      %sign3A_176 = arith.extui %sign3A_175 : i1 to i32
      %sign3A_177 = arith.constant 0 : i32
      %sign3A_178 = arith.cmpi slt, %jit3A_165, %sign3A_177 : i32
      %sign3A_179 = arith.extui %sign3A_178 : i1 to i32
      %sign3A_180 = arith.subi %sign3A_176, %sign3A_179 : i32
      %ne3A_181 = arith.cmpi ne, %sign3A_173, %sign3A_180 : i32
      %rem3A_182 = arith.remsi %add3A_53, %jit3A_165 : i32
      %ne3A_183 = arith.constant 0 : i32
      %ne3A_184 = arith.cmpi ne, %rem3A_182, %ne3A_183 : i32
      %and3A_185 = arith.andi %ne3A_181, %ne3A_184 : i1
      %sub3A_186 = arith.constant 1 : i32
      %sub3A_187 = arith.subi %div3A_166, %sub3A_186 : i32
      %select_n3A_188 = arith.select %and3A_185, %sub3A_187, %div3A_166 : i32
      %jit3A_189 = arith.constant 8 : i32
      %eq3A_190 = arith.constant 0 : i32
      %eq3A_191 = arith.cmpi eq, %jit3A_189, %eq3A_190 : i32
      %jit3A_192 = arith.constant 1 : i32
      %select_n3A_193 = arith.select %eq3A_191, %jit3A_192, %jit3A_189 : i32
      %rem3A_194 = arith.remsi %add3A_53, %select_n3A_193 : i32
      %ne3A_195 = arith.constant 0 : i32
      %ne3A_196 = arith.cmpi ne, %rem3A_194, %ne3A_195 : i32
      %lt3A_197 = arith.constant 0 : i32
      %lt3A_198 = arith.cmpi slt, %rem3A_194, %lt3A_197 : i32
      %lt3A_199 = arith.constant 0 : i32
      %lt3A_200 = arith.cmpi slt, %select_n3A_193, %lt3A_199 : i32
      %ne3A_201 = arith.xori %lt3A_198, %lt3A_200 : i1
      %and3A_202 = arith.andi %ne3A_201, %ne3A_196 : i1
      %add3A_203 = arith.addi %rem3A_194, %select_n3A_193 : i32
      %select_n3A_204 = arith.select %and3A_202, %add3A_203, %rem3A_194 : i32
      %mul3A_205 = arith.constant 16 : i32
      %mul3A_206 = arith.muli %select_n3A, %mul3A_205 : i32
      %mul3A_207 = arith.constant 2 : i32
      %mul3A_208 = arith.muli %select_n3A_30, %mul3A_207 : i32
      %add3A_209 = arith.addi %mul3A_206, %mul3A_208 : i32
      %add3A_210 = arith.addi %add3A_209, %select_n3A_188 : i32
      %mul3A_211 = arith.constant 8 : i32
      %mul3A_212 = arith.muli %add3A_210, %mul3A_211 : i32
      %add3A_213 = arith.addi %mul3A_212, %select_n3A_204 : i32
      %mul3A_214 = arith.constant 128 : i32
      %mul3A_215 = arith.muli %add3A_213, %mul3A_214 : i32
      "tpu.region"() ({
        %run_scoped3A = tpu.sem_alloc : memref<!tpu.dma_semaphore, #tpu.memory_space<semaphore_mem>>
        %dma_start3A_216 = arith.constant 0 : i32
        %dma_start3A_217 = tpu.memref_slice %arg4[%mul3A_215, %dma_start3A_216] : memref<65536x128xf32, #tpu.memory_space<hbm>> -> memref<128x128xf32, #tpu.memory_space<hbm>>
        %dma_start3A_218 = arith.constant 0 : i32
        %dma_start3A_219 = tpu.memref_slice %arg4[%mul3A_215, %dma_start3A_218] : memref<65536x128xf32, #tpu.memory_space<hbm>> -> memref<128x128xf32, #tpu.memory_space<hbm>>
        tpu.enqueue_dma source(%arg7 : memref<128x128xf32, #tpu.memory_space<vmem>>) target(%dma_start3A_219 : memref<128x128xf32, #tpu.memory_space<hbm>>) target_semaphore(%run_scoped3A : memref<!tpu.dma_semaphore, #tpu.memory_space<semaphore_mem>>)
        %dma_wait3A_220 = arith.constant 0 : i32
        %dma_wait3A_221 = tpu.memref_slice %arg4[%mul3A_215, %dma_wait3A_220] : memref<65536x128xf32, #tpu.memory_space<hbm>> -> memref<128x128xf32, #tpu.memory_space<hbm>>
        %dma_wait3A_222 = arith.constant 0 : i32
        %dma_wait3A_223 = tpu.memref_slice %arg4[%mul3A_215, %dma_wait3A_222] : memref<65536x128xf32, #tpu.memory_space<hbm>> -> memref<128x128xf32, #tpu.memory_space<hbm>>
        tpu.wait_dma2 semaphore(%run_scoped3A : memref<!tpu.dma_semaphore, #tpu.memory_space<semaphore_mem>>) src(%arg7 : memref<128x128xf32, #tpu.memory_space<vmem>>) dst(%dma_wait3A_223 : memref<128x128xf32, #tpu.memory_space<hbm>>)
        tpu.yield
      }) : () -> ()
    }
    %scan3A_46 = arith.constant 8 : i32
    return
  }
}

#map = affine_map<(d0, d1) -> (0)>
#map1 = affine_map<(d0, d1) -> (0, 0, 0, 0)>
module attributes {stable_mosaic.version = 14 : i64} {
  func.func @_scan_body(%arg0: i32, %arg1: i32, %arg2: memref<98304xf32, #tpu.memory_space<hbm>>, %arg3: memref<12288xf32, #tpu.memory_space<hbm>>, %arg4: memref<4x3x32x1024xf32, #tpu.memory_space<hbm>>, %arg5: memref<4x32x8x128xi32, #tpu.memory_space<hbm>>, %arg6: memref<8192xf32, #tpu.memory_space<vmem>>, %arg7: memref<8192xf32, #tpu.memory_space<vmem>>, %arg8: memref<8192xf32, #tpu.memory_space<vmem>>, %arg9: memref<128xf32, #tpu.memory_space<vmem>>, %arg10: memref<128xf32, #tpu.memory_space<vmem>>, %arg11: memref<128xf32, #tpu.memory_space<vmem>>, %arg12: memref<256xi32, #tpu.memory_space<vmem>>, %arg13: memref<32x1x128xi32, #tpu.memory_space<vmem>>, %arg14: memref<32x128xf32, #tpu.memory_space<vmem>>, %arg15: memref<32x128xf32, #tpu.memory_space<vmem>>, %arg16: memref<32x128xf32, #tpu.memory_space<vmem>>) attributes {dimension_semantics = [#tpu.dimension_semantics<core_parallel>, #tpu.dimension_semantics<subcore_parallel>], iteration_bounds = array<i64: 2, 16>, scalar_prefetch = 0 : i64, scratch_operands = 11 : i64, tpu.core_type = #tpu.core_type<sc_vector_subcore>, window_params = [{transform_indices = #map}, {transform_indices = #map}, {transform_indices = #map1}, {transform_indices = #map1}]} {
    %mul3A = arith.constant 16 : i32
    %mul3A_0 = arith.muli %arg0, %mul3A : i32
    %add3A = arith.addi %mul3A_0, %arg1 : i32
    %jit3A = arith.constant 8 : i32
    %div3A = arith.divsi %add3A, %jit3A : i32
    %sign3A = arith.constant 0 : i32
    %sign3A_1 = arith.cmpi sgt, %add3A, %sign3A : i32
    %sign3A_2 = arith.extui %sign3A_1 : i1 to i32
    %sign3A_3 = arith.constant 0 : i32
    %sign3A_4 = arith.cmpi slt, %add3A, %sign3A_3 : i32
    %sign3A_5 = arith.extui %sign3A_4 : i1 to i32
    %sign3A_6 = arith.subi %sign3A_2, %sign3A_5 : i32
    %sign3A_7 = arith.constant 0 : i32
    %sign3A_8 = arith.cmpi sgt, %jit3A, %sign3A_7 : i32
    %sign3A_9 = arith.extui %sign3A_8 : i1 to i32
    %sign3A_10 = arith.constant 0 : i32
    %sign3A_11 = arith.cmpi slt, %jit3A, %sign3A_10 : i32
    %sign3A_12 = arith.extui %sign3A_11 : i1 to i32
    %sign3A_13 = arith.subi %sign3A_9, %sign3A_12 : i32
    %ne3A = arith.cmpi ne, %sign3A_6, %sign3A_13 : i32
    %rem3A = arith.remsi %add3A, %jit3A : i32
    %ne3A_14 = arith.constant 0 : i32
    %ne3A_15 = arith.cmpi ne, %rem3A, %ne3A_14 : i32
    %and3A = arith.andi %ne3A, %ne3A_15 : i1
    %sub3A = arith.constant 1 : i32
    %sub3A_16 = arith.subi %div3A, %sub3A : i32
    %select_n3A = arith.select %and3A, %sub3A_16, %div3A : i32
    %jit3A_17 = arith.constant 8 : i32
    %eq3A = arith.constant 0 : i32
    %eq3A_18 = arith.cmpi eq, %jit3A_17, %eq3A : i32
    %jit3A_19 = arith.constant 1 : i32
    %select_n3A_20 = arith.select %eq3A_18, %jit3A_19, %jit3A_17 : i32
    %rem3A_21 = arith.remsi %add3A, %select_n3A_20 : i32
    %ne3A_22 = arith.constant 0 : i32
    %ne3A_23 = arith.cmpi ne, %rem3A_21, %ne3A_22 : i32
    %lt3A = arith.constant 0 : i32
    %lt3A_24 = arith.cmpi slt, %rem3A_21, %lt3A : i32
    %lt3A_25 = arith.constant 0 : i32
    %lt3A_26 = arith.cmpi slt, %select_n3A_20, %lt3A_25 : i32
    %ne3A_27 = arith.xori %lt3A_24, %lt3A_26 : i1
    %and3A_28 = arith.andi %ne3A_27, %ne3A_23 : i1
    %add3A_29 = arith.addi %rem3A_21, %select_n3A_20 : i32
    %select_n3A_30 = arith.select %and3A_28, %add3A_29, %rem3A_21 : i32
    %mul3A_31 = arith.constant 128 : i32
    %mul3A_32 = arith.muli %select_n3A_30, %mul3A_31 : i32
    %mul3A_33 = arith.constant 3 : i32
    %mul3A_34 = arith.muli %select_n3A, %mul3A_33 : i32
    %add3A_35 = arith.constant 0 : i32
    %add3A_36 = arith.addi %mul3A_34, %add3A_35 : i32
    %mul3A_37 = arith.constant 8192 : i32
    %mul3A_38 = arith.muli %add3A_36, %mul3A_37 : i32
    "tpu.region"() ({
      %run_scoped3A_82 = tpu.sem_alloc : memref<!tpu.dma_semaphore, #tpu.memory_space<semaphore_mem>>
      %dma_start3A = tpu.memref_slice %arg2[%mul3A_38] : memref<98304xf32, #tpu.memory_space<hbm>> -> memref<8192xf32, #tpu.memory_space<hbm>>
      %dma_start3A_83 = tpu.memref_slice %arg2[%mul3A_38] : memref<98304xf32, #tpu.memory_space<hbm>> -> memref<8192xf32, #tpu.memory_space<hbm>>
      tpu.enqueue_dma source(%dma_start3A_83 : memref<8192xf32, #tpu.memory_space<hbm>>) target(%arg6 : memref<8192xf32, #tpu.memory_space<vmem>>) target_semaphore(%run_scoped3A_82 : memref<!tpu.dma_semaphore, #tpu.memory_space<semaphore_mem>>)
      %dma_wait3A = tpu.memref_slice %arg2[%mul3A_38] : memref<98304xf32, #tpu.memory_space<hbm>> -> memref<8192xf32, #tpu.memory_space<hbm>>
      %dma_wait3A_84 = tpu.memref_slice %arg2[%mul3A_38] : memref<98304xf32, #tpu.memory_space<hbm>> -> memref<8192xf32, #tpu.memory_space<hbm>>
      tpu.wait_dma2 semaphore(%run_scoped3A_82 : memref<!tpu.dma_semaphore, #tpu.memory_space<semaphore_mem>>) src(%dma_wait3A_84 : memref<8192xf32, #tpu.memory_space<hbm>>) dst(%arg6 : memref<8192xf32, #tpu.memory_space<vmem>>)
      tpu.yield
    }) : () -> ()
    %mul3A_39 = arith.constant 3 : i32
    %mul3A_40 = arith.muli %select_n3A, %mul3A_39 : i32
    %add3A_41 = arith.constant 1 : i32
    %add3A_42 = arith.addi %mul3A_40, %add3A_41 : i32
    %mul3A_43 = arith.constant 8192 : i32
    %mul3A_44 = arith.muli %add3A_42, %mul3A_43 : i32
    "tpu.region"() ({
      %run_scoped3A_82 = tpu.sem_alloc : memref<!tpu.dma_semaphore, #tpu.memory_space<semaphore_mem>>
      %dma_start3A = tpu.memref_slice %arg2[%mul3A_44] : memref<98304xf32, #tpu.memory_space<hbm>> -> memref<8192xf32, #tpu.memory_space<hbm>>
      %dma_start3A_83 = tpu.memref_slice %arg2[%mul3A_44] : memref<98304xf32, #tpu.memory_space<hbm>> -> memref<8192xf32, #tpu.memory_space<hbm>>
      tpu.enqueue_dma source(%dma_start3A_83 : memref<8192xf32, #tpu.memory_space<hbm>>) target(%arg7 : memref<8192xf32, #tpu.memory_space<vmem>>) target_semaphore(%run_scoped3A_82 : memref<!tpu.dma_semaphore, #tpu.memory_space<semaphore_mem>>)
      %dma_wait3A = tpu.memref_slice %arg2[%mul3A_44] : memref<98304xf32, #tpu.memory_space<hbm>> -> memref<8192xf32, #tpu.memory_space<hbm>>
      %dma_wait3A_84 = tpu.memref_slice %arg2[%mul3A_44] : memref<98304xf32, #tpu.memory_space<hbm>> -> memref<8192xf32, #tpu.memory_space<hbm>>
      tpu.wait_dma2 semaphore(%run_scoped3A_82 : memref<!tpu.dma_semaphore, #tpu.memory_space<semaphore_mem>>) src(%dma_wait3A_84 : memref<8192xf32, #tpu.memory_space<hbm>>) dst(%arg7 : memref<8192xf32, #tpu.memory_space<vmem>>)
      tpu.yield
    }) : () -> ()
    %mul3A_45 = arith.constant 3 : i32
    %mul3A_46 = arith.muli %select_n3A, %mul3A_45 : i32
    %add3A_47 = arith.constant 2 : i32
    %add3A_48 = arith.addi %mul3A_46, %add3A_47 : i32
    %mul3A_49 = arith.constant 8192 : i32
    %mul3A_50 = arith.muli %add3A_48, %mul3A_49 : i32
    "tpu.region"() ({
      %run_scoped3A_82 = tpu.sem_alloc : memref<!tpu.dma_semaphore, #tpu.memory_space<semaphore_mem>>
      %dma_start3A = tpu.memref_slice %arg2[%mul3A_50] : memref<98304xf32, #tpu.memory_space<hbm>> -> memref<8192xf32, #tpu.memory_space<hbm>>
      %dma_start3A_83 = tpu.memref_slice %arg2[%mul3A_50] : memref<98304xf32, #tpu.memory_space<hbm>> -> memref<8192xf32, #tpu.memory_space<hbm>>
      tpu.enqueue_dma source(%dma_start3A_83 : memref<8192xf32, #tpu.memory_space<hbm>>) target(%arg8 : memref<8192xf32, #tpu.memory_space<vmem>>) target_semaphore(%run_scoped3A_82 : memref<!tpu.dma_semaphore, #tpu.memory_space<semaphore_mem>>)
      %dma_wait3A = tpu.memref_slice %arg2[%mul3A_50] : memref<98304xf32, #tpu.memory_space<hbm>> -> memref<8192xf32, #tpu.memory_space<hbm>>
      %dma_wait3A_84 = tpu.memref_slice %arg2[%mul3A_50] : memref<98304xf32, #tpu.memory_space<hbm>> -> memref<8192xf32, #tpu.memory_space<hbm>>
      tpu.wait_dma2 semaphore(%run_scoped3A_82 : memref<!tpu.dma_semaphore, #tpu.memory_space<semaphore_mem>>) src(%dma_wait3A_84 : memref<8192xf32, #tpu.memory_space<hbm>>) dst(%arg8 : memref<8192xf32, #tpu.memory_space<vmem>>)
      tpu.yield
    }) : () -> ()
    %mul3A_51 = arith.constant 3 : i32
    %mul3A_52 = arith.muli %select_n3A, %mul3A_51 : i32
    %add3A_53 = arith.constant 0 : i32
    %add3A_54 = arith.addi %mul3A_52, %add3A_53 : i32
    %mul3A_55 = arith.constant 1024 : i32
    %mul3A_56 = arith.muli %add3A_54, %mul3A_55 : i32
    %add3A_57 = arith.addi %mul3A_56, %mul3A_32 : i32
    "tpu.region"() ({
      %run_scoped3A_82 = tpu.sem_alloc : memref<!tpu.dma_semaphore, #tpu.memory_space<semaphore_mem>>
      %dma_start3A = tpu.memref_slice %arg3[%add3A_57] : memref<12288xf32, #tpu.memory_space<hbm>> -> memref<128xf32, #tpu.memory_space<hbm>>
      %dma_start3A_83 = tpu.memref_slice %arg3[%add3A_57] : memref<12288xf32, #tpu.memory_space<hbm>> -> memref<128xf32, #tpu.memory_space<hbm>>
      tpu.enqueue_dma source(%dma_start3A_83 : memref<128xf32, #tpu.memory_space<hbm>>) target(%arg9 : memref<128xf32, #tpu.memory_space<vmem>>) target_semaphore(%run_scoped3A_82 : memref<!tpu.dma_semaphore, #tpu.memory_space<semaphore_mem>>)
      %dma_wait3A = tpu.memref_slice %arg3[%add3A_57] : memref<12288xf32, #tpu.memory_space<hbm>> -> memref<128xf32, #tpu.memory_space<hbm>>
      %dma_wait3A_84 = tpu.memref_slice %arg3[%add3A_57] : memref<12288xf32, #tpu.memory_space<hbm>> -> memref<128xf32, #tpu.memory_space<hbm>>
      tpu.wait_dma2 semaphore(%run_scoped3A_82 : memref<!tpu.dma_semaphore, #tpu.memory_space<semaphore_mem>>) src(%dma_wait3A_84 : memref<128xf32, #tpu.memory_space<hbm>>) dst(%arg9 : memref<128xf32, #tpu.memory_space<vmem>>)
      tpu.yield
    }) : () -> ()
    %mul3A_58 = arith.constant 3 : i32
    %mul3A_59 = arith.muli %select_n3A, %mul3A_58 : i32
    %add3A_60 = arith.constant 1 : i32
    %add3A_61 = arith.addi %mul3A_59, %add3A_60 : i32
    %mul3A_62 = arith.constant 1024 : i32
    %mul3A_63 = arith.muli %add3A_61, %mul3A_62 : i32
    %add3A_64 = arith.addi %mul3A_63, %mul3A_32 : i32
    "tpu.region"() ({
      %run_scoped3A_82 = tpu.sem_alloc : memref<!tpu.dma_semaphore, #tpu.memory_space<semaphore_mem>>
      %dma_start3A = tpu.memref_slice %arg3[%add3A_64] : memref<12288xf32, #tpu.memory_space<hbm>> -> memref<128xf32, #tpu.memory_space<hbm>>
      %dma_start3A_83 = tpu.memref_slice %arg3[%add3A_64] : memref<12288xf32, #tpu.memory_space<hbm>> -> memref<128xf32, #tpu.memory_space<hbm>>
      tpu.enqueue_dma source(%dma_start3A_83 : memref<128xf32, #tpu.memory_space<hbm>>) target(%arg10 : memref<128xf32, #tpu.memory_space<vmem>>) target_semaphore(%run_scoped3A_82 : memref<!tpu.dma_semaphore, #tpu.memory_space<semaphore_mem>>)
      %dma_wait3A = tpu.memref_slice %arg3[%add3A_64] : memref<12288xf32, #tpu.memory_space<hbm>> -> memref<128xf32, #tpu.memory_space<hbm>>
      %dma_wait3A_84 = tpu.memref_slice %arg3[%add3A_64] : memref<12288xf32, #tpu.memory_space<hbm>> -> memref<128xf32, #tpu.memory_space<hbm>>
      tpu.wait_dma2 semaphore(%run_scoped3A_82 : memref<!tpu.dma_semaphore, #tpu.memory_space<semaphore_mem>>) src(%dma_wait3A_84 : memref<128xf32, #tpu.memory_space<hbm>>) dst(%arg10 : memref<128xf32, #tpu.memory_space<vmem>>)
      tpu.yield
    }) : () -> ()
    %mul3A_65 = arith.constant 3 : i32
    %mul3A_66 = arith.muli %select_n3A, %mul3A_65 : i32
    %add3A_67 = arith.constant 2 : i32
    %add3A_68 = arith.addi %mul3A_66, %add3A_67 : i32
    %mul3A_69 = arith.constant 1024 : i32
    %mul3A_70 = arith.muli %add3A_68, %mul3A_69 : i32
    %add3A_71 = arith.addi %mul3A_70, %mul3A_32 : i32
    "tpu.region"() ({
      %run_scoped3A_82 = tpu.sem_alloc : memref<!tpu.dma_semaphore, #tpu.memory_space<semaphore_mem>>
      %dma_start3A = tpu.memref_slice %arg3[%add3A_71] : memref<12288xf32, #tpu.memory_space<hbm>> -> memref<128xf32, #tpu.memory_space<hbm>>
      %dma_start3A_83 = tpu.memref_slice %arg3[%add3A_71] : memref<12288xf32, #tpu.memory_space<hbm>> -> memref<128xf32, #tpu.memory_space<hbm>>
      tpu.enqueue_dma source(%dma_start3A_83 : memref<128xf32, #tpu.memory_space<hbm>>) target(%arg11 : memref<128xf32, #tpu.memory_space<vmem>>) target_semaphore(%run_scoped3A_82 : memref<!tpu.dma_semaphore, #tpu.memory_space<semaphore_mem>>)
      %dma_wait3A = tpu.memref_slice %arg3[%add3A_71] : memref<12288xf32, #tpu.memory_space<hbm>> -> memref<128xf32, #tpu.memory_space<hbm>>
      %dma_wait3A_84 = tpu.memref_slice %arg3[%add3A_71] : memref<12288xf32, #tpu.memory_space<hbm>> -> memref<128xf32, #tpu.memory_space<hbm>>
      tpu.wait_dma2 semaphore(%run_scoped3A_82 : memref<!tpu.dma_semaphore, #tpu.memory_space<semaphore_mem>>) src(%dma_wait3A_84 : memref<128xf32, #tpu.memory_space<hbm>>) dst(%arg11 : memref<128xf32, #tpu.memory_space<vmem>>)
      tpu.yield
    }) : () -> ()
    %iota3A = tpu.iota {dimensions = array<i32: 0>} : vector<16xi32>
    %broadcast_in_dim3A = arith.constant 0 : i32
    %broadcast_in_dim3A_72 = vector.broadcast %broadcast_in_dim3A : i32 to vector<16xi32>
    %mul3A_73 = arith.constant 8192 : i32
    %mul3A_74 = arith.muli %select_n3A, %mul3A_73 : i32
    %scan3A = arith.constant 0 : i32
    %scan3A_75 = arith.constant 0 : i32
    %scan3A_76 = arith.constant 128 : i32
    %scan3A_77 = arith.addi %scan3A_75, %scan3A_76 : i32
    %scan3A_78 = arith.constant 1 : i32
    scf.for %scan3A_82 = %scan3A_75 to %scan3A_77 step %scan3A_78  : i32 {
      %add3A_83 = vector.broadcast %scan3A_82 : i32 to vector<16xi32>
      %add3A_84 = arith.addi %broadcast_in_dim3A_72, %add3A_83 : vector<16xi32>
      %gather3A = tpu.vector_load_idx %arg9[%add3A_84] : memref<128xf32, #tpu.memory_space<vmem>>[vector<16xi32>], vector<16xf32>,
      %gather3A_85 = tpu.vector_load_idx %arg10[%add3A_84] : memref<128xf32, #tpu.memory_space<vmem>>[vector<16xi32>], vector<16xf32>,
      %gather3A_86 = tpu.vector_load_idx %arg11[%add3A_84] : memref<128xf32, #tpu.memory_space<vmem>>[vector<16xi32>], vector<16xf32>,
      %broadcast_in_dim3A_87 = arith.constant 0 : i32
      %broadcast_in_dim3A_88 = vector.broadcast %broadcast_in_dim3A_87 : i32 to vector<16xi32>
      %while3A = arith.constant 0 : i32
      %while3A_89 = arith.constant 0 : i32
      %while3A_90:3 = scf.while (%while3A_127 = %while3A, %while3A_128 = %broadcast_in_dim3A_88, %while3A_129 = %while3A_89) : (i32, vector<16xi32>, i32) -> (i32, vector<16xi32>, i32) {
        %lt3A_130 = arith.constant 8192 : i32
        %lt3A_131 = arith.cmpi slt, %while3A_127, %lt3A_130 : i32
        %lt3A_132 = arith.constant 32 : i32
        %lt3A_133 = arith.cmpi slt, %while3A_129, %lt3A_132 : i32
        %and3A_134 = arith.andi %lt3A_131, %lt3A_133 : i1
        scf.condition(%and3A_134) %while3A_127, %while3A_128, %while3A_129 : i32, vector<16xi32>, i32
      } do {
      ^bb0(%while3A_127: i32, %while3A_128: vector<16xi32>, %while3A_129: i32):
        %add3A_130 = arith.constant 0 : i32
        %add3A_131 = arith.addi %while3A_127, %add3A_130 : i32
        %get3A_132 = arith.index_cast %add3A_131 : i32 to index
        %get3A_133 = tpu.vector_load %arg6[%get3A_132] {strides = array<i32>} : memref<8192xf32, #tpu.memory_space<vmem>>, vector<16xf32>,
        %sub3A_134 = arith.subf %get3A_133, %gather3A : vector<16xf32>
        %add3A_135 = arith.constant 0 : i32
        %add3A_136 = arith.addi %while3A_127, %add3A_135 : i32
        %get3A_137 = arith.index_cast %add3A_136 : i32 to index
        %get3A_138 = tpu.vector_load %arg7[%get3A_137] {strides = array<i32>} : memref<8192xf32, #tpu.memory_space<vmem>>, vector<16xf32>,
        %sub3A_139 = arith.subf %get3A_138, %gather3A_85 : vector<16xf32>
        %add3A_140 = arith.constant 0 : i32
        %add3A_141 = arith.addi %while3A_127, %add3A_140 : i32
        %get3A_142 = arith.index_cast %add3A_141 : i32 to index
        %get3A_143 = tpu.vector_load %arg8[%get3A_142] {strides = array<i32>} : memref<8192xf32, #tpu.memory_space<vmem>>, vector<16xf32>,
        %sub3A_144 = arith.subf %get3A_143, %gather3A_86 : vector<16xf32>
        %mul3A_145 = arith.mulf %sub3A_134, %sub3A_134 : vector<16xf32>
        %mul3A_146 = arith.mulf %sub3A_139, %sub3A_139 : vector<16xf32>
        %add3A_147 = arith.addf %mul3A_145, %mul3A_146 : vector<16xf32>
        %mul3A_148 = arith.mulf %sub3A_144, %sub3A_144 : vector<16xf32>
        %add3A_149 = arith.addf %add3A_147, %mul3A_148 : vector<16xf32>
        %le3A = arith.constant 4.000000e-02 : f32
        %le3A_150 = vector.broadcast %le3A : f32 to vector<16xf32>
        %le3A_151 = arith.cmpf ole, %add3A_149, %le3A_150 : vector<16xf32>
        %add3A_152 = arith.constant 16 : i32
        %add3A_153 = arith.addi %while3A_127, %add3A_152 : i32
        %get3A_154 = arith.index_cast %add3A_153 : i32 to index
        %get3A_155 = tpu.vector_load %arg6[%get3A_154] {strides = array<i32>} : memref<8192xf32, #tpu.memory_space<vmem>>, vector<16xf32>,
        %sub3A_156 = arith.subf %get3A_155, %gather3A : vector<16xf32>
        %add3A_157 = arith.constant 16 : i32
        %add3A_158 = arith.addi %while3A_127, %add3A_157 : i32
        %get3A_159 = arith.index_cast %add3A_158 : i32 to index
        %get3A_160 = tpu.vector_load %arg7[%get3A_159] {strides = array<i32>} : memref<8192xf32, #tpu.memory_space<vmem>>, vector<16xf32>,
        %sub3A_161 = arith.subf %get3A_160, %gather3A_85 : vector<16xf32>
        %add3A_162 = arith.constant 16 : i32
        %add3A_163 = arith.addi %while3A_127, %add3A_162 : i32
        %get3A_164 = arith.index_cast %add3A_163 : i32 to index
        %get3A_165 = tpu.vector_load %arg8[%get3A_164] {strides = array<i32>} : memref<8192xf32, #tpu.memory_space<vmem>>, vector<16xf32>,
        %sub3A_166 = arith.subf %get3A_165, %gather3A_86 : vector<16xf32>
        %mul3A_167 = arith.mulf %sub3A_156, %sub3A_156 : vector<16xf32>
        %mul3A_168 = arith.mulf %sub3A_161, %sub3A_161 : vector<16xf32>
        %add3A_169 = arith.addf %mul3A_167, %mul3A_168 : vector<16xf32>
        %mul3A_170 = arith.mulf %sub3A_166, %sub3A_166 : vector<16xf32>
        %add3A_171 = arith.addf %add3A_169, %mul3A_170 : vector<16xf32>
        %le3A_172 = arith.constant 4.000000e-02 : f32
        %le3A_173 = vector.broadcast %le3A_172 : f32 to vector<16xf32>
        %le3A_174 = arith.cmpf ole, %add3A_171, %le3A_173 : vector<16xf32>
        %add3A_175 = arith.constant 32 : i32
        %add3A_176 = arith.addi %while3A_127, %add3A_175 : i32
        %get3A_177 = arith.index_cast %add3A_176 : i32 to index
        %get3A_178 = tpu.vector_load %arg6[%get3A_177] {strides = array<i32>} : memref<8192xf32, #tpu.memory_space<vmem>>, vector<16xf32>,
        %sub3A_179 = arith.subf %get3A_178, %gather3A : vector<16xf32>
        %add3A_180 = arith.constant 32 : i32
        %add3A_181 = arith.addi %while3A_127, %add3A_180 : i32
        %get3A_182 = arith.index_cast %add3A_181 : i32 to index
        %get3A_183 = tpu.vector_load %arg7[%get3A_182] {strides = array<i32>} : memref<8192xf32, #tpu.memory_space<vmem>>, vector<16xf32>,
        %sub3A_184 = arith.subf %get3A_183, %gather3A_85 : vector<16xf32>
        %add3A_185 = arith.constant 32 : i32
        %add3A_186 = arith.addi %while3A_127, %add3A_185 : i32
        %get3A_187 = arith.index_cast %add3A_186 : i32 to index
        %get3A_188 = tpu.vector_load %arg8[%get3A_187] {strides = array<i32>} : memref<8192xf32, #tpu.memory_space<vmem>>, vector<16xf32>,
        %sub3A_189 = arith.subf %get3A_188, %gather3A_86 : vector<16xf32>
        %mul3A_190 = arith.mulf %sub3A_179, %sub3A_179 : vector<16xf32>
        %mul3A_191 = arith.mulf %sub3A_184, %sub3A_184 : vector<16xf32>
        %add3A_192 = arith.addf %mul3A_190, %mul3A_191 : vector<16xf32>
        %mul3A_193 = arith.mulf %sub3A_189, %sub3A_189 : vector<16xf32>
        %add3A_194 = arith.addf %add3A_192, %mul3A_193 : vector<16xf32>
        %le3A_195 = arith.constant 4.000000e-02 : f32
        %le3A_196 = vector.broadcast %le3A_195 : f32 to vector<16xf32>
        %le3A_197 = arith.cmpf ole, %add3A_194, %le3A_196 : vector<16xf32>
        %add3A_198 = arith.constant 48 : i32
        %add3A_199 = arith.addi %while3A_127, %add3A_198 : i32
        %get3A_200 = arith.index_cast %add3A_199 : i32 to index
        %get3A_201 = tpu.vector_load %arg6[%get3A_200] {strides = array<i32>} : memref<8192xf32, #tpu.memory_space<vmem>>, vector<16xf32>,
        %sub3A_202 = arith.subf %get3A_201, %gather3A : vector<16xf32>
        %add3A_203 = arith.constant 48 : i32
        %add3A_204 = arith.addi %while3A_127, %add3A_203 : i32
        %get3A_205 = arith.index_cast %add3A_204 : i32 to index
        %get3A_206 = tpu.vector_load %arg7[%get3A_205] {strides = array<i32>} : memref<8192xf32, #tpu.memory_space<vmem>>, vector<16xf32>,
        %sub3A_207 = arith.subf %get3A_206, %gather3A_85 : vector<16xf32>
        %add3A_208 = arith.constant 48 : i32
        %add3A_209 = arith.addi %while3A_127, %add3A_208 : i32
        %get3A_210 = arith.index_cast %add3A_209 : i32 to index
        %get3A_211 = tpu.vector_load %arg8[%get3A_210] {strides = array<i32>} : memref<8192xf32, #tpu.memory_space<vmem>>, vector<16xf32>,
        %sub3A_212 = arith.subf %get3A_211, %gather3A_86 : vector<16xf32>
        %mul3A_213 = arith.mulf %sub3A_202, %sub3A_202 : vector<16xf32>
        %mul3A_214 = arith.mulf %sub3A_207, %sub3A_207 : vector<16xf32>
        %add3A_215 = arith.addf %mul3A_213, %mul3A_214 : vector<16xf32>
        %mul3A_216 = arith.mulf %sub3A_212, %sub3A_212 : vector<16xf32>
        %add3A_217 = arith.addf %add3A_215, %mul3A_216 : vector<16xf32>
        %le3A_218 = arith.constant 4.000000e-02 : f32
        %le3A_219 = vector.broadcast %le3A_218 : f32 to vector<16xf32>
        %le3A_220 = arith.cmpf ole, %add3A_217, %le3A_219 : vector<16xf32>
        %add3A_221 = arith.constant 64 : i32
        %add3A_222 = arith.addi %while3A_127, %add3A_221 : i32
        %get3A_223 = arith.index_cast %add3A_222 : i32 to index
        %get3A_224 = tpu.vector_load %arg6[%get3A_223] {strides = array<i32>} : memref<8192xf32, #tpu.memory_space<vmem>>, vector<16xf32>,
        %sub3A_225 = arith.subf %get3A_224, %gather3A : vector<16xf32>
        %add3A_226 = arith.constant 64 : i32
        %add3A_227 = arith.addi %while3A_127, %add3A_226 : i32
        %get3A_228 = arith.index_cast %add3A_227 : i32 to index
        %get3A_229 = tpu.vector_load %arg7[%get3A_228] {strides = array<i32>} : memref<8192xf32, #tpu.memory_space<vmem>>, vector<16xf32>,
        %sub3A_230 = arith.subf %get3A_229, %gather3A_85 : vector<16xf32>
        %add3A_231 = arith.constant 64 : i32
        %add3A_232 = arith.addi %while3A_127, %add3A_231 : i32
        %get3A_233 = arith.index_cast %add3A_232 : i32 to index
        %get3A_234 = tpu.vector_load %arg8[%get3A_233] {strides = array<i32>} : memref<8192xf32, #tpu.memory_space<vmem>>, vector<16xf32>,
        %sub3A_235 = arith.subf %get3A_234, %gather3A_86 : vector<16xf32>
        %mul3A_236 = arith.mulf %sub3A_225, %sub3A_225 : vector<16xf32>
        %mul3A_237 = arith.mulf %sub3A_230, %sub3A_230 : vector<16xf32>
        %add3A_238 = arith.addf %mul3A_236, %mul3A_237 : vector<16xf32>
        %mul3A_239 = arith.mulf %sub3A_235, %sub3A_235 : vector<16xf32>
        %add3A_240 = arith.addf %add3A_238, %mul3A_239 : vector<16xf32>
        %le3A_241 = arith.constant 4.000000e-02 : f32
        %le3A_242 = vector.broadcast %le3A_241 : f32 to vector<16xf32>
        %le3A_243 = arith.cmpf ole, %add3A_240, %le3A_242 : vector<16xf32>
        %add3A_244 = arith.constant 80 : i32
        %add3A_245 = arith.addi %while3A_127, %add3A_244 : i32
        %get3A_246 = arith.index_cast %add3A_245 : i32 to index
        %get3A_247 = tpu.vector_load %arg6[%get3A_246] {strides = array<i32>} : memref<8192xf32, #tpu.memory_space<vmem>>, vector<16xf32>,
        %sub3A_248 = arith.subf %get3A_247, %gather3A : vector<16xf32>
        %add3A_249 = arith.constant 80 : i32
        %add3A_250 = arith.addi %while3A_127, %add3A_249 : i32
        %get3A_251 = arith.index_cast %add3A_250 : i32 to index
        %get3A_252 = tpu.vector_load %arg7[%get3A_251] {strides = array<i32>} : memref<8192xf32, #tpu.memory_space<vmem>>, vector<16xf32>,
        %sub3A_253 = arith.subf %get3A_252, %gather3A_85 : vector<16xf32>
        %add3A_254 = arith.constant 80 : i32
        %add3A_255 = arith.addi %while3A_127, %add3A_254 : i32
        %get3A_256 = arith.index_cast %add3A_255 : i32 to index
        %get3A_257 = tpu.vector_load %arg8[%get3A_256] {strides = array<i32>} : memref<8192xf32, #tpu.memory_space<vmem>>, vector<16xf32>,
        %sub3A_258 = arith.subf %get3A_257, %gather3A_86 : vector<16xf32>
        %mul3A_259 = arith.mulf %sub3A_248, %sub3A_248 : vector<16xf32>
        %mul3A_260 = arith.mulf %sub3A_253, %sub3A_253 : vector<16xf32>
        %add3A_261 = arith.addf %mul3A_259, %mul3A_260 : vector<16xf32>
        %mul3A_262 = arith.mulf %sub3A_258, %sub3A_258 : vector<16xf32>
        %add3A_263 = arith.addf %add3A_261, %mul3A_262 : vector<16xf32>
        %le3A_264 = arith.constant 4.000000e-02 : f32
        %le3A_265 = vector.broadcast %le3A_264 : f32 to vector<16xf32>
        %le3A_266 = arith.cmpf ole, %add3A_263, %le3A_265 : vector<16xf32>
        %add3A_267 = arith.constant 96 : i32
        %add3A_268 = arith.addi %while3A_127, %add3A_267 : i32
        %get3A_269 = arith.index_cast %add3A_268 : i32 to index
        %get3A_270 = tpu.vector_load %arg6[%get3A_269] {strides = array<i32>} : memref<8192xf32, #tpu.memory_space<vmem>>, vector<16xf32>,
        %sub3A_271 = arith.subf %get3A_270, %gather3A : vector<16xf32>
        %add3A_272 = arith.constant 96 : i32
        %add3A_273 = arith.addi %while3A_127, %add3A_272 : i32
        %get3A_274 = arith.index_cast %add3A_273 : i32 to index
        %get3A_275 = tpu.vector_load %arg7[%get3A_274] {strides = array<i32>} : memref<8192xf32, #tpu.memory_space<vmem>>, vector<16xf32>,
        %sub3A_276 = arith.subf %get3A_275, %gather3A_85 : vector<16xf32>
        %add3A_277 = arith.constant 96 : i32
        %add3A_278 = arith.addi %while3A_127, %add3A_277 : i32
        %get3A_279 = arith.index_cast %add3A_278 : i32 to index
        %get3A_280 = tpu.vector_load %arg8[%get3A_279] {strides = array<i32>} : memref<8192xf32, #tpu.memory_space<vmem>>, vector<16xf32>,
        %sub3A_281 = arith.subf %get3A_280, %gather3A_86 : vector<16xf32>
        %mul3A_282 = arith.mulf %sub3A_271, %sub3A_271 : vector<16xf32>
        %mul3A_283 = arith.mulf %sub3A_276, %sub3A_276 : vector<16xf32>
        %add3A_284 = arith.addf %mul3A_282, %mul3A_283 : vector<16xf32>
        %mul3A_285 = arith.mulf %sub3A_281, %sub3A_281 : vector<16xf32>
        %add3A_286 = arith.addf %add3A_284, %mul3A_285 : vector<16xf32>
        %le3A_287 = arith.constant 4.000000e-02 : f32
        %le3A_288 = vector.broadcast %le3A_287 : f32 to vector<16xf32>
        %le3A_289 = arith.cmpf ole, %add3A_286, %le3A_288 : vector<16xf32>
        %add3A_290 = arith.constant 112 : i32
        %add3A_291 = arith.addi %while3A_127, %add3A_290 : i32
        %get3A_292 = arith.index_cast %add3A_291 : i32 to index
        %get3A_293 = tpu.vector_load %arg6[%get3A_292] {strides = array<i32>} : memref<8192xf32, #tpu.memory_space<vmem>>, vector<16xf32>,
        %sub3A_294 = arith.subf %get3A_293, %gather3A : vector<16xf32>
        %add3A_295 = arith.constant 112 : i32
        %add3A_296 = arith.addi %while3A_127, %add3A_295 : i32
        %get3A_297 = arith.index_cast %add3A_296 : i32 to index
        %get3A_298 = tpu.vector_load %arg7[%get3A_297] {strides = array<i32>} : memref<8192xf32, #tpu.memory_space<vmem>>, vector<16xf32>,
        %sub3A_299 = arith.subf %get3A_298, %gather3A_85 : vector<16xf32>
        %add3A_300 = arith.constant 112 : i32
        %add3A_301 = arith.addi %while3A_127, %add3A_300 : i32
        %get3A_302 = arith.index_cast %add3A_301 : i32 to index
        %get3A_303 = tpu.vector_load %arg8[%get3A_302] {strides = array<i32>} : memref<8192xf32, #tpu.memory_space<vmem>>, vector<16xf32>,
        %sub3A_304 = arith.subf %get3A_303, %gather3A_86 : vector<16xf32>
        %mul3A_305 = arith.mulf %sub3A_294, %sub3A_294 : vector<16xf32>
        %mul3A_306 = arith.mulf %sub3A_299, %sub3A_299 : vector<16xf32>
        %add3A_307 = arith.addf %mul3A_305, %mul3A_306 : vector<16xf32>
        %mul3A_308 = arith.mulf %sub3A_304, %sub3A_304 : vector<16xf32>
        %add3A_309 = arith.addf %add3A_307, %mul3A_308 : vector<16xf32>
        %le3A_310 = arith.constant 4.000000e-02 : f32
        %le3A_311 = vector.broadcast %le3A_310 : f32 to vector<16xf32>
        %le3A_312 = arith.cmpf ole, %add3A_309, %le3A_311 : vector<16xf32>
        %convert_element_type3A = arith.extui %le3A_151 : vector<16xi1> to vector<16xi32>
        %broadcast_in_dim3A_313 = arith.constant true
        %broadcast_in_dim3A_314 = vector.broadcast %broadcast_in_dim3A_313 : i1 to vector<16xi1>
        %masked_cumsum3A = tpu.scan <sum>, %convert_element_type3A masked %broadcast_in_dim3A_314 : vector<16xi32>, vector<16xi1> -> vector<16xi32>
        %add3A_315 = arith.addi %while3A_128, %masked_cumsum3A : vector<16xi32>
        %sub3A_316 = arith.constant 1 : i32
        %sub3A_317 = vector.broadcast %sub3A_316 : i32 to vector<16xi32>
        %sub3A_318 = arith.subi %add3A_315, %sub3A_317 : vector<16xi32>
        %add3A_319 = arith.constant 0 : i32
        %add3A_320 = arith.addi %while3A_127, %add3A_319 : i32
        %add3A_321 = vector.broadcast %add3A_320 : i32 to vector<16xi32>
        %add3A_322 = arith.addi %add3A_321, %iota3A : vector<16xi32>
        tpu.vector_store_idx %arg12[%sub3A_318], %add3A_322 masked %le3A_151 : memref<256xi32, #tpu.memory_space<vmem>>[vector<16xi32>], vector<16xi32>, vector<16xi1>
        %all_reduce_population_count3A = tpu.all_reduce %le3A_151 {dim = 0 : i64, kind = #tpu.reduction_kind<sum>} : vector<16xi1> -> vector<16xi32>
        %add3A_323 = arith.addi %while3A_128, %all_reduce_population_count3A : vector<16xi32>
        %convert_element_type3A_324 = arith.extui %le3A_174 : vector<16xi1> to vector<16xi32>
        %broadcast_in_dim3A_325 = arith.constant true
        %broadcast_in_dim3A_326 = vector.broadcast %broadcast_in_dim3A_325 : i1 to vector<16xi1>
        %masked_cumsum3A_327 = tpu.scan <sum>, %convert_element_type3A_324 masked %broadcast_in_dim3A_326 : vector<16xi32>, vector<16xi1> -> vector<16xi32>
        %add3A_328 = arith.addi %add3A_323, %masked_cumsum3A_327 : vector<16xi32>
        %sub3A_329 = arith.constant 1 : i32
        %sub3A_330 = vector.broadcast %sub3A_329 : i32 to vector<16xi32>
        %sub3A_331 = arith.subi %add3A_328, %sub3A_330 : vector<16xi32>
        %add3A_332 = arith.constant 16 : i32
        %add3A_333 = arith.addi %while3A_127, %add3A_332 : i32
        %add3A_334 = vector.broadcast %add3A_333 : i32 to vector<16xi32>
        %add3A_335 = arith.addi %add3A_334, %iota3A : vector<16xi32>
        tpu.vector_store_idx %arg12[%sub3A_331], %add3A_335 masked %le3A_174 : memref<256xi32, #tpu.memory_space<vmem>>[vector<16xi32>], vector<16xi32>, vector<16xi1>
        %all_reduce_population_count3A_336 = tpu.all_reduce %le3A_174 {dim = 0 : i64, kind = #tpu.reduction_kind<sum>} : vector<16xi1> -> vector<16xi32>
        %add3A_337 = arith.addi %add3A_323, %all_reduce_population_count3A_336 : vector<16xi32>
        %convert_element_type3A_338 = arith.extui %le3A_197 : vector<16xi1> to vector<16xi32>
        %broadcast_in_dim3A_339 = arith.constant true
        %broadcast_in_dim3A_340 = vector.broadcast %broadcast_in_dim3A_339 : i1 to vector<16xi1>
        %masked_cumsum3A_341 = tpu.scan <sum>, %convert_element_type3A_338 masked %broadcast_in_dim3A_340 : vector<16xi32>, vector<16xi1> -> vector<16xi32>
        %add3A_342 = arith.addi %add3A_337, %masked_cumsum3A_341 : vector<16xi32>
        %sub3A_343 = arith.constant 1 : i32
        %sub3A_344 = vector.broadcast %sub3A_343 : i32 to vector<16xi32>
        %sub3A_345 = arith.subi %add3A_342, %sub3A_344 : vector<16xi32>
        %add3A_346 = arith.constant 32 : i32
        %add3A_347 = arith.addi %while3A_127, %add3A_346 : i32
        %add3A_348 = vector.broadcast %add3A_347 : i32 to vector<16xi32>
        %add3A_349 = arith.addi %add3A_348, %iota3A : vector<16xi32>
        tpu.vector_store_idx %arg12[%sub3A_345], %add3A_349 masked %le3A_197 : memref<256xi32, #tpu.memory_space<vmem>>[vector<16xi32>], vector<16xi32>, vector<16xi1>
        %all_reduce_population_count3A_350 = tpu.all_reduce %le3A_197 {dim = 0 : i64, kind = #tpu.reduction_kind<sum>} : vector<16xi1> -> vector<16xi32>
        %add3A_351 = arith.addi %add3A_337, %all_reduce_population_count3A_350 : vector<16xi32>
        %convert_element_type3A_352 = arith.extui %le3A_220 : vector<16xi1> to vector<16xi32>
        %broadcast_in_dim3A_353 = arith.constant true
        %broadcast_in_dim3A_354 = vector.broadcast %broadcast_in_dim3A_353 : i1 to vector<16xi1>
        %masked_cumsum3A_355 = tpu.scan <sum>, %convert_element_type3A_352 masked %broadcast_in_dim3A_354 : vector<16xi32>, vector<16xi1> -> vector<16xi32>
        %add3A_356 = arith.addi %add3A_351, %masked_cumsum3A_355 : vector<16xi32>
        %sub3A_357 = arith.constant 1 : i32
        %sub3A_358 = vector.broadcast %sub3A_357 : i32 to vector<16xi32>
        %sub3A_359 = arith.subi %add3A_356, %sub3A_358 : vector<16xi32>
        %add3A_360 = arith.constant 48 : i32
        %add3A_361 = arith.addi %while3A_127, %add3A_360 : i32
        %add3A_362 = vector.broadcast %add3A_361 : i32 to vector<16xi32>
        %add3A_363 = arith.addi %add3A_362, %iota3A : vector<16xi32>
        tpu.vector_store_idx %arg12[%sub3A_359], %add3A_363 masked %le3A_220 : memref<256xi32, #tpu.memory_space<vmem>>[vector<16xi32>], vector<16xi32>, vector<16xi1>
        %all_reduce_population_count3A_364 = tpu.all_reduce %le3A_220 {dim = 0 : i64, kind = #tpu.reduction_kind<sum>} : vector<16xi1> -> vector<16xi32>
        %add3A_365 = arith.addi %add3A_351, %all_reduce_population_count3A_364 : vector<16xi32>
        %convert_element_type3A_366 = arith.extui %le3A_243 : vector<16xi1> to vector<16xi32>
        %broadcast_in_dim3A_367 = arith.constant true
        %broadcast_in_dim3A_368 = vector.broadcast %broadcast_in_dim3A_367 : i1 to vector<16xi1>
        %masked_cumsum3A_369 = tpu.scan <sum>, %convert_element_type3A_366 masked %broadcast_in_dim3A_368 : vector<16xi32>, vector<16xi1> -> vector<16xi32>
        %add3A_370 = arith.addi %add3A_365, %masked_cumsum3A_369 : vector<16xi32>
        %sub3A_371 = arith.constant 1 : i32
        %sub3A_372 = vector.broadcast %sub3A_371 : i32 to vector<16xi32>
        %sub3A_373 = arith.subi %add3A_370, %sub3A_372 : vector<16xi32>
        %add3A_374 = arith.constant 64 : i32
        %add3A_375 = arith.addi %while3A_127, %add3A_374 : i32
        %add3A_376 = vector.broadcast %add3A_375 : i32 to vector<16xi32>
        %add3A_377 = arith.addi %add3A_376, %iota3A : vector<16xi32>
        tpu.vector_store_idx %arg12[%sub3A_373], %add3A_377 masked %le3A_243 : memref<256xi32, #tpu.memory_space<vmem>>[vector<16xi32>], vector<16xi32>, vector<16xi1>
        %all_reduce_population_count3A_378 = tpu.all_reduce %le3A_243 {dim = 0 : i64, kind = #tpu.reduction_kind<sum>} : vector<16xi1> -> vector<16xi32>
        %add3A_379 = arith.addi %add3A_365, %all_reduce_population_count3A_378 : vector<16xi32>
        %convert_element_type3A_380 = arith.extui %le3A_266 : vector<16xi1> to vector<16xi32>
        %broadcast_in_dim3A_381 = arith.constant true
        %broadcast_in_dim3A_382 = vector.broadcast %broadcast_in_dim3A_381 : i1 to vector<16xi1>
        %masked_cumsum3A_383 = tpu.scan <sum>, %convert_element_type3A_380 masked %broadcast_in_dim3A_382 : vector<16xi32>, vector<16xi1> -> vector<16xi32>
        %add3A_384 = arith.addi %add3A_379, %masked_cumsum3A_383 : vector<16xi32>
        %sub3A_385 = arith.constant 1 : i32
        %sub3A_386 = vector.broadcast %sub3A_385 : i32 to vector<16xi32>
        %sub3A_387 = arith.subi %add3A_384, %sub3A_386 : vector<16xi32>
        %add3A_388 = arith.constant 80 : i32
        %add3A_389 = arith.addi %while3A_127, %add3A_388 : i32
        %add3A_390 = vector.broadcast %add3A_389 : i32 to vector<16xi32>
        %add3A_391 = arith.addi %add3A_390, %iota3A : vector<16xi32>
        tpu.vector_store_idx %arg12[%sub3A_387], %add3A_391 masked %le3A_266 : memref<256xi32, #tpu.memory_space<vmem>>[vector<16xi32>], vector<16xi32>, vector<16xi1>
        %all_reduce_population_count3A_392 = tpu.all_reduce %le3A_266 {dim = 0 : i64, kind = #tpu.reduction_kind<sum>} : vector<16xi1> -> vector<16xi32>
        %add3A_393 = arith.addi %add3A_379, %all_reduce_population_count3A_392 : vector<16xi32>
        %convert_element_type3A_394 = arith.extui %le3A_289 : vector<16xi1> to vector<16xi32>
        %broadcast_in_dim3A_395 = arith.constant true
        %broadcast_in_dim3A_396 = vector.broadcast %broadcast_in_dim3A_395 : i1 to vector<16xi1>
        %masked_cumsum3A_397 = tpu.scan <sum>, %convert_element_type3A_394 masked %broadcast_in_dim3A_396 : vector<16xi32>, vector<16xi1> -> vector<16xi32>
        %add3A_398 = arith.addi %add3A_393, %masked_cumsum3A_397 : vector<16xi32>
        %sub3A_399 = arith.constant 1 : i32
        %sub3A_400 = vector.broadcast %sub3A_399 : i32 to vector<16xi32>
        %sub3A_401 = arith.subi %add3A_398, %sub3A_400 : vector<16xi32>
        %add3A_402 = arith.constant 96 : i32
        %add3A_403 = arith.addi %while3A_127, %add3A_402 : i32
        %add3A_404 = vector.broadcast %add3A_403 : i32 to vector<16xi32>
        %add3A_405 = arith.addi %add3A_404, %iota3A : vector<16xi32>
        tpu.vector_store_idx %arg12[%sub3A_401], %add3A_405 masked %le3A_289 : memref<256xi32, #tpu.memory_space<vmem>>[vector<16xi32>], vector<16xi32>, vector<16xi1>
        %all_reduce_population_count3A_406 = tpu.all_reduce %le3A_289 {dim = 0 : i64, kind = #tpu.reduction_kind<sum>} : vector<16xi1> -> vector<16xi32>
        %add3A_407 = arith.addi %add3A_393, %all_reduce_population_count3A_406 : vector<16xi32>
        %convert_element_type3A_408 = arith.extui %le3A_312 : vector<16xi1> to vector<16xi32>
        %broadcast_in_dim3A_409 = arith.constant true
        %broadcast_in_dim3A_410 = vector.broadcast %broadcast_in_dim3A_409 : i1 to vector<16xi1>
        %masked_cumsum3A_411 = tpu.scan <sum>, %convert_element_type3A_408 masked %broadcast_in_dim3A_410 : vector<16xi32>, vector<16xi1> -> vector<16xi32>
        %add3A_412 = arith.addi %add3A_407, %masked_cumsum3A_411 : vector<16xi32>
        %sub3A_413 = arith.constant 1 : i32
        %sub3A_414 = vector.broadcast %sub3A_413 : i32 to vector<16xi32>
        %sub3A_415 = arith.subi %add3A_412, %sub3A_414 : vector<16xi32>
        %add3A_416 = arith.constant 112 : i32
        %add3A_417 = arith.addi %while3A_127, %add3A_416 : i32
        %add3A_418 = vector.broadcast %add3A_417 : i32 to vector<16xi32>
        %add3A_419 = arith.addi %add3A_418, %iota3A : vector<16xi32>
        tpu.vector_store_idx %arg12[%sub3A_415], %add3A_419 masked %le3A_312 : memref<256xi32, #tpu.memory_space<vmem>>[vector<16xi32>], vector<16xi32>, vector<16xi1>
        %all_reduce_population_count3A_420 = tpu.all_reduce %le3A_312 {dim = 0 : i64, kind = #tpu.reduction_kind<sum>} : vector<16xi1> -> vector<16xi32>
        %add3A_421 = arith.addi %add3A_407, %all_reduce_population_count3A_420 : vector<16xi32>
        %add3A_422 = arith.constant 128 : i32
        %add3A_423 = arith.addi %while3A_127, %add3A_422 : i32
        %reduce_max3A = arith.constant true
        %reduce_max3A_424 = vector.broadcast %reduce_max3A : i1 to vector<16xi1>
        %reduce_max3A_425 = arith.constant -2147483648 : i32
        %reduce_max3A_426 = vector.broadcast %reduce_max3A_425 : i32 to vector<16xi32>
        %reduce_max3A_427 = arith.xori %add3A_421, %reduce_max3A_426 : vector<16xi32>
        %reduce_max3A_428 = tpu.scan <max>, %reduce_max3A_427 masked %reduce_max3A_424 : vector<16xi32>, vector<16xi1> -> vector<16xi32>
        %reduce_max3A_429 = arith.xori %reduce_max3A_428, %reduce_max3A_426 : vector<16xi32>
        %reduce_max3A_430 = vector.extract %reduce_max3A_429[15] : i32 from vector<16xi32>
        scf.yield %add3A_423, %add3A_421, %reduce_max3A_430 : i32, vector<16xi32>, i32
      }
      %get3A = arith.constant 0 : index
      %get3A_91 = tpu.vector_load %arg12[%get3A] {strides = array<i32>} : memref<256xi32, #tpu.memory_space<vmem>>, vector<16xi32>,
      %get3A_92 = arith.constant 16 : index
      %get3A_93 = tpu.vector_load %arg12[%get3A_92] {strides = array<i32>} : memref<256xi32, #tpu.memory_space<vmem>>, vector<16xi32>,
      %gather3A_94 = tpu.vector_load_idx %arg12[%broadcast_in_dim3A_72] : memref<256xi32, #tpu.memory_space<vmem>>[vector<16xi32>], vector<16xi32>,
      %gt3A = arith.constant 0 : i32
      %gt3A_95 = arith.cmpi sgt, %while3A_90#2, %gt3A : i32
      %jit3A_96 = arith.constant 0 : i32
      %broadcast_in_dim3A_97 = vector.broadcast %jit3A_96 : i32 to vector<16xi32>
      %select_n3A_98 = arith.select %gt3A_95, %gather3A_94, %broadcast_in_dim3A_97 : vector<16xi32>
      %lt3A_99 = vector.broadcast %while3A_90#2 : i32 to vector<16xi32>
      %lt3A_100 = arith.cmpi slt, %iota3A, %lt3A_99 : vector<16xi32>
      %select_n3A_101 = arith.select %lt3A_100, %get3A_91, %select_n3A_98 : vector<16xi1>, vector<16xi32>
      %add3A_102 = arith.constant 16 : i32
      %add3A_103 = vector.broadcast %add3A_102 : i32 to vector<16xi32>
      %add3A_104 = arith.addi %iota3A, %add3A_103 : vector<16xi32>
      %lt3A_105 = vector.broadcast %while3A_90#2 : i32 to vector<16xi32>
      %lt3A_106 = arith.cmpi slt, %add3A_104, %lt3A_105 : vector<16xi32>
      %select_n3A_107 = arith.select %lt3A_106, %get3A_93, %select_n3A_98 : vector<16xi1>, vector<16xi32>
      %add3A_108 = arith.constant 16 : i32
      %add3A_109 = vector.broadcast %add3A_108 : i32 to vector<16xi32>
      %add3A_110 = arith.addi %iota3A, %add3A_109 : vector<16xi32>
      %add3A_111 = vector.broadcast %mul3A_74 : i32 to vector<16xi32>
      %add3A_112 = arith.addi %select_n3A_101, %add3A_111 : vector<16xi32>
      tpu.vector_store_idx %arg13[%iota3A, %broadcast_in_dim3A_72, %add3A_84], %add3A_112 : memref<32x1x128xi32, #tpu.memory_space<vmem>>[vector<16xi32>, vector<16xi32>, vector<16xi32>], vector<16xi32>,
      %add3A_113 = vector.broadcast %mul3A_74 : i32 to vector<16xi32>
      %add3A_114 = arith.addi %select_n3A_107, %add3A_113 : vector<16xi32>
      tpu.vector_store_idx %arg13[%add3A_110, %broadcast_in_dim3A_72, %add3A_84], %add3A_114 : memref<32x1x128xi32, #tpu.memory_space<vmem>>[vector<16xi32>, vector<16xi32>, vector<16xi32>], vector<16xi32>,
      %gather3A_115 = tpu.vector_load_idx %arg6[%select_n3A_101] : memref<8192xf32, #tpu.memory_space<vmem>>[vector<16xi32>], vector<16xf32>,
      %sub3A_116 = arith.subf %gather3A_115, %gather3A : vector<16xf32>
      tpu.vector_store_idx %arg14[%iota3A, %add3A_84], %sub3A_116 : memref<32x128xf32, #tpu.memory_space<vmem>>[vector<16xi32>, vector<16xi32>], vector<16xf32>,
      %gather3A_117 = tpu.vector_load_idx %arg6[%select_n3A_107] : memref<8192xf32, #tpu.memory_space<vmem>>[vector<16xi32>], vector<16xf32>,
      %sub3A_118 = arith.subf %gather3A_117, %gather3A : vector<16xf32>
      tpu.vector_store_idx %arg14[%add3A_110, %add3A_84], %sub3A_118 : memref<32x128xf32, #tpu.memory_space<vmem>>[vector<16xi32>, vector<16xi32>], vector<16xf32>,
      %gather3A_119 = tpu.vector_load_idx %arg7[%select_n3A_101] : memref<8192xf32, #tpu.memory_space<vmem>>[vector<16xi32>], vector<16xf32>,
      %sub3A_120 = arith.subf %gather3A_119, %gather3A_85 : vector<16xf32>
      tpu.vector_store_idx %arg15[%iota3A, %add3A_84], %sub3A_120 : memref<32x128xf32, #tpu.memory_space<vmem>>[vector<16xi32>, vector<16xi32>], vector<16xf32>,
      %gather3A_121 = tpu.vector_load_idx %arg7[%select_n3A_107] : memref<8192xf32, #tpu.memory_space<vmem>>[vector<16xi32>], vector<16xf32>,
      %sub3A_122 = arith.subf %gather3A_121, %gather3A_85 : vector<16xf32>
      tpu.vector_store_idx %arg15[%add3A_110, %add3A_84], %sub3A_122 : memref<32x128xf32, #tpu.memory_space<vmem>>[vector<16xi32>, vector<16xi32>], vector<16xf32>,
      %gather3A_123 = tpu.vector_load_idx %arg8[%select_n3A_101] : memref<8192xf32, #tpu.memory_space<vmem>>[vector<16xi32>], vector<16xf32>,
      %sub3A_124 = arith.subf %gather3A_123, %gather3A_86 : vector<16xf32>
      tpu.vector_store_idx %arg16[%iota3A, %add3A_84], %sub3A_124 : memref<32x128xf32, #tpu.memory_space<vmem>>[vector<16xi32>, vector<16xi32>], vector<16xf32>,
      %gather3A_125 = tpu.vector_load_idx %arg8[%select_n3A_107] : memref<8192xf32, #tpu.memory_space<vmem>>[vector<16xi32>], vector<16xf32>,
      %sub3A_126 = arith.subf %gather3A_125, %gather3A_86 : vector<16xf32>
      tpu.vector_store_idx %arg16[%add3A_110, %add3A_84], %sub3A_126 : memref<32x128xf32, #tpu.memory_space<vmem>>[vector<16xi32>, vector<16xi32>], vector<16xf32>,
    }
    %scan3A_79 = arith.constant 128 : i32
    %run_scoped3A = arith.constant 0 : i32
    "tpu.region"() ({
      %run_scoped3A_82 = tpu.sem_alloc : memref<!tpu.dma_semaphore, #tpu.memory_space<semaphore_mem>>
      %dma_start3A = arith.constant 0 : i32
      %dma_start3A_83 = tpu.memref_slice %arg4[%select_n3A, %run_scoped3A, %dma_start3A, %mul3A_32] : memref<4x3x32x1024xf32, #tpu.memory_space<hbm>> -> memref<1x1x32x128xf32, #tpu.memory_space<hbm>>
      %dma_start3A_84 = tpu.memref_squeeze %dma_start3A_83 : memref<1x1x32x128xf32, #tpu.memory_space<hbm>> -> memref<32x128xf32, #tpu.memory_space<hbm>>
      %dma_start3A_85 = arith.constant 0 : i32
      %dma_start3A_86 = tpu.memref_slice %arg4[%select_n3A, %run_scoped3A, %dma_start3A_85, %mul3A_32] : memref<4x3x32x1024xf32, #tpu.memory_space<hbm>> -> memref<1x1x32x128xf32, #tpu.memory_space<hbm>>
      %dma_start3A_87 = tpu.memref_squeeze %dma_start3A_86 : memref<1x1x32x128xf32, #tpu.memory_space<hbm>> -> memref<32x128xf32, #tpu.memory_space<hbm>>
      tpu.enqueue_dma source(%arg14 : memref<32x128xf32, #tpu.memory_space<vmem>>) target(%dma_start3A_87 : memref<32x128xf32, #tpu.memory_space<hbm>>) target_semaphore(%run_scoped3A_82 : memref<!tpu.dma_semaphore, #tpu.memory_space<semaphore_mem>>)
      %dma_wait3A = arith.constant 0 : i32
      %dma_wait3A_88 = tpu.memref_slice %arg4[%select_n3A, %run_scoped3A, %dma_wait3A, %mul3A_32] : memref<4x3x32x1024xf32, #tpu.memory_space<hbm>> -> memref<1x1x32x128xf32, #tpu.memory_space<hbm>>
      %dma_wait3A_89 = tpu.memref_squeeze %dma_wait3A_88 : memref<1x1x32x128xf32, #tpu.memory_space<hbm>> -> memref<32x128xf32, #tpu.memory_space<hbm>>
      %dma_wait3A_90 = arith.constant 0 : i32
      %dma_wait3A_91 = tpu.memref_slice %arg4[%select_n3A, %run_scoped3A, %dma_wait3A_90, %mul3A_32] : memref<4x3x32x1024xf32, #tpu.memory_space<hbm>> -> memref<1x1x32x128xf32, #tpu.memory_space<hbm>>
      %dma_wait3A_92 = tpu.memref_squeeze %dma_wait3A_91 : memref<1x1x32x128xf32, #tpu.memory_space<hbm>> -> memref<32x128xf32, #tpu.memory_space<hbm>>
      tpu.wait_dma2 semaphore(%run_scoped3A_82 : memref<!tpu.dma_semaphore, #tpu.memory_space<semaphore_mem>>) src(%arg14 : memref<32x128xf32, #tpu.memory_space<vmem>>) dst(%dma_wait3A_92 : memref<32x128xf32, #tpu.memory_space<hbm>>)
      tpu.yield
    }) : () -> ()
    %run_scoped3A_80 = arith.constant 1 : i32
    "tpu.region"() ({
      %run_scoped3A_82 = tpu.sem_alloc : memref<!tpu.dma_semaphore, #tpu.memory_space<semaphore_mem>>
      %dma_start3A = arith.constant 0 : i32
      %dma_start3A_83 = tpu.memref_slice %arg4[%select_n3A, %run_scoped3A_80, %dma_start3A, %mul3A_32] : memref<4x3x32x1024xf32, #tpu.memory_space<hbm>> -> memref<1x1x32x128xf32, #tpu.memory_space<hbm>>
      %dma_start3A_84 = tpu.memref_squeeze %dma_start3A_83 : memref<1x1x32x128xf32, #tpu.memory_space<hbm>> -> memref<32x128xf32, #tpu.memory_space<hbm>>
      %dma_start3A_85 = arith.constant 0 : i32
      %dma_start3A_86 = tpu.memref_slice %arg4[%select_n3A, %run_scoped3A_80, %dma_start3A_85, %mul3A_32] : memref<4x3x32x1024xf32, #tpu.memory_space<hbm>> -> memref<1x1x32x128xf32, #tpu.memory_space<hbm>>
      %dma_start3A_87 = tpu.memref_squeeze %dma_start3A_86 : memref<1x1x32x128xf32, #tpu.memory_space<hbm>> -> memref<32x128xf32, #tpu.memory_space<hbm>>
      tpu.enqueue_dma source(%arg15 : memref<32x128xf32, #tpu.memory_space<vmem>>) target(%dma_start3A_87 : memref<32x128xf32, #tpu.memory_space<hbm>>) target_semaphore(%run_scoped3A_82 : memref<!tpu.dma_semaphore, #tpu.memory_space<semaphore_mem>>)
      %dma_wait3A = arith.constant 0 : i32
      %dma_wait3A_88 = tpu.memref_slice %arg4[%select_n3A, %run_scoped3A_80, %dma_wait3A, %mul3A_32] : memref<4x3x32x1024xf32, #tpu.memory_space<hbm>> -> memref<1x1x32x128xf32, #tpu.memory_space<hbm>>
      %dma_wait3A_89 = tpu.memref_squeeze %dma_wait3A_88 : memref<1x1x32x128xf32, #tpu.memory_space<hbm>> -> memref<32x128xf32, #tpu.memory_space<hbm>>
      %dma_wait3A_90 = arith.constant 0 : i32
      %dma_wait3A_91 = tpu.memref_slice %arg4[%select_n3A, %run_scoped3A_80, %dma_wait3A_90, %mul3A_32] : memref<4x3x32x1024xf32, #tpu.memory_space<hbm>> -> memref<1x1x32x128xf32, #tpu.memory_space<hbm>>
      %dma_wait3A_92 = tpu.memref_squeeze %dma_wait3A_91 : memref<1x1x32x128xf32, #tpu.memory_space<hbm>> -> memref<32x128xf32, #tpu.memory_space<hbm>>
      tpu.wait_dma2 semaphore(%run_scoped3A_82 : memref<!tpu.dma_semaphore, #tpu.memory_space<semaphore_mem>>) src(%arg15 : memref<32x128xf32, #tpu.memory_space<vmem>>) dst(%dma_wait3A_92 : memref<32x128xf32, #tpu.memory_space<hbm>>)
      tpu.yield
    }) : () -> ()
    %run_scoped3A_81 = arith.constant 2 : i32
    "tpu.region"() ({
      %run_scoped3A_82 = tpu.sem_alloc : memref<!tpu.dma_semaphore, #tpu.memory_space<semaphore_mem>>
      %dma_start3A = arith.constant 0 : i32
      %dma_start3A_83 = tpu.memref_slice %arg4[%select_n3A, %run_scoped3A_81, %dma_start3A, %mul3A_32] : memref<4x3x32x1024xf32, #tpu.memory_space<hbm>> -> memref<1x1x32x128xf32, #tpu.memory_space<hbm>>
      %dma_start3A_84 = tpu.memref_squeeze %dma_start3A_83 : memref<1x1x32x128xf32, #tpu.memory_space<hbm>> -> memref<32x128xf32, #tpu.memory_space<hbm>>
      %dma_start3A_85 = arith.constant 0 : i32
      %dma_start3A_86 = tpu.memref_slice %arg4[%select_n3A, %run_scoped3A_81, %dma_start3A_85, %mul3A_32] : memref<4x3x32x1024xf32, #tpu.memory_space<hbm>> -> memref<1x1x32x128xf32, #tpu.memory_space<hbm>>
      %dma_start3A_87 = tpu.memref_squeeze %dma_start3A_86 : memref<1x1x32x128xf32, #tpu.memory_space<hbm>> -> memref<32x128xf32, #tpu.memory_space<hbm>>
      tpu.enqueue_dma source(%arg16 : memref<32x128xf32, #tpu.memory_space<vmem>>) target(%dma_start3A_87 : memref<32x128xf32, #tpu.memory_space<hbm>>) target_semaphore(%run_scoped3A_82 : memref<!tpu.dma_semaphore, #tpu.memory_space<semaphore_mem>>)
      %dma_wait3A = arith.constant 0 : i32
      %dma_wait3A_88 = tpu.memref_slice %arg4[%select_n3A, %run_scoped3A_81, %dma_wait3A, %mul3A_32] : memref<4x3x32x1024xf32, #tpu.memory_space<hbm>> -> memref<1x1x32x128xf32, #tpu.memory_space<hbm>>
      %dma_wait3A_89 = tpu.memref_squeeze %dma_wait3A_88 : memref<1x1x32x128xf32, #tpu.memory_space<hbm>> -> memref<32x128xf32, #tpu.memory_space<hbm>>
      %dma_wait3A_90 = arith.constant 0 : i32
      %dma_wait3A_91 = tpu.memref_slice %arg4[%select_n3A, %run_scoped3A_81, %dma_wait3A_90, %mul3A_32] : memref<4x3x32x1024xf32, #tpu.memory_space<hbm>> -> memref<1x1x32x128xf32, #tpu.memory_space<hbm>>
      %dma_wait3A_92 = tpu.memref_squeeze %dma_wait3A_91 : memref<1x1x32x128xf32, #tpu.memory_space<hbm>> -> memref<32x128xf32, #tpu.memory_space<hbm>>
      tpu.wait_dma2 semaphore(%run_scoped3A_82 : memref<!tpu.dma_semaphore, #tpu.memory_space<semaphore_mem>>) src(%arg16 : memref<32x128xf32, #tpu.memory_space<vmem>>) dst(%dma_wait3A_92 : memref<32x128xf32, #tpu.memory_space<hbm>>)
      tpu.yield
    }) : () -> ()
    "tpu.region"() ({
      %run_scoped3A_82 = tpu.sem_alloc : memref<!tpu.dma_semaphore, #tpu.memory_space<semaphore_mem>>
      %dma_start3A = arith.constant 0 : i32
      %dma_start3A_83 = arith.constant 0 : i32
      %dma_start3A_84 = tpu.memref_slice %arg5[%select_n3A, %dma_start3A, %select_n3A_30, %dma_start3A_83] : memref<4x32x8x128xi32, #tpu.memory_space<hbm>> -> memref<1x32x1x128xi32, #tpu.memory_space<hbm>>
      %dma_start3A_85 = tpu.memref_squeeze %dma_start3A_84 : memref<1x32x1x128xi32, #tpu.memory_space<hbm>> -> memref<32x1x128xi32, #tpu.memory_space<hbm>>
      %dma_start3A_86 = arith.constant 0 : i32
      %dma_start3A_87 = arith.constant 0 : i32
      %dma_start3A_88 = tpu.memref_slice %arg5[%select_n3A, %dma_start3A_86, %select_n3A_30, %dma_start3A_87] : memref<4x32x8x128xi32, #tpu.memory_space<hbm>> -> memref<1x32x1x128xi32, #tpu.memory_space<hbm>>
      %dma_start3A_89 = tpu.memref_squeeze %dma_start3A_88 : memref<1x32x1x128xi32, #tpu.memory_space<hbm>> -> memref<32x1x128xi32, #tpu.memory_space<hbm>>
      tpu.enqueue_dma source(%arg13 : memref<32x1x128xi32, #tpu.memory_space<vmem>>) target(%dma_start3A_89 : memref<32x1x128xi32, #tpu.memory_space<hbm>>) target_semaphore(%run_scoped3A_82 : memref<!tpu.dma_semaphore, #tpu.memory_space<semaphore_mem>>)
      %dma_wait3A = arith.constant 0 : i32
      %dma_wait3A_90 = arith.constant 0 : i32
      %dma_wait3A_91 = tpu.memref_slice %arg5[%select_n3A, %dma_wait3A, %select_n3A_30, %dma_wait3A_90] : memref<4x32x8x128xi32, #tpu.memory_space<hbm>> -> memref<1x32x1x128xi32, #tpu.memory_space<hbm>>
      %dma_wait3A_92 = tpu.memref_squeeze %dma_wait3A_91 : memref<1x32x1x128xi32, #tpu.memory_space<hbm>> -> memref<32x1x128xi32, #tpu.memory_space<hbm>>
      %dma_wait3A_93 = arith.constant 0 : i32
      %dma_wait3A_94 = arith.constant 0 : i32
      %dma_wait3A_95 = tpu.memref_slice %arg5[%select_n3A, %dma_wait3A_93, %select_n3A_30, %dma_wait3A_94] : memref<4x32x8x128xi32, #tpu.memory_space<hbm>> -> memref<1x32x1x128xi32, #tpu.memory_space<hbm>>
      %dma_wait3A_96 = tpu.memref_squeeze %dma_wait3A_95 : memref<1x32x1x128xi32, #tpu.memory_space<hbm>> -> memref<32x1x128xi32, #tpu.memory_space<hbm>>
      tpu.wait_dma2 semaphore(%run_scoped3A_82 : memref<!tpu.dma_semaphore, #tpu.memory_space<semaphore_mem>>) src(%arg13 : memref<32x1x128xi32, #tpu.memory_space<vmem>>) dst(%dma_wait3A_96 : memref<32x1x128xi32, #tpu.memory_space<hbm>>)
      tpu.yield
    }) : () -> ()
    return
  }
}

module attributes {stable_mosaic.version = 14 : i64} {
  func.func @_transpose_feat_body(%arg0: i32, %arg1: i32, %arg2: memref<1x128x512xf32, #tpu.memory_space<vmem>>, %arg3: memref<1x512x128xf32, #tpu.memory_space<vmem>>) attributes {dimension_semantics = [#tpu.dimension_semantics<arbitrary>, #tpu.dimension_semantics<arbitrary>], iteration_bounds = array<i64: 4, 16>, scalar_prefetch = 0 : i64, scratch_operands = 0 : i64, tpu.core_type = #tpu.core_type<tc>, window_params = [{transform_indices = @transform_0, window_bounds = array<i64: 1, 128, 512>}, {transform_indices = @transform_1, window_bounds = array<i64: 1, 512, 128>}]} {
    %get3A = arith.constant 0 : index
    %get3A_0 = arith.constant 0 : index
    %get3A_1 = arith.constant 0 : index
    %get3A_2 = vector.load %arg2[%get3A, %get3A_0, %get3A_1] : memref<1x128x512xf32, #tpu.memory_space<vmem>>, vector<1x128x512xf32>
    %transpose3A = tpu.transpose %get3A_2, [0, 2, 1] : vector<1x128x512xf32> -> vector<1x512x128xf32>
    %swap3A = arith.constant 0 : index
    %swap3A_3 = arith.constant 0 : index
    %swap3A_4 = arith.constant 0 : index
    %swap3A_5 = vector.load %arg3[%swap3A, %swap3A_3, %swap3A_4] : memref<1x512x128xf32, #tpu.memory_space<vmem>>, vector<1x512x128xf32>
    tpu.vector_store %arg3[%swap3A, %swap3A_3, %swap3A_4], %transpose3A {strides = array<i32>} : memref<1x512x128xf32, #tpu.memory_space<vmem>>, vector<1x512x128xf32>,
    return
  }
  func.func @transform_0(%arg0: i32, %arg1: i32) -> (i32, i32, i32) {
    %c0_i32 = arith.constant 0 : i32
    %c0_i32_0 = arith.constant 0 : i32
    return %arg0, %c0_i32, %arg1 : i32, i32, i32
  }
  func.func @transform_1(%arg0: i32, %arg1: i32) -> (i32, i32, i32) {
    %c0_i32 = arith.constant 0 : i32
    %c0_i32_0 = arith.constant 0 : i32
    return %arg0, %arg1, %c0_i32 : i32, i32, i32
  }
}

module attributes {stable_mosaic.version = 14 : i64} {
  func.func @_assemble_body(%arg0: i32, %arg1: i32, %arg2: memref<1x3x8192xf32, #tpu.memory_space<vmem>>, %arg3: memref<1x8x1024x128xf32, #tpu.memory_space<vmem>>, %arg4: memref<1x131x8192xf32, #tpu.memory_space<vmem>>) attributes {dimension_semantics = [#tpu.dimension_semantics<arbitrary>, #tpu.dimension_semantics<arbitrary>], iteration_bounds = array<i64: 4, 2>, scalar_prefetch = 0 : i64, scratch_operands = 0 : i64, tpu.core_type = #tpu.core_type<tc>, window_params = [{transform_indices = @transform_0, window_bounds = array<i64: 1, 3, 8192>}, {transform_indices = @transform_1, window_bounds = array<i64: 1, 8, 1024, 128>}, {transform_indices = @transform_2, window_bounds = array<i64: 1, 131, 8192>}]} {
    %get3A = arith.constant 0 : index
    %get3A_0 = arith.constant 0 : index
    %get3A_1 = arith.constant 0 : index
    %get3A_2 = vector.load %arg2[%get3A, %get3A_0, %get3A_1] : memref<1x3x8192xf32, #tpu.memory_space<vmem>>, vector<1x3x8192xf32>
    %get3A_3 = vector.shape_cast %get3A_2 : vector<1x3x8192xf32> to vector<3x8192xf32>
    %swap3A = arith.constant 0 : index
    %swap3A_4 = arith.constant 0 : index
    %swap3A_5 = arith.constant 0 : index
    %swap3A_6 = vector.load %arg4[%swap3A, %swap3A_4, %swap3A_5] : memref<1x131x8192xf32, #tpu.memory_space<vmem>>, vector<1x3x8192xf32>
    %swap3A_7 = vector.shape_cast %swap3A_6 : vector<1x3x8192xf32> to vector<3x8192xf32>
    %swap3A_8 = vector.shape_cast %get3A_3 : vector<3x8192xf32> to vector<1x3x8192xf32>
    tpu.vector_store %arg4[%swap3A, %swap3A_4, %swap3A_5], %swap3A_8 {strides = array<i32>} : memref<1x131x8192xf32, #tpu.memory_space<vmem>>, vector<1x3x8192xf32>,
    %get3A_9 = arith.constant 0 : index
    %get3A_10 = arith.constant 0 : index
    %get3A_11 = arith.constant 0 : index
    %get3A_12 = arith.constant 0 : index
    %get3A_13 = vector.load %arg3[%get3A_9, %get3A_10, %get3A_11, %get3A_12] : memref<1x8x1024x128xf32, #tpu.memory_space<vmem>>, vector<1x1x1024x128xf32>
    %get3A_14 = vector.shape_cast %get3A_13 : vector<1x1x1024x128xf32> to vector<1024x128xf32>
    %transpose3A = tpu.transpose %get3A_14, [1, 0] : vector<1024x128xf32> -> vector<128x1024xf32>
    %swap3A_15 = arith.constant 0 : index
    %swap3A_16 = arith.constant 3 : index
    %swap3A_17 = arith.constant 0 : index
    %swap3A_18 = vector.load %arg4[%swap3A_15, %swap3A_16, %swap3A_17] : memref<1x131x8192xf32, #tpu.memory_space<vmem>>, vector<1x128x1024xf32>
    %swap3A_19 = vector.shape_cast %swap3A_18 : vector<1x128x1024xf32> to vector<128x1024xf32>
    %swap3A_20 = vector.shape_cast %transpose3A : vector<128x1024xf32> to vector<1x128x1024xf32>
    tpu.vector_store %arg4[%swap3A_15, %swap3A_16, %swap3A_17], %swap3A_20 {strides = array<i32>} : memref<1x131x8192xf32, #tpu.memory_space<vmem>>, vector<1x128x1024xf32>,
    %get3A_21 = arith.constant 0 : index
    %get3A_22 = arith.constant 1 : index
    %get3A_23 = arith.constant 0 : index
    %get3A_24 = arith.constant 0 : index
    %get3A_25 = vector.load %arg3[%get3A_21, %get3A_22, %get3A_23, %get3A_24] : memref<1x8x1024x128xf32, #tpu.memory_space<vmem>>, vector<1x1x1024x128xf32>
    %get3A_26 = vector.shape_cast %get3A_25 : vector<1x1x1024x128xf32> to vector<1024x128xf32>
    %transpose3A_27 = tpu.transpose %get3A_26, [1, 0] : vector<1024x128xf32> -> vector<128x1024xf32>
    %swap3A_28 = arith.constant 0 : index
    %swap3A_29 = arith.constant 3 : index
    %swap3A_30 = arith.constant 1024 : index
    %swap3A_31 = vector.load %arg4[%swap3A_28, %swap3A_29, %swap3A_30] : memref<1x131x8192xf32, #tpu.memory_space<vmem>>, vector<1x128x1024xf32>
    %swap3A_32 = vector.shape_cast %swap3A_31 : vector<1x128x1024xf32> to vector<128x1024xf32>
    %swap3A_33 = vector.shape_cast %transpose3A_27 : vector<128x1024xf32> to vector<1x128x1024xf32>
    tpu.vector_store %arg4[%swap3A_28, %swap3A_29, %swap3A_30], %swap3A_33 {strides = array<i32>} : memref<1x131x8192xf32, #tpu.memory_space<vmem>>, vector<1x128x1024xf32>,
    %get3A_34 = arith.constant 0 : index
    %get3A_35 = arith.constant 2 : index
    %get3A_36 = arith.constant 0 : index
    %get3A_37 = arith.constant 0 : index
    %get3A_38 = vector.load %arg3[%get3A_34, %get3A_35, %get3A_36, %get3A_37] : memref<1x8x1024x128xf32, #tpu.memory_space<vmem>>, vector<1x1x1024x128xf32>
    %get3A_39 = vector.shape_cast %get3A_38 : vector<1x1x1024x128xf32> to vector<1024x128xf32>
    %transpose3A_40 = tpu.transpose %get3A_39, [1, 0] : vector<1024x128xf32> -> vector<128x1024xf32>
    %swap3A_41 = arith.constant 0 : index
    %swap3A_42 = arith.constant 3 : index
    %swap3A_43 = arith.constant 2048 : index
    %swap3A_44 = vector.load %arg4[%swap3A_41, %swap3A_42, %swap3A_43] : memref<1x131x8192xf32, #tpu.memory_space<vmem>>, vector<1x128x1024xf32>
    %swap3A_45 = vector.shape_cast %swap3A_44 : vector<1x128x1024xf32> to vector<128x1024xf32>
    %swap3A_46 = vector.shape_cast %transpose3A_40 : vector<128x1024xf32> to vector<1x128x1024xf32>
    tpu.vector_store %arg4[%swap3A_41, %swap3A_42, %swap3A_43], %swap3A_46 {strides = array<i32>} : memref<1x131x8192xf32, #tpu.memory_space<vmem>>, vector<1x128x1024xf32>,
    %get3A_47 = arith.constant 0 : index
    %get3A_48 = arith.constant 3 : index
    %get3A_49 = arith.constant 0 : index
    %get3A_50 = arith.constant 0 : index
    %get3A_51 = vector.load %arg3[%get3A_47, %get3A_48, %get3A_49, %get3A_50] : memref<1x8x1024x128xf32, #tpu.memory_space<vmem>>, vector<1x1x1024x128xf32>
    %get3A_52 = vector.shape_cast %get3A_51 : vector<1x1x1024x128xf32> to vector<1024x128xf32>
    %transpose3A_53 = tpu.transpose %get3A_52, [1, 0] : vector<1024x128xf32> -> vector<128x1024xf32>
    %swap3A_54 = arith.constant 0 : index
    %swap3A_55 = arith.constant 3 : index
    %swap3A_56 = arith.constant 3072 : index
    %swap3A_57 = vector.load %arg4[%swap3A_54, %swap3A_55, %swap3A_56] : memref<1x131x8192xf32, #tpu.memory_space<vmem>>, vector<1x128x1024xf32>
    %swap3A_58 = vector.shape_cast %swap3A_57 : vector<1x128x1024xf32> to vector<128x1024xf32>
    %swap3A_59 = vector.shape_cast %transpose3A_53 : vector<128x1024xf32> to vector<1x128x1024xf32>
    tpu.vector_store %arg4[%swap3A_54, %swap3A_55, %swap3A_56], %swap3A_59 {strides = array<i32>} : memref<1x131x8192xf32, #tpu.memory_space<vmem>>, vector<1x128x1024xf32>,
    %get3A_60 = arith.constant 0 : index
    %get3A_61 = arith.constant 4 : index
    %get3A_62 = arith.constant 0 : index
    %get3A_63 = arith.constant 0 : index
    %get3A_64 = vector.load %arg3[%get3A_60, %get3A_61, %get3A_62, %get3A_63] : memref<1x8x1024x128xf32, #tpu.memory_space<vmem>>, vector<1x1x1024x128xf32>
    %get3A_65 = vector.shape_cast %get3A_64 : vector<1x1x1024x128xf32> to vector<1024x128xf32>
    %transpose3A_66 = tpu.transpose %get3A_65, [1, 0] : vector<1024x128xf32> -> vector<128x1024xf32>
    %swap3A_67 = arith.constant 0 : index
    %swap3A_68 = arith.constant 3 : index
    %swap3A_69 = arith.constant 4096 : index
    %swap3A_70 = vector.load %arg4[%swap3A_67, %swap3A_68, %swap3A_69] : memref<1x131x8192xf32, #tpu.memory_space<vmem>>, vector<1x128x1024xf32>
    %swap3A_71 = vector.shape_cast %swap3A_70 : vector<1x128x1024xf32> to vector<128x1024xf32>
    %swap3A_72 = vector.shape_cast %transpose3A_66 : vector<128x1024xf32> to vector<1x128x1024xf32>
    tpu.vector_store %arg4[%swap3A_67, %swap3A_68, %swap3A_69], %swap3A_72 {strides = array<i32>} : memref<1x131x8192xf32, #tpu.memory_space<vmem>>, vector<1x128x1024xf32>,
    %get3A_73 = arith.constant 0 : index
    %get3A_74 = arith.constant 5 : index
    %get3A_75 = arith.constant 0 : index
    %get3A_76 = arith.constant 0 : index
    %get3A_77 = vector.load %arg3[%get3A_73, %get3A_74, %get3A_75, %get3A_76] : memref<1x8x1024x128xf32, #tpu.memory_space<vmem>>, vector<1x1x1024x128xf32>
    %get3A_78 = vector.shape_cast %get3A_77 : vector<1x1x1024x128xf32> to vector<1024x128xf32>
    %transpose3A_79 = tpu.transpose %get3A_78, [1, 0] : vector<1024x128xf32> -> vector<128x1024xf32>
    %swap3A_80 = arith.constant 0 : index
    %swap3A_81 = arith.constant 3 : index
    %swap3A_82 = arith.constant 5120 : index
    %swap3A_83 = vector.load %arg4[%swap3A_80, %swap3A_81, %swap3A_82] : memref<1x131x8192xf32, #tpu.memory_space<vmem>>, vector<1x128x1024xf32>
    %swap3A_84 = vector.shape_cast %swap3A_83 : vector<1x128x1024xf32> to vector<128x1024xf32>
    %swap3A_85 = vector.shape_cast %transpose3A_79 : vector<128x1024xf32> to vector<1x128x1024xf32>
    tpu.vector_store %arg4[%swap3A_80, %swap3A_81, %swap3A_82], %swap3A_85 {strides = array<i32>} : memref<1x131x8192xf32, #tpu.memory_space<vmem>>, vector<1x128x1024xf32>,
    %get3A_86 = arith.constant 0 : index
    %get3A_87 = arith.constant 6 : index
    %get3A_88 = arith.constant 0 : index
    %get3A_89 = arith.constant 0 : index
    %get3A_90 = vector.load %arg3[%get3A_86, %get3A_87, %get3A_88, %get3A_89] : memref<1x8x1024x128xf32, #tpu.memory_space<vmem>>, vector<1x1x1024x128xf32>
    %get3A_91 = vector.shape_cast %get3A_90 : vector<1x1x1024x128xf32> to vector<1024x128xf32>
    %transpose3A_92 = tpu.transpose %get3A_91, [1, 0] : vector<1024x128xf32> -> vector<128x1024xf32>
    %swap3A_93 = arith.constant 0 : index
    %swap3A_94 = arith.constant 3 : index
    %swap3A_95 = arith.constant 6144 : index
    %swap3A_96 = vector.load %arg4[%swap3A_93, %swap3A_94, %swap3A_95] : memref<1x131x8192xf32, #tpu.memory_space<vmem>>, vector<1x128x1024xf32>
    %swap3A_97 = vector.shape_cast %swap3A_96 : vector<1x128x1024xf32> to vector<128x1024xf32>
    %swap3A_98 = vector.shape_cast %transpose3A_92 : vector<128x1024xf32> to vector<1x128x1024xf32>
    tpu.vector_store %arg4[%swap3A_93, %swap3A_94, %swap3A_95], %swap3A_98 {strides = array<i32>} : memref<1x131x8192xf32, #tpu.memory_space<vmem>>, vector<1x128x1024xf32>,
    %get3A_99 = arith.constant 0 : index
    %get3A_100 = arith.constant 7 : index
    %get3A_101 = arith.constant 0 : index
    %get3A_102 = arith.constant 0 : index
    %get3A_103 = vector.load %arg3[%get3A_99, %get3A_100, %get3A_101, %get3A_102] : memref<1x8x1024x128xf32, #tpu.memory_space<vmem>>, vector<1x1x1024x128xf32>
    %get3A_104 = vector.shape_cast %get3A_103 : vector<1x1x1024x128xf32> to vector<1024x128xf32>
    %transpose3A_105 = tpu.transpose %get3A_104, [1, 0] : vector<1024x128xf32> -> vector<128x1024xf32>
    %swap3A_106 = arith.constant 0 : index
    %swap3A_107 = arith.constant 3 : index
    %swap3A_108 = arith.constant 7168 : index
    %swap3A_109 = vector.load %arg4[%swap3A_106, %swap3A_107, %swap3A_108] : memref<1x131x8192xf32, #tpu.memory_space<vmem>>, vector<1x128x1024xf32>
    %swap3A_110 = vector.shape_cast %swap3A_109 : vector<1x128x1024xf32> to vector<128x1024xf32>
    %swap3A_111 = vector.shape_cast %transpose3A_105 : vector<128x1024xf32> to vector<1x128x1024xf32>
    tpu.vector_store %arg4[%swap3A_106, %swap3A_107, %swap3A_108], %swap3A_111 {strides = array<i32>} : memref<1x131x8192xf32, #tpu.memory_space<vmem>>, vector<1x128x1024xf32>,
    return
  }
  func.func @transform_0(%arg0: i32, %arg1: i32) -> (i32, i32, i32) {
    %c0_i32 = arith.constant 0 : i32
    %c0_i32_0 = arith.constant 0 : i32
    return %arg0, %c0_i32, %arg1 : i32, i32, i32
  }
  func.func @transform_1(%arg0: i32, %arg1: i32) -> (i32, i32, i32, i32) {
    %c0_i32 = arith.constant 0 : i32
    %c0_i32_0 = arith.constant 0 : i32
    %c0_i32_1 = arith.constant 0 : i32
    return %arg0, %arg1, %c0_i32, %c0_i32_0 : i32, i32, i32, i32
  }
  func.func @transform_2(%arg0: i32, %arg1: i32) -> (i32, i32, i32) {
    %c0_i32 = arith.constant 0 : i32
    %c0_i32_0 = arith.constant 0 : i32
    return %arg0, %c0_i32, %arg1 : i32, i32, i32
  }
}

module attributes {stable_mosaic.version = 14 : i64} {
  func.func @_assemble_hi_body(%arg0: i32, %arg1: i32, %arg2: memref<1x3x8192xf32, #tpu.memory_space<vmem>>, %arg3: memref<1x8x1024x128xf32, #tpu.memory_space<vmem>>, %arg4: memref<4x131x32768xf32, #tpu.memory_space<hbm>>, %arg5: memref<1x131x8192xf32, #tpu.memory_space<vmem>>) attributes {dimension_semantics = [#tpu.dimension_semantics<arbitrary>, #tpu.dimension_semantics<arbitrary>], iteration_bounds = array<i64: 4, 2>, scalar_prefetch = 0 : i64, scratch_operands = 0 : i64, tpu.core_type = #tpu.core_type<tc>, window_params = [{transform_indices = @transform_0, window_bounds = array<i64: 1, 3, 8192>}, {transform_indices = @transform_1, window_bounds = array<i64: 1, 8, 1024, 128>}, {}, {transform_indices = @transform_3, window_bounds = array<i64: 1, 131, 8192>}]} {
    %get3A = arith.constant 0 : index
    %get3A_0 = arith.constant 0 : index
    %get3A_1 = arith.constant 0 : index
    %get3A_2 = vector.load %arg2[%get3A, %get3A_0, %get3A_1] : memref<1x3x8192xf32, #tpu.memory_space<vmem>>, vector<1x3x8192xf32>
    %get3A_3 = vector.shape_cast %get3A_2 : vector<1x3x8192xf32> to vector<3x8192xf32>
    %swap3A = arith.constant 0 : index
    %swap3A_4 = arith.constant 0 : index
    %swap3A_5 = arith.constant 0 : index
    %swap3A_6 = vector.load %arg5[%swap3A, %swap3A_4, %swap3A_5] : memref<1x131x8192xf32, #tpu.memory_space<vmem>>, vector<1x3x8192xf32>
    %swap3A_7 = vector.shape_cast %swap3A_6 : vector<1x3x8192xf32> to vector<3x8192xf32>
    %swap3A_8 = vector.shape_cast %get3A_3 : vector<3x8192xf32> to vector<1x3x8192xf32>
    tpu.vector_store %arg5[%swap3A, %swap3A_4, %swap3A_5], %swap3A_8 {strides = array<i32>} : memref<1x131x8192xf32, #tpu.memory_space<vmem>>, vector<1x3x8192xf32>,
    %get3A_9 = arith.constant 0 : index
    %get3A_10 = arith.constant 0 : index
    %get3A_11 = arith.constant 0 : index
    %get3A_12 = arith.constant 0 : index
    %get3A_13 = vector.load %arg3[%get3A_9, %get3A_10, %get3A_11, %get3A_12] : memref<1x8x1024x128xf32, #tpu.memory_space<vmem>>, vector<1x1x1024x128xf32>
    %get3A_14 = vector.shape_cast %get3A_13 : vector<1x1x1024x128xf32> to vector<1024x128xf32>
    %transpose3A = tpu.transpose %get3A_14, [1, 0] : vector<1024x128xf32> -> vector<128x1024xf32>
    %swap3A_15 = arith.constant 0 : index
    %swap3A_16 = arith.constant 3 : index
    %swap3A_17 = arith.constant 0 : index
    %swap3A_18 = vector.load %arg5[%swap3A_15, %swap3A_16, %swap3A_17] : memref<1x131x8192xf32, #tpu.memory_space<vmem>>, vector<1x128x1024xf32>
    %swap3A_19 = vector.shape_cast %swap3A_18 : vector<1x128x1024xf32> to vector<128x1024xf32>
    %swap3A_20 = vector.shape_cast %transpose3A : vector<128x1024xf32> to vector<1x128x1024xf32>
    tpu.vector_store %arg5[%swap3A_15, %swap3A_16, %swap3A_17], %swap3A_20 {strides = array<i32>} : memref<1x131x8192xf32, #tpu.memory_space<vmem>>, vector<1x128x1024xf32>,
    %get3A_21 = arith.constant 0 : index
    %get3A_22 = arith.constant 1 : index
    %get3A_23 = arith.constant 0 : index
    %get3A_24 = arith.constant 0 : index
    %get3A_25 = vector.load %arg3[%get3A_21, %get3A_22, %get3A_23, %get3A_24] : memref<1x8x1024x128xf32, #tpu.memory_space<vmem>>, vector<1x1x1024x128xf32>
    %get3A_26 = vector.shape_cast %get3A_25 : vector<1x1x1024x128xf32> to vector<1024x128xf32>
    %transpose3A_27 = tpu.transpose %get3A_26, [1, 0] : vector<1024x128xf32> -> vector<128x1024xf32>
    %swap3A_28 = arith.constant 0 : index
    %swap3A_29 = arith.constant 3 : index
    %swap3A_30 = arith.constant 1024 : index
    %swap3A_31 = vector.load %arg5[%swap3A_28, %swap3A_29, %swap3A_30] : memref<1x131x8192xf32, #tpu.memory_space<vmem>>, vector<1x128x1024xf32>
    %swap3A_32 = vector.shape_cast %swap3A_31 : vector<1x128x1024xf32> to vector<128x1024xf32>
    %swap3A_33 = vector.shape_cast %transpose3A_27 : vector<128x1024xf32> to vector<1x128x1024xf32>
    tpu.vector_store %arg5[%swap3A_28, %swap3A_29, %swap3A_30], %swap3A_33 {strides = array<i32>} : memref<1x131x8192xf32, #tpu.memory_space<vmem>>, vector<1x128x1024xf32>,
    %get3A_34 = arith.constant 0 : index
    %get3A_35 = arith.constant 2 : index
    %get3A_36 = arith.constant 0 : index
    %get3A_37 = arith.constant 0 : index
    %get3A_38 = vector.load %arg3[%get3A_34, %get3A_35, %get3A_36, %get3A_37] : memref<1x8x1024x128xf32, #tpu.memory_space<vmem>>, vector<1x1x1024x128xf32>
    %get3A_39 = vector.shape_cast %get3A_38 : vector<1x1x1024x128xf32> to vector<1024x128xf32>
    %transpose3A_40 = tpu.transpose %get3A_39, [1, 0] : vector<1024x128xf32> -> vector<128x1024xf32>
    %swap3A_41 = arith.constant 0 : index
    %swap3A_42 = arith.constant 3 : index
    %swap3A_43 = arith.constant 2048 : index
    %swap3A_44 = vector.load %arg5[%swap3A_41, %swap3A_42, %swap3A_43] : memref<1x131x8192xf32, #tpu.memory_space<vmem>>, vector<1x128x1024xf32>
    %swap3A_45 = vector.shape_cast %swap3A_44 : vector<1x128x1024xf32> to vector<128x1024xf32>
    %swap3A_46 = vector.shape_cast %transpose3A_40 : vector<128x1024xf32> to vector<1x128x1024xf32>
    tpu.vector_store %arg5[%swap3A_41, %swap3A_42, %swap3A_43], %swap3A_46 {strides = array<i32>} : memref<1x131x8192xf32, #tpu.memory_space<vmem>>, vector<1x128x1024xf32>,
    %get3A_47 = arith.constant 0 : index
    %get3A_48 = arith.constant 3 : index
    %get3A_49 = arith.constant 0 : index
    %get3A_50 = arith.constant 0 : index
    %get3A_51 = vector.load %arg3[%get3A_47, %get3A_48, %get3A_49, %get3A_50] : memref<1x8x1024x128xf32, #tpu.memory_space<vmem>>, vector<1x1x1024x128xf32>
    %get3A_52 = vector.shape_cast %get3A_51 : vector<1x1x1024x128xf32> to vector<1024x128xf32>
    %transpose3A_53 = tpu.transpose %get3A_52, [1, 0] : vector<1024x128xf32> -> vector<128x1024xf32>
    %swap3A_54 = arith.constant 0 : index
    %swap3A_55 = arith.constant 3 : index
    %swap3A_56 = arith.constant 3072 : index
    %swap3A_57 = vector.load %arg5[%swap3A_54, %swap3A_55, %swap3A_56] : memref<1x131x8192xf32, #tpu.memory_space<vmem>>, vector<1x128x1024xf32>
    %swap3A_58 = vector.shape_cast %swap3A_57 : vector<1x128x1024xf32> to vector<128x1024xf32>
    %swap3A_59 = vector.shape_cast %transpose3A_53 : vector<128x1024xf32> to vector<1x128x1024xf32>
    tpu.vector_store %arg5[%swap3A_54, %swap3A_55, %swap3A_56], %swap3A_59 {strides = array<i32>} : memref<1x131x8192xf32, #tpu.memory_space<vmem>>, vector<1x128x1024xf32>,
    %get3A_60 = arith.constant 0 : index
    %get3A_61 = arith.constant 4 : index
    %get3A_62 = arith.constant 0 : index
    %get3A_63 = arith.constant 0 : index
    %get3A_64 = vector.load %arg3[%get3A_60, %get3A_61, %get3A_62, %get3A_63] : memref<1x8x1024x128xf32, #tpu.memory_space<vmem>>, vector<1x1x1024x128xf32>
    %get3A_65 = vector.shape_cast %get3A_64 : vector<1x1x1024x128xf32> to vector<1024x128xf32>
    %transpose3A_66 = tpu.transpose %get3A_65, [1, 0] : vector<1024x128xf32> -> vector<128x1024xf32>
    %swap3A_67 = arith.constant 0 : index
    %swap3A_68 = arith.constant 3 : index
    %swap3A_69 = arith.constant 4096 : index
    %swap3A_70 = vector.load %arg5[%swap3A_67, %swap3A_68, %swap3A_69] : memref<1x131x8192xf32, #tpu.memory_space<vmem>>, vector<1x128x1024xf32>
    %swap3A_71 = vector.shape_cast %swap3A_70 : vector<1x128x1024xf32> to vector<128x1024xf32>
    %swap3A_72 = vector.shape_cast %transpose3A_66 : vector<128x1024xf32> to vector<1x128x1024xf32>
    tpu.vector_store %arg5[%swap3A_67, %swap3A_68, %swap3A_69], %swap3A_72 {strides = array<i32>} : memref<1x131x8192xf32, #tpu.memory_space<vmem>>, vector<1x128x1024xf32>,
    %get3A_73 = arith.constant 0 : index
    %get3A_74 = arith.constant 5 : index
    %get3A_75 = arith.constant 0 : index
    %get3A_76 = arith.constant 0 : index
    %get3A_77 = vector.load %arg3[%get3A_73, %get3A_74, %get3A_75, %get3A_76] : memref<1x8x1024x128xf32, #tpu.memory_space<vmem>>, vector<1x1x1024x128xf32>
    %get3A_78 = vector.shape_cast %get3A_77 : vector<1x1x1024x128xf32> to vector<1024x128xf32>
    %transpose3A_79 = tpu.transpose %get3A_78, [1, 0] : vector<1024x128xf32> -> vector<128x1024xf32>
    %swap3A_80 = arith.constant 0 : index
    %swap3A_81 = arith.constant 3 : index
    %swap3A_82 = arith.constant 5120 : index
    %swap3A_83 = vector.load %arg5[%swap3A_80, %swap3A_81, %swap3A_82] : memref<1x131x8192xf32, #tpu.memory_space<vmem>>, vector<1x128x1024xf32>
    %swap3A_84 = vector.shape_cast %swap3A_83 : vector<1x128x1024xf32> to vector<128x1024xf32>
    %swap3A_85 = vector.shape_cast %transpose3A_79 : vector<128x1024xf32> to vector<1x128x1024xf32>
    tpu.vector_store %arg5[%swap3A_80, %swap3A_81, %swap3A_82], %swap3A_85 {strides = array<i32>} : memref<1x131x8192xf32, #tpu.memory_space<vmem>>, vector<1x128x1024xf32>,
    %get3A_86 = arith.constant 0 : index
    %get3A_87 = arith.constant 6 : index
    %get3A_88 = arith.constant 0 : index
    %get3A_89 = arith.constant 0 : index
    %get3A_90 = vector.load %arg3[%get3A_86, %get3A_87, %get3A_88, %get3A_89] : memref<1x8x1024x128xf32, #tpu.memory_space<vmem>>, vector<1x1x1024x128xf32>
    %get3A_91 = vector.shape_cast %get3A_90 : vector<1x1x1024x128xf32> to vector<1024x128xf32>
    %transpose3A_92 = tpu.transpose %get3A_91, [1, 0] : vector<1024x128xf32> -> vector<128x1024xf32>
    %swap3A_93 = arith.constant 0 : index
    %swap3A_94 = arith.constant 3 : index
    %swap3A_95 = arith.constant 6144 : index
    %swap3A_96 = vector.load %arg5[%swap3A_93, %swap3A_94, %swap3A_95] : memref<1x131x8192xf32, #tpu.memory_space<vmem>>, vector<1x128x1024xf32>
    %swap3A_97 = vector.shape_cast %swap3A_96 : vector<1x128x1024xf32> to vector<128x1024xf32>
    %swap3A_98 = vector.shape_cast %transpose3A_92 : vector<128x1024xf32> to vector<1x128x1024xf32>
    tpu.vector_store %arg5[%swap3A_93, %swap3A_94, %swap3A_95], %swap3A_98 {strides = array<i32>} : memref<1x131x8192xf32, #tpu.memory_space<vmem>>, vector<1x128x1024xf32>,
    %get3A_99 = arith.constant 0 : index
    %get3A_100 = arith.constant 7 : index
    %get3A_101 = arith.constant 0 : index
    %get3A_102 = arith.constant 0 : index
    %get3A_103 = vector.load %arg3[%get3A_99, %get3A_100, %get3A_101, %get3A_102] : memref<1x8x1024x128xf32, #tpu.memory_space<vmem>>, vector<1x1x1024x128xf32>
    %get3A_104 = vector.shape_cast %get3A_103 : vector<1x1x1024x128xf32> to vector<1024x128xf32>
    %transpose3A_105 = tpu.transpose %get3A_104, [1, 0] : vector<1024x128xf32> -> vector<128x1024xf32>
    %swap3A_106 = arith.constant 0 : index
    %swap3A_107 = arith.constant 3 : index
    %swap3A_108 = arith.constant 7168 : index
    %swap3A_109 = vector.load %arg5[%swap3A_106, %swap3A_107, %swap3A_108] : memref<1x131x8192xf32, #tpu.memory_space<vmem>>, vector<1x128x1024xf32>
    %swap3A_110 = vector.shape_cast %swap3A_109 : vector<1x128x1024xf32> to vector<128x1024xf32>
    %swap3A_111 = vector.shape_cast %transpose3A_105 : vector<128x1024xf32> to vector<1x128x1024xf32>
    tpu.vector_store %arg5[%swap3A_106, %swap3A_107, %swap3A_108], %swap3A_111 {strides = array<i32>} : memref<1x131x8192xf32, #tpu.memory_space<vmem>>, vector<1x128x1024xf32>,
    return
  }
  func.func @transform_0(%arg0: i32, %arg1: i32) -> (i32, i32, i32) {
    %add3A = arith.constant 2 : i32
    %add3A_0 = arith.addi %add3A, %arg1 : i32
    %c0_i32 = arith.constant 0 : i32
    %c0_i32_1 = arith.constant 0 : i32
    return %arg0, %c0_i32, %add3A_0 : i32, i32, i32
  }
  func.func @transform_1(%arg0: i32, %arg1: i32) -> (i32, i32, i32, i32) {
    %c0_i32 = arith.constant 0 : i32
    %c0_i32_0 = arith.constant 0 : i32
    %c0_i32_1 = arith.constant 0 : i32
    return %arg0, %arg1, %c0_i32, %c0_i32_0 : i32, i32, i32, i32
  }
  func.func @transform_3(%arg0: i32, %arg1: i32) -> (i32, i32, i32) {
    %add3A = arith.constant 2 : i32
    %add3A_0 = arith.addi %add3A, %arg1 : i32
    %c0_i32 = arith.constant 0 : i32
    %c0_i32_1 = arith.constant 0 : i32
    return %arg0, %c0_i32, %add3A_0 : i32, i32, i32
  }
}

</mosaic_0001>

<sc_bundles>
// kernel: kernel.11.cloned.1.call-start
scs
__scs_entry_jumppad:
0x0: {  	(pc) =	sbr.rel $0x88, $3  }
0x1: {  	(tag) =	ssettag $0x0;
	lr =	simm.s32 $0x1  }
0x2: {  	[smem:$0x3F9E] =	sst lr;
	_ =	strace $0xD0000000  }
0x3: {  	_ = 	snop  }
0x4: {  	_ = 	snop  }
0x5: {  	_ = 	snop  }
0x6: {  	_ = 	snop  }
0x7: {  	_ = 	snop  }
__scs_overlays_trampoline_lowered:
0x8: {  	[smem:$0x3FAD] =	sst s0  }
0x9: {  	[smem:$0x3FAE] =	sst s1  }
0xa: {  	[smem:$0x3FAF] =	sst s2  }
0xb: {  	[smem:$0x3FB0] =	sst s3  }
0xc: {  	[smem:$0x3FB1] =	sst s4  }
0xd: {  	[smem:$0x3FB2] =	sst s5  }
0xe: {  	[smem:$0x3FB3] =	sst s6  }
0xf: {  	[smem:$0x3FB4] =	sst s7  }
0x10: {  	[smem:$0x3FB5] =	sst s8  }
0x11: {  	[smem:$0x3FB6] =	sst s9;
	s0 =	simm.s32 @!p0 $0x0  }
0x12: {  	s1 =	sld [smem:$0x3F9C];
	s0 =	simm.s32 @p0 $0x1  }
0x13: {  	[smem:$0x3FB7] =	sst s0;
	s0 =	simm.s32 @!p1 $0x0  }
0x14: {  	s2 =	sld [smem:$0x3F9B];
	s0 =	simm.s32 @p1 $0x1  }
0x15: {  	[smem:$0x3FB8] =	sst s0;
	s0 =	simm.s32 @!p2 $0x0  }
0x16: {  	s3 =	sld [smem:$0x3FDB];
	s0 =	simm.s32 @p2 $0x1  }
0x17: {  	s4 =	simm.s32 $0x1BF5;
	[smem:$0x3FBA] =	sst s0  }
0x18: {  	s0 =	sld [smem:$0x3F9D];
	_ =	swait.ge [sflag:s4], $0x0  }
0x19: {  	s7 =	sld [smem:$0x3F9E]  }
0x1a: {  	s8 =	sadd.s32 $0xFFFFE003, lr  }
0x1b: {  	s9 =	sadd.s32 $0xFFFFFEF7, lr;
	s5 =	simm.s32 $0xFFFFFFFF;
	p2 =	slt.u32 s8, $0xFFFFF086  }
0x1c: {  	p1 =	slt.u32 s9, $0xF7A;
	s5 =	simm.s32 @!p2 $0x0  }
0x1d: {  	s5 =	simm.s32 @p1 $0x1;
	p0 =	seq.s32 s7, s2  }
0x1e: {  	s7 =	smul.u32 @!p0 $0xF7A, s2;
	p2 =	seq.s32 @!p0 s5, $0x0  }
0x1f: {  	s9 =	smul.u32 $0xF7A, s1;
	s8 =	simm.s32 @!p0 $0x1BF5;
	p2 =	por !p2, p0  }
0x20: {  	[sflag:s8] =	ssyncset.s32 @!p0 $0xFFFFF086;
	s6 =	sadd.s32 @!p0 s3, s7;
	s7 =	simm.s32 @!p0 $0x108  }
0x21: {  	s3 =	sadd.s32 s3, s9;
	s6 =	sadd.s32 @!p0 $0x88, s6;
	s7 =	simm.s32 @p2 $0x1082  }
0x22: {  	[simem:s7], [sflag:s8] =	dma.local @!p0 [hbm:s6], $0xF7A  }
0x23: {  	s9 =	sor.u32 $0xD0000000, s2;
	s6 =	simm.s32 $0x108;
	_ =	swait.ge @!p0 [sflag:s8], $0x0  }
0x24: {  	s3 =	sadd.s32 $0x88, s3;
	s6 =	simm.s32 @!p1 $0x1082;
	[sflag:s4] =	ssyncset.s32 $0xFFFFF086  }
0x25: {  	[simem:s6], [sflag:s4] =	dma.local [hbm:s3], $0xF7A  }
0x26: {  	[smem:$0x3F9E] =	sst s1;
	(tag) =	ssettag s2;
	_ =	strace s9  }
0x27: {  	s1 =	sld [smem:$0x3FAE]  }
0x28: {  	s2 =	sld [smem:$0x3FAF]  }
0x29: {  	s4 =	sld [smem:$0x3FB1]  }
0x2a: {  	p0 =	seq.s32 s5, $0x0;
	s5 =	sld [smem:$0x3FB2]  }
0x2b: {  	s6 =	sld [smem:$0x3FB3]  }
0x2c: {  	s7 =	sld [smem:$0x3FB4]  }
0x2d: {  	s3 =	simm.s32 $0x108;
	s8 =	sld [smem:$0x3FB5]  }
0x2e: {  	s3 =	simm.s32 @!p0 $0x1082;
	s9 =	sld [smem:$0x3FB6]  }
0x2f: {  	lr =	sadd.s32 s0, s3;
	s0 =	sld [smem:$0x3FAD]  }
0x30: {  	s3 =	sld [smem:$0x3FB0]  }
0x31: {  	[smem:$0x3FB9] =	sst s10  }
0x32: {  	s10 =	sld [smem:$0x3FB7];
	_ =	sdelay $0x3  }
0x33: {  	p0 =	seq.s32 s10, $0x1;
	s10 =	sld [smem:$0x3FB9];
	_ =	sdelay $0x3  }
0x34: {  	[smem:$0x3FB9] =	sst s10  }
0x35: {  	s10 =	sld [smem:$0x3FB8];
	_ =	sdelay $0x3  }
0x36: {  	p1 =	seq.s32 s10, $0x1;
	s10 =	sld [smem:$0x3FB9];
	_ =	sdelay $0x3  }
0x37: {  	[smem:$0x3FB9] =	sst s10  }
0x38: {  	s10 =	sld [smem:$0x3FBA]  }
0x39: {  	_ = 	snop;
	(pc) =	sbr.ind lr, $3  }
0x3a: {  	_ = 	snop  }
0x3b: {  	_ = 	snop  }
0x3c: {  	p2 =	seq.s32 s10, $0x1;
	s10 =	sld [smem:$0x3FB9]  }
0x3d: {  	_ =	shalt  }
0x3e: {  	_ =	shalt  }
0x3f: {  	_ =	shalt  }
0x40: {  	_ =	shalt  }
0x41: {  	_ =	shalt  }
0x42: {  	_ =	shalt  }
0x43: {  	_ =	shalt  }
0x44: {  	_ =	shalt  }
0x45: {  	_ =	shalt  }
0x46: {  	_ =	shalt  }
0x47: {  	_ =	shalt  }
0x48: {  	_ =	shalt  }
0x49: {  	_ =	shalt  }
0x4a: {  	_ =	shalt  }
0x4b: {  	_ =	shalt  }
0x4c: {  	_ =	shalt  }
0x4d: {  	_ =	shalt  }
0x4e: {  	_ =	shalt  }
0x4f: {  	_ =	shalt  }
0x50: {  	_ =	shalt  }
0x51: {  	_ =	shalt  }
0x52: {  	_ =	shalt  }
0x53: {  	_ =	shalt  }
0x54: {  	_ =	shalt  }
0x55: {  	_ =	shalt  }
0x56: {  	_ =	shalt  }
0x57: {  	_ =	shalt  }
0x58: {  	_ =	shalt  }
0x59: {  	_ =	shalt  }
0x5a: {  	_ =	shalt  }
0x5b: {  	_ =	shalt  }
0x5c: {  	_ =	shalt  }
0x5d: {  	_ =	shalt  }
0x5e: {  	_ =	shalt  }
0x5f: {  	_ =	shalt  }
0x60: {  	_ =	shalt  }
0x61: {  	_ =	shalt  }
0x62: {  	_ =	shalt  }
0x63: {  	_ =	shalt  }
0x64: {  	_ =	shalt  }
0x65: {  	_ =	shalt  }
0x66: {  	_ =	shalt  }
0x67: {  	_ =	shalt  }
0x68: {  	_ =	shalt  }
0x69: {  	_ =	shalt  }
0x6a: {  	_ =	shalt  }
0x6b: {  	_ =	shalt  }
0x6c: {  	_ =	shalt  }
0x6d: {  	_ =	shalt  }
0x6e: {  	_ =	shalt  }
0x6f: {  	_ =	shalt  }
0x70: {  	_ =	shalt  }
0x71: {  	_ =	shalt  }
0x72: {  	_ =	shalt  }
0x73: {  	_ =	shalt  }
0x74: {  	_ =	shalt  }
0x75: {  	_ =	shalt  }
0x76: {  	_ =	shalt  }
0x77: {  	_ =	shalt  }
0x78: {  	_ =	shalt  }
0x79: {  	_ =	shalt  }
0x7a: {  	_ =	shalt  }
0x7b: {  	_ =	shalt  }
0x7c: {  	_ =	shalt  }
0x7d: {  	_ =	shalt  }
0x7e: {  	_ =	shalt  }
0x7f: {  	_ =	shalt  }
0x80: {  	_ =	shalt  }
0x81: {  	_ =	shalt  }
0x82: {  	_ =	shalt  }
0x83: {  	_ =	shalt  }
0x84: {  	_ =	shalt  }
0x85: {  	_ =	shalt  }
0x86: {  	_ =	shalt  }
0x87: {  	_ =	shalt  }
.Lfunc_end0:
.L_simem_size_0:
called_computation.1_lowered:
.L_overlay_start_0:
0x88: {  	s2 =	sld [smem:$0x3FD9]  }
0x89: {  	s3 =	sld [smem:$0x3FFE];
	_ =	sdelay $0x1  }
0x8a: {  	s1 =	srdreg.scid  }
0x8b: {  	s0 =	sand.u32 $0x1, s1  }
0x8c: {  	s16 =	sshll.u32 s0, $0xA;
	s2 =	sadd.s32 s3, s2  }
0x8d: {  	s2 =	sadd.s32 s2, s16  }
0x8e: {  	[smem:$0x3FC5] =	sst s2  }
0x8f: {  	_ = 	snop  }
0x90: {  	(tm) =	ssettm $0x1  }
0x91: {  	s17 =	sld [smem:$0x3FFB];
	_ =	sdelay $0x3  }
0x92: {  	_ =	strace s17  }
0x93: {  	s2 =	sld [smem:$0x3FFC];
	_ =	sdelay $0x3  }
0x94: {  	_ =	strace s2  }
0x95: {  	s2 =	sld [smem:$0x3FFD];
	_ =	sdelay $0x3  }
0x96: {  	_ =	strace s2  }
0x97: {  	_ =	strace $0x8FFFFFFF  }
0x98: {  	s18 =	sld [smem:$0x3FDB];
	_ =	sdelay $0x1  }
0x99: {  	s19 =	simm.s32 $_scs_section_size  }
0x9a: {  	s4 =	simm.s32 $_size__tile_overlayer_lowered;
	s5 =	simm.s32 $_tile_overlayer_lowered  }
0x9b: {  	s22 =	simm.s32 $0x1BFF;
	s21 =	sshll.u32 s5, $0x1;
	s2 =	sadd.s32 s19, s18  }
0x9c: {  	s6 =	simm.s32 $0x0;
	s20 =	sshll.u32 s4, $0x1;
	s4 =	sadd.s32 s21, s2  }
0x9d: {  	[timem:s6], [sflag:s22] =	dma.local [hbm:s4], s20  }
0x9e: {  	_ =	swait.ge [sflag:s22], s20  }
0x9f: {  	s3 =	ssub.s32 $0x0, s20;
	[sflag:s22] =	ssyncset.done $0x0  }
0xa0: {  	[sflag:s22] =	ssyncadd.s32 s3;
	_ =	sdelay $0x1  }
0xa1: {  	s23 =	simm.s32 $0x1B8B  }
0xa2: {  	_ =	swait.ge [sflag:s23], $0x1  }
0xa3: {  	[sflag:s23] =	ssyncset.done $0x0  }
0xa4: {  	s25 =	simm.s32 $0x1B8E;
	s24 =	sld [smem:$0x3FFE];
	[sflag:s23] =	ssyncadd.s32 $0xFFFFFFFF  }
0xa5: {  	s26 =	simm.s32 $execute0_lowered;
	[smem:$0x3FD2] =	sst s25  }
0xa6: {  	s4 =	sshll.u32 s26, $0x1;
	_ =	strace $0x80000049;
	[dreg:$0x1] =	wrdreg $0xFFFFFFFF  }
0xa7: {  	s28 =	simm.s32 $_size_execute0_lowered;
	s2 =	sadd.s32 s2, s4;
	[dreg:$0x0] =	wrdreg $0x0  }
0xa8: {  	s4 =	sshll.u32 s28, $0x1;
	[dreg:$0x2] =	wrdreg s2  }
0xa9: {  	[dreg:$0x3] =	wrdreg s4  }
0xaa: {  	[dreg:$0x4] =	wrdreg $0xC0  }
0xab: {  	_ =	task [dreg:s6], $0x5FFFF  }
0xac: {  	[dreg:$0x1] =	wrdreg $0xFFFFFFFF  }
0xad: {  	[dreg:$0x0] =	wrdreg $0x60  }
0xae: {  	[dreg:$0x2] =	wrdreg s24  }
0xaf: {  	[dreg:$0x3] =	wrdreg $0x9  }
0xb0: {  	_ =	task.clear_ibuf [dreg:s6], $0x4FFFF;
	_ =	strace $0x90000049  }
0xb1: {  	s29 =	simm.s32 $0x9;
	_ =	strace $0x8000004B  }
0xb2: {  	_ =	swait.ge [sflag:s29], $0x1  }
0xb3: {  	[sflag:s29] =	ssyncadd.s32 $0xFFFFFFFF  }
0xb4: {  	_ =	strace $0x9000004B  }
0xb5: {  	_ =	sfence  }
0xb6: {  	s30 =	sld [smem:$0x0];
	_ =	sdelay $0x2  }
0xb7: {  	s31 =	sshll.u32 s1, $0xD;
	s1 =	sshrl.u32 s1, $0x2  }
0xb8: {  	s3 =	sand.u32 $0x4000, s31;
	s1 =	sadd.s32 s1, s30  }
0xb9: {  	s0 =	sor.u32 s3, s0;
	s1 =	sshll.u32 s1, $0x11  }
0xba: {  	s0 =	sor.u32 s1, s0  }
0xbb: {  	s0 =	sadd.s32 $0x8F2B, s0  }
0xbc: {  	[sflag:s0] =	ssyncadd.remote.s32 $0x1  }
0xbd: {  	_ =	sfence.sel $0xFFFF  }
0xbe: {  	[dreg:$0x0] =	wrdreg $0xFFFFFFFF;
	(pc) =	sbr.abs _section_cstart, $3  }
0xbf: {  	[dreg:$0x1] =	wrdreg $0xFFFFFFFF  }
0xc0: {  	_ =	task.clear_ibuf [dreg:s6], $0x2FFFF;
	_ =	strace $0x9FFFFFFF  }
0xc1: {  	(tm) =	ssettm $0x7FFFFFFF  }
tec
execute0_lowered:
.L_overlay_start_1:
0x0: {  	(tag) =	ssettag $0x1  }
0x1: {  	s0 =	srdreg.scid  }
0x2: {  	s1 =	sand.u32 $0x1, s0  }
0x3: {  	s14 =	stileid.u32;
	s2 =	sshll.u32 s1, $0x4  }
0x4: {  	s3 =	sand.u32 $0x7, s14;
	s2 =	sor.u32 s14, s2  }
0x5: {  	p1 =	sne.s32 s3, $0x0;
	p0 =	seq.s32 s2, $0x0  }
0x6: {  	p0 =	por !p1, !p0  }
0x7: {  	s4 =	simm.s32 $0x1;
	p0 =	por !p0, !p0  }
0x8: {  	s2 =	sshrl.u32 s2, $0x3;
	s4 =	simm.s32 @!p0 $0x0  }
0x9: {  	s2 =	ssub.s32 s2, s4  }
0xa: {  	s6 =	sshll.u32 s3, $0xB;
	s4 =	sshll.u32 s2, $0xF  }
0xb: {  	s3 =	sshll.u32 s3, $0x12;
	s15 =	sshll.u32 s2, $0x15;
	s4 =	sor.u32 s6, s4  }
0xc: {  	s5 =	rddreg [dreg:$0x0];
	s3 =	sor.u32 s3, s15;
	s4 =	sshrl.u32 s4, $0x3  }
0xd: {  	s2 =	simm.s32 $0x0;
	s3 =	sshrl.u32 s3, $0x3;
	s4 =	sadd.s32 s4, s5  }
0xe: {  	[smem:$0x7FF] =	sst s2;
	s31 =	sadd.s32 s3, s5;
	s16 =	sadd.s32 $0xDA00, s4  }
0xf: {  	_ =	strace $0x8000004A;
	s17 =	sadd.s32 $0x91A00, s31;
	[dreg:$0x2] =	wrdreg s16  }
0x10: {  	s18 =	sadd.s32 $0x92200, s31;
	[dreg:$0x3] =	wrdreg s17  }
0x11: {  	s19 =	sadd.s32 $0x92A00, s31;
	[dreg:$0x4] =	wrdreg s18  }
0x12: {  	s20 =	sadd.s32 $0x93200, s31;
	[dreg:$0x5] =	wrdreg s19  }
0x13: {  	s21 =	sadd.s32 $0x93A00, s31;
	[dreg:$0x6] =	wrdreg s20  }
0x14: {  	s22 =	sadd.s32 $0x94200, s31;
	[dreg:$0x7] =	wrdreg s21  }
0x15: {  	s23 =	sadd.s32 $0x94A00, s31;
	[dreg:$0x8] =	wrdreg s22  }
0x16: {  	s24 =	sadd.s32 $0x95200, s31;
	[dreg:$0x9] =	wrdreg s23  }
0x17: {  	s26 =	sadd.s32 $0x95A00, s31;
	[dreg:$0xa] =	wrdreg s24  }
0x18: {  	[dreg:$0xb] =	wrdreg s26  }
0x19: {  	s3 =	simm.s32 $0x3;
	s25 =	rddreg [dreg:$0x2]  }
0x1a: {  	[tilespmem:s2], [sflag:$0x3] =	stream.linear.gather [hbm4b:s25+s2], $0x800, $0x38;
	[tilespmem:$0x8800] =	vst v63  }
0x1b: {  	_ =	swait.ge [sflag:s3], $0x800  }
0x1c: {  	s6 =	simm.s32 $0x800;
	[sflag:s3] =	ssyncset.done $0x0  }
0x1d: {  	s4 =	sadd.s32 $0x11A00, s5;
	s5 =	simm.s32 $0x80;
	[sflag:s3] =	ssyncadd.s32 $0xFFFFF800  }
0x1e: {  	[tilespmem:s6], [sflag:$0x1] =	stream.indirect.gather [hbm4b:s4+s5], $0x80, s2, s5, $0xb8;
	[tilespmem:$0x8800] =	vst v63  }
0x1f: {  	s7 =	simm.s32 $0x1;
	s8 =	simm.s32 $0x4800  }
0x20: {  	[tilespmem:s8], [sflag:$0x2] =	stream.indirect.gather [hbm4b:s4+s5], $0x80, s5, s5, $0xb8;
	[tilespmem:$0x8800] =	vst v63  }
0x21: {  	_ =	swait.ge [sflag:s7], $0x4000  }
0x22: {  	[sflag:s7] =	ssyncset.done $0x0  }
0x23: {  	s9 =	rddreg [dreg:$0x3];
	[sflag:s7] =	ssyncadd.s32 $0xFFFFC000  }
0x24: {  	[hbm4b:s9+s2] =	stream.linear.scatter [tilespmem:s6], [sflag:$0x3], $0x4000, $0x38;
	[tilespmem:$0x8800] =	vst v63  }
0x25: {  	_ =	swait.ge [sflag:s3], $0x4000  }
0x26: {  	[sflag:s3] =	ssyncset.done $0x0  }
0x27: {  	s10 =	simm.s32 $0x2;
	s9 =	simm.s32 $0x100;
	[sflag:s3] =	ssyncadd.s32 $0xFFFFC000  }
0x28: {  	[tilespmem:s6], [sflag:$0x1] =	stream.indirect.gather [hbm4b:s4+s5], $0x80, s9, s5, $0xb8;
	[tilespmem:$0x8800] =	vst v63  }
0x29: {  	_ =	swait.ge [sflag:s10], $0x4000  }
0x2a: {  	[sflag:s10] =	ssyncset.done $0x0  }
0x2b: {  	s11 =	rddreg [dreg:$0x4];
	[sflag:s10] =	ssyncadd.s32 $0xFFFFC000  }
0x2c: {  	[hbm4b:s11+s2] =	stream.linear.scatter [tilespmem:s8], [sflag:$0x3], $0x4000, $0x38;
	[tilespmem:$0x8800] =	vst v63  }
0x2d: {  	_ =	swait.ge [sflag:s3], $0x4000  }
0x2e: {  	[sflag:s3] =	ssyncset.done $0x0  }
0x2f: {  	s11 =	simm.s32 $0x180;
	[sflag:s3] =	ssyncadd.s32 $0xFFFFC000  }
0x30: {  	[tilespmem:s8], [sflag:$0x2] =	stream.indirect.gather [hbm4b:s4+s5], $0x80, s11, s5, $0xb8;
	[tilespmem:$0x8800] =	vst v63  }
0x31: {  	_ =	swait.ge [sflag:s7], $0x4000  }
0x32: {  	[sflag:s7] =	ssyncset.done $0x0  }
0x33: {  	s12 =	rddreg [dreg:$0x5];
	[sflag:s7] =	ssyncadd.s32 $0xFFFFC000  }
0x34: {  	[hbm4b:s12+s2] =	stream.linear.scatter [tilespmem:s6], [sflag:$0x3], $0x4000, $0x38;
	[tilespmem:$0x8800] =	vst v63  }
0x35: {  	_ =	swait.ge [sflag:s3], $0x4000  }
0x36: {  	[sflag:s3] =	ssyncset.done $0x0  }
0x37: {  	s12 =	simm.s32 $0x200;
	[sflag:s3] =	ssyncadd.s32 $0xFFFFC000  }
0x38: {  	[tilespmem:s6], [sflag:$0x1] =	stream.indirect.gather [hbm4b:s4+s5], $0x80, s12, s5, $0xb8;
	[tilespmem:$0x8800] =	vst v63  }
0x39: {  	_ =	swait.ge [sflag:s10], $0x4000  }
0x3a: {  	[sflag:s10] =	ssyncset.done $0x0  }
0x3b: {  	s13 =	rddreg [dreg:$0x6];
	[sflag:s10] =	ssyncadd.s32 $0xFFFFC000  }
0x3c: {  	[hbm4b:s13+s2] =	stream.linear.scatter [tilespmem:s8], [sflag:$0x3], $0x4000, $0x38;
	[tilespmem:$0x8800] =	vst v63  }
0x3d: {  	_ =	swait.ge [sflag:s3], $0x4000  }
0x3e: {  	[sflag:s3] =	ssyncset.done $0x0  }
0x3f: {  	s13 =	simm.s32 $0x280;
	[sflag:s3] =	ssyncadd.s32 $0xFFFFC000  }
0x40: {  	[tilespmem:s8], [sflag:$0x2] =	stream.indirect.gather [hbm4b:s4+s5], $0x80, s13, s5, $0xb8;
	[tilespmem:$0x8800] =	vst v63  }
0x41: {  	_ =	swait.ge [sflag:s7], $0x4000  }
0x42: {  	[sflag:s7] =	ssyncset.done $0x0  }
0x43: {  	s14 =	rddreg [dreg:$0x7];
	[sflag:s7] =	ssyncadd.s32 $0xFFFFC000  }
0x44: {  	[hbm4b:s14+s2] =	stream.linear.scatter [tilespmem:s6], [sflag:$0x3], $0x4000, $0x38;
	[tilespmem:$0x8800] =	vst v63  }
0x45: {  	_ =	swait.ge [sflag:s3], $0x4000  }
0x46: {  	[sflag:s3] =	ssyncset.done $0x0  }
0x47: {  	s14 =	simm.s32 $0x300;
	[sflag:s3] =	ssyncadd.s32 $0xFFFFC000  }
0x48: {  	[tilespmem:s6], [sflag:$0x1] =	stream.indirect.gather [hbm4b:s4+s5], $0x80, s14, s5, $0xb8;
	[tilespmem:$0x8800] =	vst v63  }
0x49: {  	_ =	swait.ge [sflag:s10], $0x4000  }
0x4a: {  	[sflag:s10] =	ssyncset.done $0x0  }
0x4b: {  	s15 =	rddreg [dreg:$0x8];
	[sflag:s10] =	ssyncadd.s32 $0xFFFFC000  }
0x4c: {  	[hbm4b:s15+s2] =	stream.linear.scatter [tilespmem:s8], [sflag:$0x3], $0x4000, $0x38;
	[tilespmem:$0x8800] =	vst v63  }
0x4d: {  	_ =	swait.ge [sflag:s3], $0x4000  }
0x4e: {  	[sflag:s3] =	ssyncset.done $0x0  }
0x4f: {  	s15 =	simm.s32 $0x380;
	[sflag:s3] =	ssyncadd.s32 $0xFFFFC000  }
0x50: {  	[tilespmem:s8], [sflag:$0x2] =	stream.indirect.gather [hbm4b:s4+s5], $0x80, s15, s5, $0xb8;
	[tilespmem:$0x8800] =	vst v63  }
0x51: {  	_ =	swait.ge [sflag:s7], $0x4000  }
0x52: {  	[sflag:s7] =	ssyncset.done $0x0  }
0x53: {  	s16 =	rddreg [dreg:$0x9];
	[sflag:s7] =	ssyncadd.s32 $0xFFFFC000  }
0x54: {  	[hbm4b:s16+s2] =	stream.linear.scatter [tilespmem:s6], [sflag:$0x3], $0x4000, $0x38;
	[tilespmem:$0x8800] =	vst v63  }
0x55: {  	_ =	swait.ge [sflag:s3], $0x4000  }
0x56: {  	[sflag:s3] =	ssyncset.done $0x0  }
0x57: {  	s16 =	simm.s32 $0x400;
	[sflag:s3] =	ssyncadd.s32 $0xFFFFC000  }
0x58: {  	[tilespmem:s6], [sflag:$0x1] =	stream.indirect.gather [hbm4b:s4+s5], $0x80, s16, s5, $0xb8;
	[tilespmem:$0x8800] =	vst v63  }
0x59: {  	_ =	swait.ge [sflag:s10], $0x4000  }
0x5a: {  	[sflag:s10] =	ssyncset.done $0x0  }
0x5b: {  	s17 =	rddreg [dreg:$0xa];
	[sflag:s10] =	ssyncadd.s32 $0xFFFFC000  }
0x5c: {  	[hbm4b:s17+s2] =	stream.linear.scatter [tilespmem:s8], [sflag:$0x3], $0x4000, $0x38;
	[tilespmem:$0x8800] =	vst v63  }
0x5d: {  	_ =	swait.ge [sflag:s3], $0x4000  }
0x5e: {  	[sflag:s3] =	ssyncset.done $0x0  }
0x5f: {  	s17 =	simm.s32 $0x480;
	[sflag:s3] =	ssyncadd.s32 $0xFFFFC000  }
0x60: {  	[tilespmem:s8], [sflag:$0x2] =	stream.indirect.gather [hbm4b:s4+s5], $0x80, s17, s5, $0xb8;
	[tilespmem:$0x8800] =	vst v63  }
0x61: {  	_ =	swait.ge [sflag:s7], $0x4000  }
0x62: {  	[sflag:s7] =	ssyncset.done $0x0  }
0x63: {  	s18 =	rddreg [dreg:$0xb];
	[sflag:s7] =	ssyncadd.s32 $0xFFFFC000  }
0x64: {  	[hbm4b:s18+s2] =	stream.linear.scatter [tilespmem:s6], [sflag:$0x3], $0x4000, $0x38;
	[tilespmem:$0x8800] =	vst v63  }
0x65: {  	_ =	swait.ge [sflag:s3], $0x4000  }
0x66: {  	[sflag:s3] =	ssyncset.done $0x0  }
0x67: {  	s18 =	simm.s32 $0x500;
	[sflag:s3] =	ssyncadd.s32 $0xFFFFC000  }
0x68: {  	[tilespmem:s6], [sflag:$0x1] =	stream.indirect.gather [hbm4b:s4+s5], $0x80, s18, s5, $0xb8;
	[tilespmem:$0x8800] =	vst v63  }
0x69: {  	_ =	swait.ge [sflag:s10], $0x4000  }
0x6a: {  	[sflag:s10] =	ssyncset.done $0x0  }
0x6b: {  	s19 =	sadd.s32 $0x96200, s31;
	[sflag:s10] =	ssyncadd.s32 $0xFFFFC000  }
0x6c: {  	[hbm4b:s19+s2] =	stream.linear.scatter [tilespmem:s8], [sflag:$0x3], $0x4000, $0x38;
	[tilespmem:$0x8800] =	vst v63  }
0x6d: {  	_ =	swait.ge [sflag:s3], $0x4000  }
0x6e: {  	[sflag:s3] =	ssyncset.done $0x0  }
0x6f: {  	s20 =	simm.s32 $0x580;
	[sflag:s3] =	ssyncadd.s32 $0xFFFFC000  }
0x70: {  	[tilespmem:s8], [sflag:$0x2] =	stream.indirect.gather [hbm4b:s4+s5], $0x80, s20, s5, $0xb8;
	[tilespmem:$0x8800] =	vst v63  }
0x71: {  	_ =	swait.ge [sflag:s7], $0x4000  }
0x72: {  	[sflag:s7] =	ssyncset.done $0x0  }
0x73: {  	s21 =	sadd.s32 $0x96A00, s31;
	[sflag:s7] =	ssyncadd.s32 $0xFFFFC000  }
0x74: {  	[hbm4b:s21+s2] =	stream.linear.scatter [tilespmem:s6], [sflag:$0x3], $0x4000, $0x38;
	[tilespmem:$0x8800] =	vst v63  }
0x75: {  	_ =	swait.ge [sflag:s3], $0x4000  }
0x76: {  	[sflag:s3] =	ssyncset.done $0x0  }
0x77: {  	s22 =	simm.s32 $0x600;
	[sflag:s3] =	ssyncadd.s32 $0xFFFFC000  }
0x78: {  	[tilespmem:s6], [sflag:$0x1] =	stream.indirect.gather [hbm4b:s4+s5], $0x80, s22, s5, $0xb8;
	[tilespmem:$0x8800] =	vst v63  }
0x79: {  	_ =	swait.ge [sflag:s10], $0x4000  }
0x7a: {  	[sflag:s10] =	ssyncset.done $0x0  }
0x7b: {  	s23 =	sadd.s32 $0x97200, s31;
	[sflag:s10] =	ssyncadd.s32 $0xFFFFC000  }
0x7c: {  	[hbm4b:s23+s2] =	stream.linear.scatter [tilespmem:s8], [sflag:$0x3], $0x4000, $0x38;
	[tilespmem:$0x8800] =	vst v63  }
0x7d: {  	_ =	swait.ge [sflag:s3], $0x4000  }
0x7e: {  	[sflag:s3] =	ssyncset.done $0x0  }
0x7f: {  	s24 =	simm.s32 $0x680;
	[sflag:s3] =	ssyncadd.s32 $0xFFFFC000  }
0x80: {  	[tilespmem:s8], [sflag:$0x2] =	stream.indirect.gather [hbm4b:s4+s5], $0x80, s24, s5, $0xb8;
	[tilespmem:$0x8800] =	vst v63  }
0x81: {  	_ =	swait.ge [sflag:s7], $0x4000  }
0x82: {  	[sflag:s7] =	ssyncset.done $0x0  }
0x83: {  	s25 =	sadd.s32 $0x97A00, s31;
	[sflag:s7] =	ssyncadd.s32 $0xFFFFC000  }
0x84: {  	[hbm4b:s25+s2] =	stream.linear.scatter [tilespmem:s6], [sflag:$0x3], $0x4000, $0x38;
	[tilespmem:$0x8800] =	vst v63  }
0x85: {  	_ =	swait.ge [sflag:s3], $0x4000  }
0x86: {  	[sflag:s3] =	ssyncset.done $0x0  }
0x87: {  	s26 =	simm.s32 $0x700;
	[sflag:s3] =	ssyncadd.s32 $0xFFFFC000  }
0x88: {  	[tilespmem:s6], [sflag:$0x1] =	stream.indirect.gather [hbm4b:s4+s5], $0x80, s26, s5, $0xb8;
	[tilespmem:$0x8800] =	vst v63  }
0x89: {  	_ =	swait.ge [sflag:s10], $0x4000  }
0x8a: {  	[sflag:s10] =	ssyncset.done $0x0  }
0x8b: {  	s28 =	sadd.s32 $0x98200, s31;
	[sflag:s10] =	ssyncadd.s32 $0xFFFFC000  }
0x8c: {  	[hbm4b:s28+s2] =	stream.linear.scatter [tilespmem:s8], [sflag:$0x3], $0x4000, $0x38;
	[tilespmem:$0x8800] =	vst v63  }
0x8d: {  	_ =	swait.ge [sflag:s3], $0x4000  }
0x8e: {  	[sflag:s3] =	ssyncset.done $0x0  }
0x8f: {  	s29 =	simm.s32 $0x780;
	[sflag:s3] =	ssyncadd.s32 $0xFFFFC000  }
0x90: {  	[tilespmem:s8], [sflag:$0x2] =	stream.indirect.gather [hbm4b:s4+s5], $0x80, s29, s5, $0xb8;
	[tilespmem:$0x8800] =	vst v63  }
0x91: {  	_ =	swait.ge [sflag:s7], $0x4000  }
0x92: {  	s1 =	ssub.s32 $0x2, s1;
	[sflag:s7] =	ssyncset.done $0x0  }
0x93: {  	s0 =	sshrl.u32 s1, $0x1;
	s30 =	sadd.s32 $0x98A00, s31;
	[sflag:s7] =	ssyncadd.s32 $0xFFFFC000  }
0x94: {  	[hbm4b:s30+s2] =	stream.linear.scatter [tilespmem:s6], [sflag:$0x3], $0x4000, $0x38;
	[tilespmem:$0x8800] =	vst v63  }
0x95: {  	s0 =	ssub.s32 s1, s0;
	_ =	swait.ge [sflag:s3], $0x4000  }
0x96: {  	s0 =	smax.u32 s0, $0x1;
	[sflag:s3] =	ssyncset.done $0x0  }
0x97: {  	p0 =	sne.s32 s0, $0x1;
	[sflag:s3] =	ssyncadd.s32 $0xFFFFC000  }
.Ltmp0:
0x98: {  	_ =	swait.ge [sflag:s10], $0x4000;
	(pc) =	sbr.rel @!p0 .LBB2_2-.Ltmp0, $4  }
0x99: {  	[sflag:s10] =	ssyncset.done $0x0  }
0x9a: {  	s31 =	sadd.s32 $0x99200, s31;
	[sflag:s10] =	ssyncadd.s32 $0xFFFFC000  }
0x9b: {  	[hbm4b:s31+s2] =	stream.linear.scatter [tilespmem:s8], [sflag:$0x3], $0x4000, $0x38;
	[tilespmem:$0x8800] =	vst v63  }
0x9c: {  	s1 =	sadd.s32 $0xFFFFFFFF, s0;
	_ =	swait.ge [sflag:s3], $0x4000  }
.LBB2_1:
0x9d: {  	[sflag:s3] =	ssyncset.done $0x0  }
0x9e: {  	s0 =	rddreg [dreg:$0x2];
	[sflag:s3] =	ssyncadd.s32 $0xFFFFC000  }
0x9f: {  	[tilespmem:s2], [sflag:$0x3] =	stream.linear.gather [hbm4b:s0+s2], $0x800, $0x38;
	[tilespmem:$0x8800] =	vst v63  }
0xa0: {  	_ =	swait.ge [sflag:s3], $0x800  }
0xa1: {  	[sflag:s3] =	ssyncset.done $0x0  }
0xa2: {  	[sflag:s3] =	ssyncadd.s32 $0xFFFFF800  }
0xa3: {  	[tilespmem:s6], [sflag:$0x1] =	stream.indirect.gather [hbm4b:s4+s5], $0x80, s2, s5, $0xb8;
	[tilespmem:$0x8800] =	vst v63  }
0xa4: {  	_ = 	snop  }
0xa5: {  	[tilespmem:s8], [sflag:$0x2] =	stream.indirect.gather [hbm4b:s4+s5], $0x80, s5, s5, $0xb8;
	[tilespmem:$0x8800] =	vst v63  }
0xa6: {  	_ =	swait.ge [sflag:s7], $0x4000  }
0xa7: {  	[sflag:s7] =	ssyncset.done $0x0  }
0xa8: {  	s0 =	rddreg [dreg:$0x3];
	[sflag:s7] =	ssyncadd.s32 $0xFFFFC000  }
0xa9: {  	[hbm4b:s0+s2] =	stream.linear.scatter [tilespmem:s6], [sflag:$0x3], $0x4000, $0x38;
	[tilespmem:$0x8800] =	vst v63  }
0xaa: {  	_ =	swait.ge [sflag:s3], $0x4000  }
0xab: {  	[sflag:s3] =	ssyncset.done $0x0  }
0xac: {  	[sflag:s3] =	ssyncadd.s32 $0xFFFFC000  }
0xad: {  	[tilespmem:s6], [sflag:$0x1] =	stream.indirect.gather [hbm4b:s4+s5], $0x80, s9, s5, $0xb8;
	[tilespmem:$0x8800] =	vst v63  }
0xae: {  	_ =	swait.ge [sflag:s10], $0x4000  }
0xaf: {  	[sflag:s10] =	ssyncset.done $0x0  }
0xb0: {  	s0 =	rddreg [dreg:$0x4];
	[sflag:s10] =	ssyncadd.s32 $0xFFFFC000  }
0xb1: {  	[hbm4b:s0+s2] =	stream.linear.scatter [tilespmem:s8], [sflag:$0x3], $0x4000, $0x38;
	[tilespmem:$0x8800] =	vst v63  }
0xb2: {  	_ =	swait.ge [sflag:s3], $0x4000  }
0xb3: {  	[sflag:s3] =	ssyncset.done $0x0  }
0xb4: {  	[sflag:s3] =	ssyncadd.s32 $0xFFFFC000  }
0xb5: {  	[tilespmem:s8], [sflag:$0x2] =	stream.indirect.gather [hbm4b:s4+s5], $0x80, s11, s5, $0xb8;
	[tilespmem:$0x8800] =	vst v63  }
0xb6: {  	_ =	swait.ge [sflag:s7], $0x4000  }
0xb7: {  	[sflag:s7] =	ssyncset.done $0x0  }
0xb8: {  	s0 =	rddreg [dreg:$0x5];
	[sflag:s7] =	ssyncadd.s32 $0xFFFFC000  }
0xb9: {  	[hbm4b:s0+s2] =	stream.linear.scatter [tilespmem:s6], [sflag:$0x3], $0x4000, $0x38;
	[tilespmem:$0x8800] =	vst v63  }
0xba: {  	_ =	swait.ge [sflag:s3], $0x4000  }
0xbb: {  	[sflag:s3] =	ssyncset.done $0x0  }
0xbc: {  	[sflag:s3] =	ssyncadd.s32 $0xFFFFC000  }
0xbd: {  	[tilespmem:s6], [sflag:$0x1] =	stream.indirect.gather [hbm4b:s4+s5], $0x80, s12, s5, $0xb8;
	[tilespmem:$0x8800] =	vst v63  }
0xbe: {  	_ =	swait.ge [sflag:s10], $0x4000  }
0xbf: {  	[sflag:s10] =	ssyncset.done $0x0  }
0xc0: {  	s0 =	rddreg [dreg:$0x6];
	[sflag:s10] =	ssyncadd.s32 $0xFFFFC000  }
0xc1: {  	[hbm4b:s0+s2] =	stream.linear.scatter [tilespmem:s8], [sflag:$0x3], $0x4000, $0x38;
	[tilespmem:$0x8800] =	vst v63  }
0xc2: {  	_ =	swait.ge [sflag:s3], $0x4000  }
0xc3: {  	[sflag:s3] =	ssyncset.done $0x0  }
0xc4: {  	[sflag:s3] =	ssyncadd.s32 $0xFFFFC000  }
0xc5: {  	[tilespmem:s8], [sflag:$0x2] =	stream.indirect.gather [hbm4b:s4+s5], $0x80, s13, s5, $0xb8;
	[tilespmem:$0x8800] =	vst v63  }
0xc6: {  	_ =	swait.ge [sflag:s7], $0x4000  }
0xc7: {  	[sflag:s7] =	ssyncset.done $0x0  }
0xc8: {  	s0 =	rddreg [dreg:$0x7];
	[sflag:s7] =	ssyncadd.s32 $0xFFFFC000  }
0xc9: {  	[hbm4b:s0+s2] =	stream.linear.scatter [tilespmem:s6], [sflag:$0x3], $0x4000, $0x38;
	[tilespmem:$0x8800] =	vst v63  }
0xca: {  	_ =	swait.ge [sflag:s3], $0x4000  }
0xcb: {  	[sflag:s3] =	ssyncset.done $0x0  }
0xcc: {  	[sflag:s3] =	ssyncadd.s32 $0xFFFFC000  }
0xcd: {  	[tilespmem:s6], [sflag:$0x1] =	stream.indirect.gather [hbm4b:s4+s5], $0x80, s14, s5, $0xb8;
	[tilespmem:$0x8800] =	vst v63  }
0xce: {  	_ =	swait.ge [sflag:s10], $0x4000  }
0xcf: {  	[sflag:s10] =	ssyncset.done $0x0  }
0xd0: {  	s0 =	rddreg [dreg:$0x8];
	[sflag:s10] =	ssyncadd.s32 $0xFFFFC000  }
0xd1: {  	[hbm4b:s0+s2] =	stream.linear.scatter [tilespmem:s8], [sflag:$0x3], $0x4000, $0x38;
	[tilespmem:$0x8800] =	vst v63  }
0xd2: {  	_ =	swait.ge [sflag:s3], $0x4000  }
0xd3: {  	[sflag:s3] =	ssyncset.done $0x0  }
0xd4: {  	[sflag:s3] =	ssyncadd.s32 $0xFFFFC000  }
0xd5: {  	[tilespmem:s8], [sflag:$0x2] =	stream.indirect.gather [hbm4b:s4+s5], $0x80, s15, s5, $0xb8;
	[tilespmem:$0x8800] =	vst v63  }
0xd6: {  	_ =	swait.ge [sflag:s7], $0x4000  }
0xd7: {  	[sflag:s7] =	ssyncset.done $0x0  }
0xd8: {  	s0 =	rddreg [dreg:$0x9];
	[sflag:s7] =	ssyncadd.s32 $0xFFFFC000  }
0xd9: {  	[hbm4b:s0+s2] =	stream.linear.scatter [tilespmem:s6], [sflag:$0x3], $0x4000, $0x38;
	[tilespmem:$0x8800] =	vst v63  }
0xda: {  	_ =	swait.ge [sflag:s3], $0x4000  }
0xdb: {  	[sflag:s3] =	ssyncset.done $0x0  }
0xdc: {  	[sflag:s3] =	ssyncadd.s32 $0xFFFFC000  }
0xdd: {  	[tilespmem:s6], [sflag:$0x1] =	stream.indirect.gather [hbm4b:s4+s5], $0x80, s16, s5, $0xb8;
	[tilespmem:$0x8800] =	vst v63  }
0xde: {  	_ =	swait.ge [sflag:s10], $0x4000  }
0xdf: {  	[sflag:s10] =	ssyncset.done $0x0  }
0xe0: {  	s0 =	rddreg [dreg:$0xa];
	[sflag:s10] =	ssyncadd.s32 $0xFFFFC000  }
0xe1: {  	[hbm4b:s0+s2] =	stream.linear.scatter [tilespmem:s8], [sflag:$0x3], $0x4000, $0x38;
	[tilespmem:$0x8800] =	vst v63  }
0xe2: {  	_ =	swait.ge [sflag:s3], $0x4000  }
0xe3: {  	[sflag:s3] =	ssyncset.done $0x0  }
0xe4: {  	[sflag:s3] =	ssyncadd.s32 $0xFFFFC000  }
0xe5: {  	[tilespmem:s8], [sflag:$0x2] =	stream.indirect.gather [hbm4b:s4+s5], $0x80, s17, s5, $0xb8;
	[tilespmem:$0x8800] =	vst v63  }
0xe6: {  	_ =	swait.ge [sflag:s7], $0x4000  }
0xe7: {  	[sflag:s7] =	ssyncset.done $0x0  }
0xe8: {  	s0 =	rddreg [dreg:$0xb];
	[sflag:s7] =	ssyncadd.s32 $0xFFFFC000  }
0xe9: {  	[hbm4b:s0+s2] =	stream.linear.scatter [tilespmem:s6], [sflag:$0x3], $0x4000, $0x38;
	[tilespmem:$0x8800] =	vst v63  }
0xea: {  	_ =	swait.ge [sflag:s3], $0x4000  }
0xeb: {  	[sflag:s3] =	ssyncset.done $0x0  }
0xec: {  	[sflag:s3] =	ssyncadd.s32 $0xFFFFC000  }
0xed: {  	[tilespmem:s6], [sflag:$0x1] =	stream.indirect.gather [hbm4b:s4+s5], $0x80, s18, s5, $0xb8;
	[tilespmem:$0x8800] =	vst v63  }
0xee: {  	_ =	swait.ge [sflag:s10], $0x4000  }
0xef: {  	[sflag:s10] =	ssyncset.done $0x0  }
0xf0: {  	[sflag:s10] =	ssyncadd.s32 $0xFFFFC000  }
0xf1: {  	[hbm4b:s19+s2] =	stream.linear.scatter [tilespmem:s8], [sflag:$0x3], $0x4000, $0x38;
	[tilespmem:$0x8800] =	vst v63  }
0xf2: {  	_ =	swait.ge [sflag:s3], $0x4000  }
0xf3: {  	[sflag:s3] =	ssyncset.done $0x0  }
0xf4: {  	[sflag:s3] =	ssyncadd.s32 $0xFFFFC000  }
0xf5: {  	[tilespmem:s8], [sflag:$0x2] =	stream.indirect.gather [hbm4b:s4+s5], $0x80, s20, s5, $0xb8;
	[tilespmem:$0x8800] =	vst v63  }
0xf6: {  	_ =	swait.ge [sflag:s7], $0x4000  }
0xf7: {  	[sflag:s7] =	ssyncset.done $0x0  }
0xf8: {  	[sflag:s7] =	ssyncadd.s32 $0xFFFFC000  }
0xf9: {  	[hbm4b:s21+s2] =	stream.linear.scatter [tilespmem:s6], [sflag:$0x3], $0x4000, $0x38;
	[tilespmem:$0x8800] =	vst v63  }
0xfa: {  	_ =	swait.ge [sflag:s3], $0x4000  }
0xfb: {  	[sflag:s3] =	ssyncset.done $0x0  }
0xfc: {  	[sflag:s3] =	ssyncadd.s32 $0xFFFFC000  }
0xfd: {  	[tilespmem:s6], [sflag:$0x1] =	stream.indirect.gather [hbm4b:s4+s5], $0x80, s22, s5, $0xb8;
	[tilespmem:$0x8800] =	vst v63  }
0xfe: {  	_ =	swait.ge [sflag:s10], $0x4000  }
0xff: {  	[sflag:s10] =	ssyncset.done $0x0  }
0x100: {  	[sflag:s10] =	ssyncadd.s32 $0xFFFFC000  }
0x101: {  	[hbm4b:s23+s2] =	stream.linear.scatter [tilespmem:s8], [sflag:$0x3], $0x4000, $0x38;
	[tilespmem:$0x8800] =	vst v63  }
0x102: {  	_ =	swait.ge [sflag:s3], $0x4000  }
0x103: {  	[sflag:s3] =	ssyncset.done $0x0  }
0x104: {  	[sflag:s3] =	ssyncadd.s32 $0xFFFFC000  }
0x105: {  	[tilespmem:s8], [sflag:$0x2] =	stream.indirect.gather [hbm4b:s4+s5], $0x80, s24, s5, $0xb8;
	[tilespmem:$0x8800] =	vst v63  }
0x106: {  	_ =	swait.ge [sflag:s7], $0x4000  }
0x107: {  	[sflag:s7] =	ssyncset.done $0x0  }
0x108: {  	[sflag:s7] =	ssyncadd.s32 $0xFFFFC000  }
0x109: {  	[hbm4b:s25+s2] =	stream.linear.scatter [tilespmem:s6], [sflag:$0x3], $0x4000, $0x38;
	[tilespmem:$0x8800] =	vst v63  }
0x10a: {  	_ =	swait.ge [sflag:s3], $0x4000  }
0x10b: {  	[sflag:s3] =	ssyncset.done $0x0  }
0x10c: {  	[sflag:s3] =	ssyncadd.s32 $0xFFFFC000  }
0x10d: {  	[tilespmem:s6], [sflag:$0x1] =	stream.indirect.gather [hbm4b:s4+s5], $0x80, s26, s5, $0xb8;
	[tilespmem:$0x8800] =	vst v63  }
0x10e: {  	_ =	swait.ge [sflag:s10], $0x4000  }
0x10f: {  	[sflag:s10] =	ssyncset.done $0x0  }
0x110: {  	[sflag:s10] =	ssyncadd.s32 $0xFFFFC000  }
0x111: {  	[hbm4b:s28+s2] =	stream.linear.scatter [tilespmem:s8], [sflag:$0x3], $0x4000, $0x38;
	[tilespmem:$0x8800] =	vst v63  }
0x112: {  	_ =	swait.ge [sflag:s3], $0x4000  }
0x113: {  	[sflag:s3] =	ssyncset.done $0x0  }
0x114: {  	[sflag:s3] =	ssyncadd.s32 $0xFFFFC000  }
0x115: {  	[tilespmem:s8], [sflag:$0x2] =	stream.indirect.gather [hbm4b:s4+s5], $0x80, s29, s5, $0xb8;
	[tilespmem:$0x8800] =	vst v63  }
0x116: {  	_ =	swait.ge [sflag:s7], $0x4000  }
0x117: {  	[sflag:s7] =	ssyncset.done $0x0  }
0x118: {  	[sflag:s7] =	ssyncadd.s32 $0xFFFFC000  }
0x119: {  	[hbm4b:s30+s2] =	stream.linear.scatter [tilespmem:s6], [sflag:$0x3], $0x4000, $0x38;
	[tilespmem:$0x8800] =	vst v63  }
0x11a: {  	_ =	swait.ge [sflag:s3], $0x4000  }
0x11b: {  	[sflag:s3] =	ssyncset.done $0x0  }
0x11c: {  	p0 =	sne.s32 s1, $0x1;
	[sflag:s3] =	ssyncadd.s32 $0xFFFFC000  }
.Ltmp1:
0x11d: {  	_ =	swait.ge [sflag:s10], $0x4000;
	(pc) =	sbr.rel @p0 .LBB2_1-.Ltmp1, $4  }
0x11e: {  	[sflag:s10] =	ssyncset.done $0x0  }
0x11f: {  	[sflag:s10] =	ssyncadd.s32 $0xFFFFC000  }
0x120: {  	[hbm4b:s31+s2] =	stream.linear.scatter [tilespmem:s8], [sflag:$0x3], $0x4000, $0x38;
	[tilespmem:$0x8800] =	vst v63  }
0x121: {  	s1 =	sadd.s32 $0xFFFFFFFF, s1;
	_ =	swait.ge [sflag:s3], $0x4000  }
.LBB2_2:
0x122: {  	[sflag:s3] =	ssyncset.done $0x0  }
0x123: {  	[sflag:s3] =	ssyncadd.s32 $0xFFFFC000  }
0x124: {  	_ =	sfence.sel $0x180000  }
0x125: {  	[bflag:$0x0] =	sbarrier.arrive $0xFFFF  }
0x126: {  	_ =	strace $0x9000004A  }
0x127: {  	s0 =	stileid.u32;
	[bflag:$0x2] =	sbarrier.arrive $0xFFFF  }
0x128: {  	p0 =	sne.s32 s0, $0x0;
	s0 =	rddreg [dreg:$0x1]  }
0x129: {  	s0 =	sadd.s32 @!p0 $0x100000, s0  }
0x12a: {  	[sflag:s0] =	ssyncadd.tile.s32 @!p0 $0x1;
	_ =	shalt  }
.Lfunc_end2:
_tile_overlayer_lowered:
.L_overlay_start_2:
0x12b: {  	(tag) =	ssettag $0x2  }
0x12c: {  	s0 =	rddreg [dreg:$0x0];
	s2 =	stileid.u32  }
0x12d: {  	s1 =	rddreg [dreg:$0x1];
	p0 =	sne.s32 s2, $0x0  }
0x12e: {  	s3 =	rddreg [dreg:$0x2];
	[bflag:$0x3] =	sbarrier.arrive $0xFFFF;
	s2 =	simm.s32 @!p0 $0x1C03  }
0x12f: {  	[timem:s3], [sflag:s2] =	dma.local @!p0 [hbm:s0], s1  }
0x130: {  	s0 =	simm.s32 @!p0 $0x3  }
0x131: {  	_ =	swait.ge @!p0 [sflag:s0], s1  }
0x132: {  	s1 =	ssub.s32 @!p0 $0x0, s1;
	[sflag:s0] =	ssyncset.done @!p0 $0x0  }
0x133: {  	[sflag:s0] =	ssyncadd.s32 @!p0 s1  }
0x134: {  	[bflag:$0x3] =	sbarrier.arrive $0xFFFF  }
0x135: {  	_ =	shalt  }

// kernel: kernel.14.cloned.1.call-start
scs
__scs_entry_jumppad:
0x0: {  	(pc) =	sbr.rel $0x88, $3  }
0x1: {  	(tag) =	ssettag $0x0;
	lr =	simm.s32 $0x1  }
0x2: {  	[smem:$0x3F9E] =	sst lr;
	_ =	strace $0xD0000000  }
0x3: {  	_ = 	snop  }
0x4: {  	_ = 	snop  }
0x5: {  	_ = 	snop  }
0x6: {  	_ = 	snop  }
0x7: {  	_ = 	snop  }
__scs_overlays_trampoline_lowered:
0x8: {  	[smem:$0x3FAD] =	sst s0  }
0x9: {  	[smem:$0x3FAE] =	sst s1  }
0xa: {  	[smem:$0x3FAF] =	sst s2  }
0xb: {  	[smem:$0x3FB0] =	sst s3  }
0xc: {  	[smem:$0x3FB1] =	sst s4  }
0xd: {  	[smem:$0x3FB2] =	sst s5  }
0xe: {  	[smem:$0x3FB3] =	sst s6  }
0xf: {  	[smem:$0x3FB4] =	sst s7  }
0x10: {  	[smem:$0x3FB5] =	sst s8  }
0x11: {  	[smem:$0x3FB6] =	sst s9;
	s0 =	simm.s32 @!p0 $0x0  }
0x12: {  	s1 =	sld [smem:$0x3F9C];
	s0 =	simm.s32 @p0 $0x1  }
0x13: {  	[smem:$0x3FB7] =	sst s0;
	s0 =	simm.s32 @!p1 $0x0  }
0x14: {  	s2 =	sld [smem:$0x3F9B];
	s0 =	simm.s32 @p1 $0x1  }
0x15: {  	[smem:$0x3FB8] =	sst s0;
	s0 =	simm.s32 @!p2 $0x0  }
0x16: {  	s3 =	sld [smem:$0x3FDB];
	s0 =	simm.s32 @p2 $0x1  }
0x17: {  	s4 =	simm.s32 $0x1BF5;
	[smem:$0x3FBA] =	sst s0  }
0x18: {  	s0 =	sld [smem:$0x3F9D];
	_ =	swait.ge [sflag:s4], $0x0  }
0x19: {  	s7 =	sld [smem:$0x3F9E]  }
0x1a: {  	s8 =	sadd.s32 $0xFFFFE003, lr  }
0x1b: {  	s9 =	sadd.s32 $0xFFFFFEF7, lr;
	s5 =	simm.s32 $0xFFFFFFFF;
	p2 =	slt.u32 s8, $0xFFFFF086  }
0x1c: {  	p1 =	slt.u32 s9, $0xF7A;
	s5 =	simm.s32 @!p2 $0x0  }
0x1d: {  	s5 =	simm.s32 @p1 $0x1;
	p0 =	seq.s32 s7, s2  }
0x1e: {  	s7 =	smul.u32 @!p0 $0xF7A, s2;
	p2 =	seq.s32 @!p0 s5, $0x0  }
0x1f: {  	s9 =	smul.u32 $0xF7A, s1;
	s8 =	simm.s32 @!p0 $0x1BF5;
	p2 =	por !p2, p0  }
0x20: {  	[sflag:s8] =	ssyncset.s32 @!p0 $0xFFFFF086;
	s6 =	sadd.s32 @!p0 s3, s7;
	s7 =	simm.s32 @!p0 $0x108  }
0x21: {  	s3 =	sadd.s32 s3, s9;
	s6 =	sadd.s32 @!p0 $0x88, s6;
	s7 =	simm.s32 @p2 $0x1082  }
0x22: {  	[simem:s7], [sflag:s8] =	dma.local @!p0 [hbm:s6], $0xF7A  }
0x23: {  	s9 =	sor.u32 $0xD0000000, s2;
	s6 =	simm.s32 $0x108;
	_ =	swait.ge @!p0 [sflag:s8], $0x0  }
0x24: {  	s3 =	sadd.s32 $0x88, s3;
	s6 =	simm.s32 @!p1 $0x1082;
	[sflag:s4] =	ssyncset.s32 $0xFFFFF086  }
0x25: {  	[simem:s6], [sflag:s4] =	dma.local [hbm:s3], $0xF7A  }
0x26: {  	[smem:$0x3F9E] =	sst s1;
	(tag) =	ssettag s2;
	_ =	strace s9  }
0x27: {  	s1 =	sld [smem:$0x3FAE]  }
0x28: {  	s2 =	sld [smem:$0x3FAF]  }
0x29: {  	s4 =	sld [smem:$0x3FB1]  }
0x2a: {  	p0 =	seq.s32 s5, $0x0;
	s5 =	sld [smem:$0x3FB2]  }
0x2b: {  	s6 =	sld [smem:$0x3FB3]  }
0x2c: {  	s7 =	sld [smem:$0x3FB4]  }
0x2d: {  	s3 =	simm.s32 $0x108;
	s8 =	sld [smem:$0x3FB5]  }
0x2e: {  	s3 =	simm.s32 @!p0 $0x1082;
	s9 =	sld [smem:$0x3FB6]  }
0x2f: {  	lr =	sadd.s32 s0, s3;
	s0 =	sld [smem:$0x3FAD]  }
0x30: {  	s3 =	sld [smem:$0x3FB0]  }
0x31: {  	[smem:$0x3FB9] =	sst s10  }
0x32: {  	s10 =	sld [smem:$0x3FB7];
	_ =	sdelay $0x3  }
0x33: {  	p0 =	seq.s32 s10, $0x1;
	s10 =	sld [smem:$0x3FB9];
	_ =	sdelay $0x3  }
0x34: {  	[smem:$0x3FB9] =	sst s10  }
0x35: {  	s10 =	sld [smem:$0x3FB8];
	_ =	sdelay $0x3  }
0x36: {  	p1 =	seq.s32 s10, $0x1;
	s10 =	sld [smem:$0x3FB9];
	_ =	sdelay $0x3  }
0x37: {  	[smem:$0x3FB9] =	sst s10  }
0x38: {  	s10 =	sld [smem:$0x3FBA]  }
0x39: {  	_ = 	snop;
	(pc) =	sbr.ind lr, $3  }
0x3a: {  	_ = 	snop  }
0x3b: {  	_ = 	snop  }
0x3c: {  	p2 =	seq.s32 s10, $0x1;
	s10 =	sld [smem:$0x3FB9]  }
0x3d: {  	_ =	shalt  }
0x3e: {  	_ =	shalt  }
0x3f: {  	_ =	shalt  }
0x40: {  	_ =	shalt  }
0x41: {  	_ =	shalt  }
0x42: {  	_ =	shalt  }
0x43: {  	_ =	shalt  }
0x44: {  	_ =	shalt  }
0x45: {  	_ =	shalt  }
0x46: {  	_ =	shalt  }
0x47: {  	_ =	shalt  }
0x48: {  	_ =	shalt  }
0x49: {  	_ =	shalt  }
0x4a: {  	_ =	shalt  }
0x4b: {  	_ =	shalt  }
0x4c: {  	_ =	shalt  }
0x4d: {  	_ =	shalt  }
0x4e: {  	_ =	shalt  }
0x4f: {  	_ =	shalt  }
0x50: {  	_ =	shalt  }
0x51: {  	_ =	shalt  }
0x52: {  	_ =	shalt  }
0x53: {  	_ =	shalt  }
0x54: {  	_ =	shalt  }
0x55: {  	_ =	shalt  }
0x56: {  	_ =	shalt  }
0x57: {  	_ =	shalt  }
0x58: {  	_ =	shalt  }
0x59: {  	_ =	shalt  }
0x5a: {  	_ =	shalt  }
0x5b: {  	_ =	shalt  }
0x5c: {  	_ =	shalt  }
0x5d: {  	_ =	shalt  }
0x5e: {  	_ =	shalt  }
0x5f: {  	_ =	shalt  }
0x60: {  	_ =	shalt  }
0x61: {  	_ =	shalt  }
0x62: {  	_ =	shalt  }
0x63: {  	_ =	shalt  }
0x64: {  	_ =	shalt  }
0x65: {  	_ =	shalt  }
0x66: {  	_ =	shalt  }
0x67: {  	_ =	shalt  }
0x68: {  	_ =	shalt  }
0x69: {  	_ =	shalt  }
0x6a: {  	_ =	shalt  }
0x6b: {  	_ =	shalt  }
0x6c: {  	_ =	shalt  }
0x6d: {  	_ =	shalt  }
0x6e: {  	_ =	shalt  }
0x6f: {  	_ =	shalt  }
0x70: {  	_ =	shalt  }
0x71: {  	_ =	shalt  }
0x72: {  	_ =	shalt  }
0x73: {  	_ =	shalt  }
0x74: {  	_ =	shalt  }
0x75: {  	_ =	shalt  }
0x76: {  	_ =	shalt  }
0x77: {  	_ =	shalt  }
0x78: {  	_ =	shalt  }
0x79: {  	_ =	shalt  }
0x7a: {  	_ =	shalt  }
0x7b: {  	_ =	shalt  }
0x7c: {  	_ =	shalt  }
0x7d: {  	_ =	shalt  }
0x7e: {  	_ =	shalt  }
0x7f: {  	_ =	shalt  }
0x80: {  	_ =	shalt  }
0x81: {  	_ =	shalt  }
0x82: {  	_ =	shalt  }
0x83: {  	_ =	shalt  }
0x84: {  	_ =	shalt  }
0x85: {  	_ =	shalt  }
0x86: {  	_ =	shalt  }
0x87: {  	_ =	shalt  }
.Lfunc_end0:
.L_simem_size_0:
called_computation.2_lowered:
.L_overlay_start_0:
0x88: {  	s2 =	sld [smem:$0x3FD9]  }
0x89: {  	s3 =	sld [smem:$0x3FFE];
	_ =	sdelay $0x1  }
0x8a: {  	s1 =	srdreg.scid  }
0x8b: {  	s0 =	sand.u32 $0x1, s1  }
0x8c: {  	s17 =	sshll.u32 s0, $0xA;
	s2 =	sadd.s32 s3, s2  }
0x8d: {  	s2 =	sadd.s32 s2, s17  }
0x8e: {  	[smem:$0x3FC5] =	sst s2  }
0x8f: {  	_ = 	snop  }
0x90: {  	s18 =	sld [smem:$0x3FD0];
	(tm) =	ssettm $0x1  }
0x91: {  	s19 =	sld [smem:$0x3FFB];
	_ =	sdelay $0x3  }
0x92: {  	_ =	strace s19  }
0x93: {  	s2 =	sld [smem:$0x3FFC];
	_ =	sdelay $0x3  }
0x94: {  	_ =	strace s2  }
0x95: {  	s2 =	sld [smem:$0x3FFD];
	_ =	sdelay $0x3  }
0x96: {  	_ =	strace s2  }
0x97: {  	_ =	strace $0x8FFFFFFF  }
0x98: {  	s20 =	sld [smem:$0x3FDB];
	_ =	sdelay $0x1  }
0x99: {  	s4 =	simm.s32 $_scs_section_size  }
0x9a: {  	s5 =	simm.s32 $_size__tile_overlayer_lowered;
	s6 =	simm.s32 $_tile_overlayer_lowered  }
0x9b: {  	s7 =	simm.s32 $0x1BFF;
	s21 =	sshll.u32 s6, $0x1;
	s4 =	sadd.s32 s4, s20  }
0x9c: {  	s22 =	simm.s32 $0x0;
	s5 =	sshll.u32 s5, $0x1;
	s6 =	sadd.s32 s21, s4  }
0x9d: {  	[timem:s22], [sflag:s7] =	dma.local [hbm:s6], s5  }
0x9e: {  	_ =	swait.ge [sflag:s7], s5  }
0x9f: {  	s5 =	ssub.s32 $0x0, s5;
	[sflag:s7] =	ssyncset.done $0x0  }
0xa0: {  	[sflag:s7] =	ssyncadd.s32 s5;
	_ =	sdelay $0x1  }
0xa1: {  	s23 =	simm.s32 $0x1B8B  }
0xa2: {  	_ =	swait.ge [sflag:s23], $0x1  }
0xa3: {  	[sflag:s23] =	ssyncset.done $0x0  }
0xa4: {  	[sflag:s23] =	ssyncadd.s32 $0xFFFFFFFF  }
0xa5: {  	s5 =	sld [smem:$0x0]  }
0xa6: {  	s6 =	sand.u32 $0xFFFFFFFE, s1  }
0xa7: {  	p0 =	sne.s32 s1, s6  }
0xa8: {  	s6 =	sshll.u32 @p0 s6, $0xE  }
0xa9: {  	s6 =	sadd.s32 @p0 $0x11B8D, s6;
	s7 =	sshll.u32 @p0 s5, $0x11  }
0xaa: {  	s6 =	sor.u32 @p0 s7, s6  }
0xab: {  	[sflag:s6] =	ssyncadd.remote.s32 @p0 $0x1;
	_ =	sdelay $0x1  }
0xac: {  	s6 =	simm.s32 @p0 $0x1B8D  }
0xad: {  	_ =	swait.eq @p0 [sflag:s6], $0x1  }
0xae: {  	[sflag:s6] =	ssyncadd.s32 @p0 $0xFFFFFFFF  }
0xaf: {  	s7 =	sshll.u32 @!p0 s1, $0xE  }
0xb0: {  	s7 =	sor.u32 @!p0 $0x4000, s7;
	s6 =	simm.s32 @!p0 $0x1B8D  }
0xb1: {  	s5 =	sshll.u32 @!p0 s5, $0x11;
	s7 =	sadd.s32 @!p0 $0x11B8D, s7;
	_ =	swait.eq @!p0 [sflag:s6], $0x1  }
0xb2: {  	s5 =	sor.u32 @!p0 s5, s7;
	[sflag:s6] =	ssyncadd.s32 @!p0 $0xFFFFFFFF  }
0xb3: {  	s25 =	simm.s32 $0x1B8E;
	s24 =	sld [smem:$0x3FFE];
	[sflag:s5] =	ssyncadd.remote.s32 @!p0 $0x1  }
0xb4: {  	s26 =	simm.s32 $execute0_lowered;
	[smem:$0x3FD2] =	sst s25  }
0xb5: {  	s6 =	sshll.u32 s26, $0x1;
	_ =	strace $0x8000004C;
	[dreg:$0x1] =	wrdreg $0xFFFFFFFF  }
0xb6: {  	s28 =	simm.s32 $_size_execute0_lowered;
	s4 =	sadd.s32 s4, s6;
	[dreg:$0x0] =	wrdreg $0x0  }
0xb7: {  	s6 =	sshll.u32 s28, $0x1;
	[dreg:$0x2] =	wrdreg s4  }
0xb8: {  	[dreg:$0x3] =	wrdreg s6  }
0xb9: {  	[dreg:$0x4] =	wrdreg $0xC0  }
0xba: {  	_ =	task [dreg:s22], $0x5FFFF  }
0xbb: {  	[dreg:$0x1] =	wrdreg $0xFFFFFFFF  }
0xbc: {  	[dreg:$0x0] =	wrdreg $0x60  }
0xbd: {  	[dreg:$0x2] =	wrdreg s24  }
0xbe: {  	[dreg:$0x3] =	wrdreg s18  }
0xbf: {  	[dreg:$0x4] =	wrdreg $0xA  }
0xc0: {  	_ =	task.clear_ibuf [dreg:s22], $0x5FFFF;
	_ =	strace $0x9000004C  }
0xc1: {  	s29 =	simm.s32 $0xA;
	_ =	strace $0x8000004E  }
0xc2: {  	_ =	swait.ge [sflag:s29], $0x1  }
0xc3: {  	[sflag:s29] =	ssyncadd.s32 $0xFFFFFFFF  }
0xc4: {  	_ =	strace $0x9000004E  }
0xc5: {  	_ =	sfence  }
0xc6: {  	s30 =	sld [smem:$0x0];
	_ =	sdelay $0x2  }
0xc7: {  	s31 =	sshll.u32 s1, $0xD;
	s1 =	sshrl.u32 s1, $0x2  }
0xc8: {  	s4 =	sand.u32 $0x4000, s31;
	s1 =	sadd.s32 s1, s30  }
0xc9: {  	s0 =	sor.u32 s4, s0;
	s1 =	sshll.u32 s1, $0x11  }
0xca: {  	s0 =	sor.u32 s1, s0  }
0xcb: {  	s0 =	sadd.s32 $0x8F2B, s0  }
0xcc: {  	[sflag:s0] =	ssyncadd.remote.s32 $0x1  }
0xcd: {  	_ =	sfence.sel $0xFFFF  }
0xce: {  	[dreg:$0x0] =	wrdreg $0xFFFFFFFF;
	(pc) =	sbr.abs _section_cstart, $3  }
0xcf: {  	[dreg:$0x1] =	wrdreg $0xFFFFFFFF  }
0xd0: {  	_ =	task.clear_ibuf [dreg:s22], $0x2FFFF;
	_ =	strace $0x9FFFFFFF  }
0xd1: {  	(tm) =	ssettm $0x7FFFFFFF  }
tec
execute0_lowered:
.L_overlay_start_1:
0x0: {  	(tag) =	ssettag $0x1  }
0x1: {  	s0 =	srdreg.scid  }
0x2: {  	s1 =	sand.u32 $0x1, s0  }
0x3: {  	s16 =	stileid.u32;
	s2 =	sshll.u32 s1, $0x4  }
0x4: {  	s3 =	sand.u32 $0x7, s16;
	s2 =	sor.u32 s16, s2  }
0x5: {  	p1 =	sne.s32 s3, $0x0;
	p0 =	seq.s32 s2, $0x0  }
0x6: {  	p0 =	por !p1, !p0  }
0x7: {  	s4 =	simm.s32 $0x1;
	p0 =	por !p0, !p0  }
0x8: {  	s2 =	sshrl.u32 s2, $0x3;
	s4 =	simm.s32 @!p0 $0x0  }
0x9: {  	s2 =	ssub.s32 s2, s4  }
0xa: {  	s3 =	sshll.u32 s3, $0x12;
	s18 =	sshll.u32 s2, $0x15  }
0xb: {  	s5 =	rddreg [dreg:$0x0];
	s3 =	sor.u32 s3, s18  }
0xc: {  	s17 =	rddreg [dreg:$0x1];
	s3 =	sshrl.u32 s3, $0x3  }
0xd: {  	s6 =	sshll.u32 s2, $0xF;
	s2 =	simm.s32 $0x0;
	s3 =	sadd.s32 s17, s3  }
0xe: {  	[smem:$0x7FF] =	sst s2;
	s4 =	sadd.s32 $0x800, s3  }
0xf: {  	_ =	strace $0x8000004D;
	s19 =	sadd.s32 $0x1000, s3;
	[dreg:$0x4] =	wrdreg s4  }
0x10: {  	s20 =	sadd.s32 $0x1800, s3;
	[dreg:$0x5] =	wrdreg s19  }
0x11: {  	s21 =	sadd.s32 $0x2000, s3;
	[dreg:$0x6] =	wrdreg s20  }
0x12: {  	s7 =	sshll.u32 s16, $0xB;
	s22 =	sadd.s32 $0x2800, s3;
	[dreg:$0x7] =	wrdreg s21  }
0x13: {  	s6 =	sor.u32 s6, s7;
	s23 =	sadd.s32 $0x3000, s3;
	[dreg:$0x8] =	wrdreg s22  }
0x14: {  	s6 =	sor.u32 $0x4000, s6;
	s24 =	sadd.s32 $0x3800, s3;
	[dreg:$0x9] =	wrdreg s23  }
0x15: {  	s6 =	sshrl.u32 s6, $0x3;
	s25 =	sadd.s32 $0x4000, s3;
	[dreg:$0xa] =	wrdreg s24  }
0x16: {  	s6 =	sadd.s32 s6, s5;
	s26 =	sadd.s32 $0x4800, s3;
	[dreg:$0xb] =	wrdreg s25  }
0x17: {  	s6 =	sadd.s32 $0xDA00, s6;
	[dreg:$0xc] =	wrdreg s26  }
0x18: {  	[dreg:$0x3] =	wrdreg s6  }
0x19: {  	s4 =	simm.s32 $0x3;
	s6 =	rddreg [dreg:$0x3]  }
0x1a: {  	[tilespmem:s2], [sflag:$0x3] =	stream.linear.gather [hbm4b:s6+s2], $0x800, $0x38;
	[tilespmem:$0x8800] =	vst v63  }
0x1b: {  	_ =	swait.ge [sflag:s4], $0x800  }
0x1c: {  	s7 =	simm.s32 $0x800;
	[sflag:s4] =	ssyncset.done $0x0  }
0x1d: {  	s5 =	sadd.s32 $0x11A00, s5;
	s6 =	simm.s32 $0x80;
	[sflag:s4] =	ssyncadd.s32 $0xFFFFF800  }
0x1e: {  	[tilespmem:s7], [sflag:$0x1] =	stream.indirect.gather [hbm4b:s5+s6], $0x80, s2, s6, $0xb8;
	[tilespmem:$0x8800] =	vst v63  }
0x1f: {  	s8 =	simm.s32 $0x1;
	s9 =	simm.s32 $0x4800  }
0x20: {  	[tilespmem:s9], [sflag:$0x2] =	stream.indirect.gather [hbm4b:s5+s6], $0x80, s6, s6, $0xb8;
	[tilespmem:$0x8800] =	vst v63  }
0x21: {  	_ =	swait.ge [sflag:s8], $0x4000  }
0x22: {  	[sflag:s8] =	ssyncset.done $0x0  }
0x23: {  	[sflag:s8] =	ssyncadd.s32 $0xFFFFC000  }
0x24: {  	[hbm4b:s3+s2] =	stream.linear.scatter [tilespmem:s7], [sflag:$0x3], $0x4000, $0x38;
	[tilespmem:$0x8800] =	vst v63  }
0x25: {  	_ =	swait.ge [sflag:s4], $0x4000  }
0x26: {  	[sflag:s4] =	ssyncset.done $0x0  }
0x27: {  	s10 =	simm.s32 $0x100;
	s11 =	simm.s32 $0x2;
	[sflag:s4] =	ssyncadd.s32 $0xFFFFC000  }
0x28: {  	[tilespmem:s7], [sflag:$0x1] =	stream.indirect.gather [hbm4b:s5+s6], $0x80, s10, s6, $0xb8;
	[tilespmem:$0x8800] =	vst v63  }
0x29: {  	_ =	swait.ge [sflag:s11], $0x4000  }
0x2a: {  	[sflag:s11] =	ssyncset.done $0x0  }
0x2b: {  	s12 =	rddreg [dreg:$0x4];
	[sflag:s11] =	ssyncadd.s32 $0xFFFFC000  }
0x2c: {  	[hbm4b:s12+s2] =	stream.linear.scatter [tilespmem:s9], [sflag:$0x3], $0x4000, $0x38;
	[tilespmem:$0x8800] =	vst v63  }
0x2d: {  	_ =	swait.ge [sflag:s4], $0x4000  }
0x2e: {  	[sflag:s4] =	ssyncset.done $0x0  }
0x2f: {  	s12 =	simm.s32 $0x180;
	[sflag:s4] =	ssyncadd.s32 $0xFFFFC000  }
0x30: {  	[tilespmem:s9], [sflag:$0x2] =	stream.indirect.gather [hbm4b:s5+s6], $0x80, s12, s6, $0xb8;
	[tilespmem:$0x8800] =	vst v63  }
0x31: {  	_ =	swait.ge [sflag:s8], $0x4000  }
0x32: {  	[sflag:s8] =	ssyncset.done $0x0  }
0x33: {  	s13 =	rddreg [dreg:$0x5];
	[sflag:s8] =	ssyncadd.s32 $0xFFFFC000  }
0x34: {  	[hbm4b:s13+s2] =	stream.linear.scatter [tilespmem:s7], [sflag:$0x3], $0x4000, $0x38;
	[tilespmem:$0x8800] =	vst v63  }
0x35: {  	_ =	swait.ge [sflag:s4], $0x4000  }
0x36: {  	[sflag:s4] =	ssyncset.done $0x0  }
0x37: {  	s13 =	simm.s32 $0x200;
	[sflag:s4] =	ssyncadd.s32 $0xFFFFC000  }
0x38: {  	[tilespmem:s7], [sflag:$0x1] =	stream.indirect.gather [hbm4b:s5+s6], $0x80, s13, s6, $0xb8;
	[tilespmem:$0x8800] =	vst v63  }
0x39: {  	_ =	swait.ge [sflag:s11], $0x4000  }
0x3a: {  	[sflag:s11] =	ssyncset.done $0x0  }
0x3b: {  	s14 =	rddreg [dreg:$0x6];
	[sflag:s11] =	ssyncadd.s32 $0xFFFFC000  }
0x3c: {  	[hbm4b:s14+s2] =	stream.linear.scatter [tilespmem:s9], [sflag:$0x3], $0x4000, $0x38;
	[tilespmem:$0x8800] =	vst v63  }
0x3d: {  	_ =	swait.ge [sflag:s4], $0x4000  }
0x3e: {  	[sflag:s4] =	ssyncset.done $0x0  }
0x3f: {  	s14 =	simm.s32 $0x280;
	[sflag:s4] =	ssyncadd.s32 $0xFFFFC000  }
0x40: {  	[tilespmem:s9], [sflag:$0x2] =	stream.indirect.gather [hbm4b:s5+s6], $0x80, s14, s6, $0xb8;
	[tilespmem:$0x8800] =	vst v63  }
0x41: {  	_ =	swait.ge [sflag:s8], $0x4000  }
0x42: {  	[sflag:s8] =	ssyncset.done $0x0  }
0x43: {  	s15 =	rddreg [dreg:$0x7];
	[sflag:s8] =	ssyncadd.s32 $0xFFFFC000  }
0x44: {  	[hbm4b:s15+s2] =	stream.linear.scatter [tilespmem:s7], [sflag:$0x3], $0x4000, $0x38;
	[tilespmem:$0x8800] =	vst v63  }
0x45: {  	_ =	swait.ge [sflag:s4], $0x4000  }
0x46: {  	[sflag:s4] =	ssyncset.done $0x0  }
0x47: {  	s15 =	simm.s32 $0x300;
	[sflag:s4] =	ssyncadd.s32 $0xFFFFC000  }
0x48: {  	[tilespmem:s7], [sflag:$0x1] =	stream.indirect.gather [hbm4b:s5+s6], $0x80, s15, s6, $0xb8;
	[tilespmem:$0x8800] =	vst v63  }
0x49: {  	_ =	swait.ge [sflag:s11], $0x4000  }
0x4a: {  	[sflag:s11] =	ssyncset.done $0x0  }
0x4b: {  	s16 =	rddreg [dreg:$0x8];
	[sflag:s11] =	ssyncadd.s32 $0xFFFFC000  }
0x4c: {  	[hbm4b:s16+s2] =	stream.linear.scatter [tilespmem:s9], [sflag:$0x3], $0x4000, $0x38;
	[tilespmem:$0x8800] =	vst v63  }
0x4d: {  	_ =	swait.ge [sflag:s4], $0x4000  }
0x4e: {  	[sflag:s4] =	ssyncset.done $0x0  }
0x4f: {  	s16 =	simm.s32 $0x380;
	[sflag:s4] =	ssyncadd.s32 $0xFFFFC000  }
0x50: {  	[tilespmem:s9], [sflag:$0x2] =	stream.indirect.gather [hbm4b:s5+s6], $0x80, s16, s6, $0xb8;
	[tilespmem:$0x8800] =	vst v63  }
0x51: {  	_ =	swait.ge [sflag:s8], $0x4000  }
0x52: {  	[sflag:s8] =	ssyncset.done $0x0  }
0x53: {  	s17 =	rddreg [dreg:$0x9];
	[sflag:s8] =	ssyncadd.s32 $0xFFFFC000  }
0x54: {  	[hbm4b:s17+s2] =	stream.linear.scatter [tilespmem:s7], [sflag:$0x3], $0x4000, $0x38;
	[tilespmem:$0x8800] =	vst v63  }
0x55: {  	_ =	swait.ge [sflag:s4], $0x4000  }
0x56: {  	[sflag:s4] =	ssyncset.done $0x0  }
0x57: {  	s17 =	simm.s32 $0x400;
	[sflag:s4] =	ssyncadd.s32 $0xFFFFC000  }
0x58: {  	[tilespmem:s7], [sflag:$0x1] =	stream.indirect.gather [hbm4b:s5+s6], $0x80, s17, s6, $0xb8;
	[tilespmem:$0x8800] =	vst v63  }
0x59: {  	_ =	swait.ge [sflag:s11], $0x4000  }
0x5a: {  	[sflag:s11] =	ssyncset.done $0x0  }
0x5b: {  	s18 =	rddreg [dreg:$0xa];
	[sflag:s11] =	ssyncadd.s32 $0xFFFFC000  }
0x5c: {  	[hbm4b:s18+s2] =	stream.linear.scatter [tilespmem:s9], [sflag:$0x3], $0x4000, $0x38;
	[tilespmem:$0x8800] =	vst v63  }
0x5d: {  	_ =	swait.ge [sflag:s4], $0x4000  }
0x5e: {  	[sflag:s4] =	ssyncset.done $0x0  }
0x5f: {  	s18 =	simm.s32 $0x480;
	[sflag:s4] =	ssyncadd.s32 $0xFFFFC000  }
0x60: {  	[tilespmem:s9], [sflag:$0x2] =	stream.indirect.gather [hbm4b:s5+s6], $0x80, s18, s6, $0xb8;
	[tilespmem:$0x8800] =	vst v63  }
0x61: {  	_ =	swait.ge [sflag:s8], $0x4000  }
0x62: {  	[sflag:s8] =	ssyncset.done $0x0  }
0x63: {  	s19 =	rddreg [dreg:$0xb];
	[sflag:s8] =	ssyncadd.s32 $0xFFFFC000  }
0x64: {  	[hbm4b:s19+s2] =	stream.linear.scatter [tilespmem:s7], [sflag:$0x3], $0x4000, $0x38;
	[tilespmem:$0x8800] =	vst v63  }
0x65: {  	_ =	swait.ge [sflag:s4], $0x4000  }
0x66: {  	[sflag:s4] =	ssyncset.done $0x0  }
0x67: {  	s19 =	simm.s32 $0x500;
	[sflag:s4] =	ssyncadd.s32 $0xFFFFC000  }
0x68: {  	[tilespmem:s7], [sflag:$0x1] =	stream.indirect.gather [hbm4b:s5+s6], $0x80, s19, s6, $0xb8;
	[tilespmem:$0x8800] =	vst v63  }
0x69: {  	_ =	swait.ge [sflag:s11], $0x4000  }
0x6a: {  	[sflag:s11] =	ssyncset.done $0x0  }
0x6b: {  	s20 =	rddreg [dreg:$0xc];
	[sflag:s11] =	ssyncadd.s32 $0xFFFFC000  }
0x6c: {  	[hbm4b:s20+s2] =	stream.linear.scatter [tilespmem:s9], [sflag:$0x3], $0x4000, $0x38;
	[tilespmem:$0x8800] =	vst v63  }
0x6d: {  	_ =	swait.ge [sflag:s4], $0x4000  }
0x6e: {  	[sflag:s4] =	ssyncset.done $0x0  }
0x6f: {  	s20 =	simm.s32 $0x580;
	[sflag:s4] =	ssyncadd.s32 $0xFFFFC000  }
0x70: {  	[tilespmem:s9], [sflag:$0x2] =	stream.indirect.gather [hbm4b:s5+s6], $0x80, s20, s6, $0xb8;
	[tilespmem:$0x8800] =	vst v63  }
0x71: {  	_ =	swait.ge [sflag:s8], $0x4000  }
0x72: {  	[sflag:s8] =	ssyncset.done $0x0  }
0x73: {  	s21 =	sadd.s32 $0x5000, s3;
	[sflag:s8] =	ssyncadd.s32 $0xFFFFC000  }
0x74: {  	[hbm4b:s21+s2] =	stream.linear.scatter [tilespmem:s7], [sflag:$0x3], $0x4000, $0x38;
	[tilespmem:$0x8800] =	vst v63  }
0x75: {  	_ =	swait.ge [sflag:s4], $0x4000  }
0x76: {  	[sflag:s4] =	ssyncset.done $0x0  }
0x77: {  	s22 =	simm.s32 $0x600;
	[sflag:s4] =	ssyncadd.s32 $0xFFFFC000  }
0x78: {  	[tilespmem:s7], [sflag:$0x1] =	stream.indirect.gather [hbm4b:s5+s6], $0x80, s22, s6, $0xb8;
	[tilespmem:$0x8800] =	vst v63  }
0x79: {  	_ =	swait.ge [sflag:s11], $0x4000  }
0x7a: {  	[sflag:s11] =	ssyncset.done $0x0  }
0x7b: {  	s23 =	sadd.s32 $0x5800, s3;
	[sflag:s11] =	ssyncadd.s32 $0xFFFFC000  }
0x7c: {  	[hbm4b:s23+s2] =	stream.linear.scatter [tilespmem:s9], [sflag:$0x3], $0x4000, $0x38;
	[tilespmem:$0x8800] =	vst v63  }
0x7d: {  	_ =	swait.ge [sflag:s4], $0x4000  }
0x7e: {  	[sflag:s4] =	ssyncset.done $0x0  }
0x7f: {  	s24 =	simm.s32 $0x680;
	[sflag:s4] =	ssyncadd.s32 $0xFFFFC000  }
0x80: {  	[tilespmem:s9], [sflag:$0x2] =	stream.indirect.gather [hbm4b:s5+s6], $0x80, s24, s6, $0xb8;
	[tilespmem:$0x8800] =	vst v63  }
0x81: {  	_ =	swait.ge [sflag:s8], $0x4000  }
0x82: {  	[sflag:s8] =	ssyncset.done $0x0  }
0x83: {  	s25 =	sadd.s32 $0x6000, s3;
	[sflag:s8] =	ssyncadd.s32 $0xFFFFC000  }
0x84: {  	[hbm4b:s25+s2] =	stream.linear.scatter [tilespmem:s7], [sflag:$0x3], $0x4000, $0x38;
	[tilespmem:$0x8800] =	vst v63  }
0x85: {  	_ =	swait.ge [sflag:s4], $0x4000  }
0x86: {  	[sflag:s4] =	ssyncset.done $0x0  }
0x87: {  	s26 =	simm.s32 $0x700;
	[sflag:s4] =	ssyncadd.s32 $0xFFFFC000  }
0x88: {  	[tilespmem:s7], [sflag:$0x1] =	stream.indirect.gather [hbm4b:s5+s6], $0x80, s26, s6, $0xb8;
	[tilespmem:$0x8800] =	vst v63  }
0x89: {  	_ =	swait.ge [sflag:s11], $0x4000  }
0x8a: {  	[sflag:s11] =	ssyncset.done $0x0  }
0x8b: {  	s28 =	sadd.s32 $0x6800, s3;
	[sflag:s11] =	ssyncadd.s32 $0xFFFFC000  }
0x8c: {  	[hbm4b:s28+s2] =	stream.linear.scatter [tilespmem:s9], [sflag:$0x3], $0x4000, $0x38;
	[tilespmem:$0x8800] =	vst v63  }
0x8d: {  	_ =	swait.ge [sflag:s4], $0x4000  }
0x8e: {  	[sflag:s4] =	ssyncset.done $0x0  }
0x8f: {  	s29 =	simm.s32 $0x780;
	[sflag:s4] =	ssyncadd.s32 $0xFFFFC000  }
0x90: {  	[tilespmem:s9], [sflag:$0x2] =	stream.indirect.gather [hbm4b:s5+s6], $0x80, s29, s6, $0xb8;
	[tilespmem:$0x8800] =	vst v63  }
0x91: {  	_ =	swait.ge [sflag:s8], $0x4000  }
0x92: {  	s1 =	ssub.s32 $0x2, s1;
	[sflag:s8] =	ssyncset.done $0x0  }
0x93: {  	s31 =	sshrl.u32 s1, $0x1;
	s30 =	sadd.s32 $0x7000, s3;
	[sflag:s8] =	ssyncadd.s32 $0xFFFFC000  }
0x94: {  	[hbm4b:s30+s2] =	stream.linear.scatter [tilespmem:s7], [sflag:$0x3], $0x4000, $0x38;
	[tilespmem:$0x8800] =	vst v63  }
0x95: {  	s1 =	ssub.s32 s1, s31;
	_ =	swait.ge [sflag:s4], $0x4000  }
0x96: {  	s1 =	smax.u32 s1, $0x1;
	[sflag:s4] =	ssyncset.done $0x0  }
0x97: {  	p0 =	sne.s32 s1, $0x1;
	[sflag:s4] =	ssyncadd.s32 $0xFFFFC000  }
.Ltmp0:
0x98: {  	_ =	swait.ge [sflag:s11], $0x4000;
	(pc) =	sbr.rel @!p0 .LBB2_2-.Ltmp0, $4  }
0x99: {  	[sflag:s11] =	ssyncset.done $0x0  }
0x9a: {  	s31 =	sadd.s32 $0x7800, s3;
	[sflag:s11] =	ssyncadd.s32 $0xFFFFC000  }
0x9b: {  	[hbm4b:s31+s2] =	stream.linear.scatter [tilespmem:s9], [sflag:$0x3], $0x4000, $0x38;
	[tilespmem:$0x8800] =	vst v63  }
0x9c: {  	s1 =	sadd.s32 $0xFFFFFFFF, s1;
	_ =	swait.ge [sflag:s4], $0x4000  }
.LBB2_1:
0x9d: {  	[sflag:s4] =	ssyncset.done $0x0  }
0x9e: {  	s0 =	rddreg [dreg:$0x3];
	[sflag:s4] =	ssyncadd.s32 $0xFFFFC000  }
0x9f: {  	[tilespmem:s2], [sflag:$0x3] =	stream.linear.gather [hbm4b:s0+s2], $0x800, $0x38;
	[tilespmem:$0x8800] =	vst v63  }
0xa0: {  	_ =	swait.ge [sflag:s4], $0x800  }
0xa1: {  	[sflag:s4] =	ssyncset.done $0x0  }
0xa2: {  	[sflag:s4] =	ssyncadd.s32 $0xFFFFF800  }
0xa3: {  	[tilespmem:s7], [sflag:$0x1] =	stream.indirect.gather [hbm4b:s5+s6], $0x80, s2, s6, $0xb8;
	[tilespmem:$0x8800] =	vst v63  }
0xa4: {  	_ = 	snop  }
0xa5: {  	[tilespmem:s9], [sflag:$0x2] =	stream.indirect.gather [hbm4b:s5+s6], $0x80, s6, s6, $0xb8;
	[tilespmem:$0x8800] =	vst v63  }
0xa6: {  	_ =	swait.ge [sflag:s8], $0x4000  }
0xa7: {  	[sflag:s8] =	ssyncset.done $0x0  }
0xa8: {  	[sflag:s8] =	ssyncadd.s32 $0xFFFFC000  }
0xa9: {  	[hbm4b:s3+s2] =	stream.linear.scatter [tilespmem:s7], [sflag:$0x3], $0x4000, $0x38;
	[tilespmem:$0x8800] =	vst v63  }
0xaa: {  	_ =	swait.ge [sflag:s4], $0x4000  }
0xab: {  	[sflag:s4] =	ssyncset.done $0x0  }
0xac: {  	[sflag:s4] =	ssyncadd.s32 $0xFFFFC000  }
0xad: {  	[tilespmem:s7], [sflag:$0x1] =	stream.indirect.gather [hbm4b:s5+s6], $0x80, s10, s6, $0xb8;
	[tilespmem:$0x8800] =	vst v63  }
0xae: {  	_ =	swait.ge [sflag:s11], $0x4000  }
0xaf: {  	[sflag:s11] =	ssyncset.done $0x0  }
0xb0: {  	s0 =	rddreg [dreg:$0x4];
	[sflag:s11] =	ssyncadd.s32 $0xFFFFC000  }
0xb1: {  	[hbm4b:s0+s2] =	stream.linear.scatter [tilespmem:s9], [sflag:$0x3], $0x4000, $0x38;
	[tilespmem:$0x8800] =	vst v63  }
0xb2: {  	_ =	swait.ge [sflag:s4], $0x4000  }
0xb3: {  	[sflag:s4] =	ssyncset.done $0x0  }
0xb4: {  	[sflag:s4] =	ssyncadd.s32 $0xFFFFC000  }
0xb5: {  	[tilespmem:s9], [sflag:$0x2] =	stream.indirect.gather [hbm4b:s5+s6], $0x80, s12, s6, $0xb8;
	[tilespmem:$0x8800] =	vst v63  }
0xb6: {  	_ =	swait.ge [sflag:s8], $0x4000  }
0xb7: {  	[sflag:s8] =	ssyncset.done $0x0  }
0xb8: {  	s0 =	rddreg [dreg:$0x5];
	[sflag:s8] =	ssyncadd.s32 $0xFFFFC000  }
0xb9: {  	[hbm4b:s0+s2] =	stream.linear.scatter [tilespmem:s7], [sflag:$0x3], $0x4000, $0x38;
	[tilespmem:$0x8800] =	vst v63  }
0xba: {  	_ =	swait.ge [sflag:s4], $0x4000  }
0xbb: {  	[sflag:s4] =	ssyncset.done $0x0  }
0xbc: {  	[sflag:s4] =	ssyncadd.s32 $0xFFFFC000  }
0xbd: {  	[tilespmem:s7], [sflag:$0x1] =	stream.indirect.gather [hbm4b:s5+s6], $0x80, s13, s6, $0xb8;
	[tilespmem:$0x8800] =	vst v63  }
0xbe: {  	_ =	swait.ge [sflag:s11], $0x4000  }
0xbf: {  	[sflag:s11] =	ssyncset.done $0x0  }
0xc0: {  	s0 =	rddreg [dreg:$0x6];
	[sflag:s11] =	ssyncadd.s32 $0xFFFFC000  }
0xc1: {  	[hbm4b:s0+s2] =	stream.linear.scatter [tilespmem:s9], [sflag:$0x3], $0x4000, $0x38;
	[tilespmem:$0x8800] =	vst v63  }
0xc2: {  	_ =	swait.ge [sflag:s4], $0x4000  }
0xc3: {  	[sflag:s4] =	ssyncset.done $0x0  }
0xc4: {  	[sflag:s4] =	ssyncadd.s32 $0xFFFFC000  }
0xc5: {  	[tilespmem:s9], [sflag:$0x2] =	stream.indirect.gather [hbm4b:s5+s6], $0x80, s14, s6, $0xb8;
	[tilespmem:$0x8800] =	vst v63  }
0xc6: {  	_ =	swait.ge [sflag:s8], $0x4000  }
0xc7: {  	[sflag:s8] =	ssyncset.done $0x0  }
0xc8: {  	s0 =	rddreg [dreg:$0x7];
	[sflag:s8] =	ssyncadd.s32 $0xFFFFC000  }
0xc9: {  	[hbm4b:s0+s2] =	stream.linear.scatter [tilespmem:s7], [sflag:$0x3], $0x4000, $0x38;
	[tilespmem:$0x8800] =	vst v63  }
0xca: {  	_ =	swait.ge [sflag:s4], $0x4000  }
0xcb: {  	[sflag:s4] =	ssyncset.done $0x0  }
0xcc: {  	[sflag:s4] =	ssyncadd.s32 $0xFFFFC000  }
0xcd: {  	[tilespmem:s7], [sflag:$0x1] =	stream.indirect.gather [hbm4b:s5+s6], $0x80, s15, s6, $0xb8;
	[tilespmem:$0x8800] =	vst v63  }
0xce: {  	_ =	swait.ge [sflag:s11], $0x4000  }
0xcf: {  	[sflag:s11] =	ssyncset.done $0x0  }
0xd0: {  	s0 =	rddreg [dreg:$0x8];
	[sflag:s11] =	ssyncadd.s32 $0xFFFFC000  }
0xd1: {  	[hbm4b:s0+s2] =	stream.linear.scatter [tilespmem:s9], [sflag:$0x3], $0x4000, $0x38;
	[tilespmem:$0x8800] =	vst v63  }
0xd2: {  	_ =	swait.ge [sflag:s4], $0x4000  }
0xd3: {  	[sflag:s4] =	ssyncset.done $0x0  }
0xd4: {  	[sflag:s4] =	ssyncadd.s32 $0xFFFFC000  }
0xd5: {  	[tilespmem:s9], [sflag:$0x2] =	stream.indirect.gather [hbm4b:s5+s6], $0x80, s16, s6, $0xb8;
	[tilespmem:$0x8800] =	vst v63  }
0xd6: {  	_ =	swait.ge [sflag:s8], $0x4000  }
0xd7: {  	[sflag:s8] =	ssyncset.done $0x0  }
0xd8: {  	s0 =	rddreg [dreg:$0x9];
	[sflag:s8] =	ssyncadd.s32 $0xFFFFC000  }
0xd9: {  	[hbm4b:s0+s2] =	stream.linear.scatter [tilespmem:s7], [sflag:$0x3], $0x4000, $0x38;
	[tilespmem:$0x8800] =	vst v63  }
0xda: {  	_ =	swait.ge [sflag:s4], $0x4000  }
0xdb: {  	[sflag:s4] =	ssyncset.done $0x0  }
0xdc: {  	[sflag:s4] =	ssyncadd.s32 $0xFFFFC000  }
0xdd: {  	[tilespmem:s7], [sflag:$0x1] =	stream.indirect.gather [hbm4b:s5+s6], $0x80, s17, s6, $0xb8;
	[tilespmem:$0x8800] =	vst v63  }
0xde: {  	_ =	swait.ge [sflag:s11], $0x4000  }
0xdf: {  	[sflag:s11] =	ssyncset.done $0x0  }
0xe0: {  	s0 =	rddreg [dreg:$0xa];
	[sflag:s11] =	ssyncadd.s32 $0xFFFFC000  }
0xe1: {  	[hbm4b:s0+s2] =	stream.linear.scatter [tilespmem:s9], [sflag:$0x3], $0x4000, $0x38;
	[tilespmem:$0x8800] =	vst v63  }
0xe2: {  	_ =	swait.ge [sflag:s4], $0x4000  }
0xe3: {  	[sflag:s4] =	ssyncset.done $0x0  }
0xe4: {  	[sflag:s4] =	ssyncadd.s32 $0xFFFFC000  }
0xe5: {  	[tilespmem:s9], [sflag:$0x2] =	stream.indirect.gather [hbm4b:s5+s6], $0x80, s18, s6, $0xb8;
	[tilespmem:$0x8800] =	vst v63  }
0xe6: {  	_ =	swait.ge [sflag:s8], $0x4000  }
0xe7: {  	[sflag:s8] =	ssyncset.done $0x0  }
0xe8: {  	s0 =	rddreg [dreg:$0xb];
	[sflag:s8] =	ssyncadd.s32 $0xFFFFC000  }
0xe9: {  	[hbm4b:s0+s2] =	stream.linear.scatter [tilespmem:s7], [sflag:$0x3], $0x4000, $0x38;
	[tilespmem:$0x8800] =	vst v63  }
0xea: {  	_ =	swait.ge [sflag:s4], $0x4000  }
0xeb: {  	[sflag:s4] =	ssyncset.done $0x0  }
0xec: {  	[sflag:s4] =	ssyncadd.s32 $0xFFFFC000  }
0xed: {  	[tilespmem:s7], [sflag:$0x1] =	stream.indirect.gather [hbm4b:s5+s6], $0x80, s19, s6, $0xb8;
	[tilespmem:$0x8800] =	vst v63  }
0xee: {  	_ =	swait.ge [sflag:s11], $0x4000  }
0xef: {  	[sflag:s11] =	ssyncset.done $0x0  }
0xf0: {  	s0 =	rddreg [dreg:$0xc];
	[sflag:s11] =	ssyncadd.s32 $0xFFFFC000  }
0xf1: {  	[hbm4b:s0+s2] =	stream.linear.scatter [tilespmem:s9], [sflag:$0x3], $0x4000, $0x38;
	[tilespmem:$0x8800] =	vst v63  }
0xf2: {  	_ =	swait.ge [sflag:s4], $0x4000  }
0xf3: {  	[sflag:s4] =	ssyncset.done $0x0  }
0xf4: {  	[sflag:s4] =	ssyncadd.s32 $0xFFFFC000  }
0xf5: {  	[tilespmem:s9], [sflag:$0x2] =	stream.indirect.gather [hbm4b:s5+s6], $0x80, s20, s6, $0xb8;
	[tilespmem:$0x8800] =	vst v63  }
0xf6: {  	_ =	swait.ge [sflag:s8], $0x4000  }
0xf7: {  	[sflag:s8] =	ssyncset.done $0x0  }
0xf8: {  	[sflag:s8] =	ssyncadd.s32 $0xFFFFC000  }
0xf9: {  	[hbm4b:s21+s2] =	stream.linear.scatter [tilespmem:s7], [sflag:$0x3], $0x4000, $0x38;
	[tilespmem:$0x8800] =	vst v63  }
0xfa: {  	_ =	swait.ge [sflag:s4], $0x4000  }
0xfb: {  	[sflag:s4] =	ssyncset.done $0x0  }
0xfc: {  	[sflag:s4] =	ssyncadd.s32 $0xFFFFC000  }
0xfd: {  	[tilespmem:s7], [sflag:$0x1] =	stream.indirect.gather [hbm4b:s5+s6], $0x80, s22, s6, $0xb8;
	[tilespmem:$0x8800] =	vst v63  }
0xfe: {  	_ =	swait.ge [sflag:s11], $0x4000  }
0xff: {  	[sflag:s11] =	ssyncset.done $0x0  }
0x100: {  	[sflag:s11] =	ssyncadd.s32 $0xFFFFC000  }
0x101: {  	[hbm4b:s23+s2] =	stream.linear.scatter [tilespmem:s9], [sflag:$0x3], $0x4000, $0x38;
	[tilespmem:$0x8800] =	vst v63  }
0x102: {  	_ =	swait.ge [sflag:s4], $0x4000  }
0x103: {  	[sflag:s4] =	ssyncset.done $0x0  }
0x104: {  	[sflag:s4] =	ssyncadd.s32 $0xFFFFC000  }
0x105: {  	[tilespmem:s9], [sflag:$0x2] =	stream.indirect.gather [hbm4b:s5+s6], $0x80, s24, s6, $0xb8;
	[tilespmem:$0x8800] =	vst v63  }
0x106: {  	_ =	swait.ge [sflag:s8], $0x4000  }
0x107: {  	[sflag:s8] =	ssyncset.done $0x0  }
0x108: {  	[sflag:s8] =	ssyncadd.s32 $0xFFFFC000  }
0x109: {  	[hbm4b:s25+s2] =	stream.linear.scatter [tilespmem:s7], [sflag:$0x3], $0x4000, $0x38;
	[tilespmem:$0x8800] =	vst v63  }
0x10a: {  	_ =	swait.ge [sflag:s4], $0x4000  }
0x10b: {  	[sflag:s4] =	ssyncset.done $0x0  }
0x10c: {  	[sflag:s4] =	ssyncadd.s32 $0xFFFFC000  }
0x10d: {  	[tilespmem:s7], [sflag:$0x1] =	stream.indirect.gather [hbm4b:s5+s6], $0x80, s26, s6, $0xb8;
	[tilespmem:$0x8800] =	vst v63  }
0x10e: {  	_ =	swait.ge [sflag:s11], $0x4000  }
0x10f: {  	[sflag:s11] =	ssyncset.done $0x0  }
0x110: {  	[sflag:s11] =	ssyncadd.s32 $0xFFFFC000  }
0x111: {  	[hbm4b:s28+s2] =	stream.linear.scatter [tilespmem:s9], [sflag:$0x3], $0x4000, $0x38;
	[tilespmem:$0x8800] =	vst v63  }
0x112: {  	_ =	swait.ge [sflag:s4], $0x4000  }
0x113: {  	[sflag:s4] =	ssyncset.done $0x0  }
0x114: {  	[sflag:s4] =	ssyncadd.s32 $0xFFFFC000  }
0x115: {  	[tilespmem:s9], [sflag:$0x2] =	stream.indirect.gather [hbm4b:s5+s6], $0x80, s29, s6, $0xb8;
	[tilespmem:$0x8800] =	vst v63  }
0x116: {  	_ =	swait.ge [sflag:s8], $0x4000  }
0x117: {  	[sflag:s8] =	ssyncset.done $0x0  }
0x118: {  	[sflag:s8] =	ssyncadd.s32 $0xFFFFC000  }
0x119: {  	[hbm4b:s30+s2] =	stream.linear.scatter [tilespmem:s7], [sflag:$0x3], $0x4000, $0x38;
	[tilespmem:$0x8800] =	vst v63  }
0x11a: {  	_ =	swait.ge [sflag:s4], $0x4000  }
0x11b: {  	[sflag:s4] =	ssyncset.done $0x0  }
0x11c: {  	p0 =	sne.s32 s1, $0x1;
	[sflag:s4] =	ssyncadd.s32 $0xFFFFC000  }
.Ltmp1:
0x11d: {  	_ =	swait.ge [sflag:s11], $0x4000;
	(pc) =	sbr.rel @p0 .LBB2_1-.Ltmp1, $4  }
0x11e: {  	[sflag:s11] =	ssyncset.done $0x0  }
0x11f: {  	[sflag:s11] =	ssyncadd.s32 $0xFFFFC000  }
0x120: {  	[hbm4b:s31+s2] =	stream.linear.scatter [tilespmem:s9], [sflag:$0x3], $0x4000, $0x38;
	[tilespmem:$0x8800] =	vst v63  }
0x121: {  	s1 =	sadd.s32 $0xFFFFFFFF, s1;
	_ =	swait.ge [sflag:s4], $0x4000  }
.LBB2_2:
0x122: {  	[sflag:s4] =	ssyncset.done $0x0  }
0x123: {  	[sflag:s4] =	ssyncadd.s32 $0xFFFFC000  }
0x124: {  	_ =	sfence.sel $0x180000  }
0x125: {  	[bflag:$0x0] =	sbarrier.arrive $0xFFFF  }
0x126: {  	_ =	strace $0x9000004D  }
0x127: {  	s0 =	stileid.u32;
	[bflag:$0x2] =	sbarrier.arrive $0xFFFF  }
0x128: {  	p0 =	sne.s32 s0, $0x0;
	s0 =	rddreg [dreg:$0x2]  }
0x129: {  	s0 =	sadd.s32 @!p0 $0x100000, s0  }
0x12a: {  	[sflag:s0] =	ssyncadd.tile.s32 @!p0 $0x1;
	_ =	shalt  }
.Lfunc_end2:
_tile_overlayer_lowered:
.L_overlay_start_2:
0x12b: {  	(tag) =	ssettag $0x2  }
0x12c: {  	s0 =	rddreg [dreg:$0x0];
	s2 =	stileid.u32  }
0x12d: {  	s1 =	rddreg [dreg:$0x1];
	p0 =	sne.s32 s2, $0x0  }
0x12e: {  	s3 =	rddreg [dreg:$0x2];
	[bflag:$0x3] =	sbarrier.arrive $0xFFFF;
	s2 =	simm.s32 @!p0 $0x1C03  }
0x12f: {  	[timem:s3], [sflag:s2] =	dma.local @!p0 [hbm:s0], s1  }
0x130: {  	s0 =	simm.s32 @!p0 $0x3  }
0x131: {  	_ =	swait.ge @!p0 [sflag:s0], s1  }
0x132: {  	s1 =	ssub.s32 @!p0 $0x0, s1;
	[sflag:s0] =	ssyncset.done @!p0 $0x0  }
0x133: {  	[sflag:s0] =	ssyncadd.s32 @!p0 s1  }
0x134: {  	[bflag:$0x3] =	sbarrier.arrive $0xFFFF  }
0x135: {  	_ =	shalt  }

// kernel: kernel.8.cloned.1.call-start
scs
__scs_entry_jumppad:
0x0: {  	(pc) =	sbr.rel $0x88, $3  }
0x1: {  	(tag) =	ssettag $0x0;
	lr =	simm.s32 $0x1  }
0x2: {  	[smem:$0x3F9E] =	sst lr;
	_ =	strace $0xD0000000  }
0x3: {  	_ = 	snop  }
0x4: {  	_ = 	snop  }
0x5: {  	_ = 	snop  }
0x6: {  	_ = 	snop  }
0x7: {  	_ = 	snop  }
__scs_overlays_trampoline_lowered:
0x8: {  	[smem:$0x3FAD] =	sst s0  }
0x9: {  	[smem:$0x3FAE] =	sst s1  }
0xa: {  	[smem:$0x3FAF] =	sst s2  }
0xb: {  	[smem:$0x3FB0] =	sst s3  }
0xc: {  	[smem:$0x3FB1] =	sst s4  }
0xd: {  	[smem:$0x3FB2] =	sst s5  }
0xe: {  	[smem:$0x3FB3] =	sst s6  }
0xf: {  	[smem:$0x3FB4] =	sst s7  }
0x10: {  	[smem:$0x3FB5] =	sst s8  }
0x11: {  	[smem:$0x3FB6] =	sst s9;
	s0 =	simm.s32 @!p0 $0x0  }
0x12: {  	s1 =	sld [smem:$0x3F9C];
	s0 =	simm.s32 @p0 $0x1  }
0x13: {  	[smem:$0x3FB7] =	sst s0;
	s0 =	simm.s32 @!p1 $0x0  }
0x14: {  	s2 =	sld [smem:$0x3F9B];
	s0 =	simm.s32 @p1 $0x1  }
0x15: {  	[smem:$0x3FB8] =	sst s0;
	s0 =	simm.s32 @!p2 $0x0  }
0x16: {  	s3 =	sld [smem:$0x3FDB];
	s0 =	simm.s32 @p2 $0x1  }
0x17: {  	s4 =	simm.s32 $0x1BF5;
	[smem:$0x3FBA] =	sst s0  }
0x18: {  	s0 =	sld [smem:$0x3F9D];
	_ =	swait.ge [sflag:s4], $0x0  }
0x19: {  	s7 =	sld [smem:$0x3F9E]  }
0x1a: {  	s8 =	sadd.s32 $0xFFFFE003, lr  }
0x1b: {  	s9 =	sadd.s32 $0xFFFFFEF7, lr;
	s5 =	simm.s32 $0xFFFFFFFF;
	p2 =	slt.u32 s8, $0xFFFFF086  }
0x1c: {  	p1 =	slt.u32 s9, $0xF7A;
	s5 =	simm.s32 @!p2 $0x0  }
0x1d: {  	s5 =	simm.s32 @p1 $0x1;
	p0 =	seq.s32 s7, s2  }
0x1e: {  	s7 =	smul.u32 @!p0 $0xF7A, s2;
	p2 =	seq.s32 @!p0 s5, $0x0  }
0x1f: {  	s9 =	smul.u32 $0xF7A, s1;
	s8 =	simm.s32 @!p0 $0x1BF5;
	p2 =	por !p2, p0  }
0x20: {  	[sflag:s8] =	ssyncset.s32 @!p0 $0xFFFFF086;
	s6 =	sadd.s32 @!p0 s3, s7;
	s7 =	simm.s32 @!p0 $0x108  }
0x21: {  	s3 =	sadd.s32 s3, s9;
	s6 =	sadd.s32 @!p0 $0x88, s6;
	s7 =	simm.s32 @p2 $0x1082  }
0x22: {  	[simem:s7], [sflag:s8] =	dma.local @!p0 [hbm:s6], $0xF7A  }
0x23: {  	s9 =	sor.u32 $0xD0000000, s2;
	s6 =	simm.s32 $0x108;
	_ =	swait.ge @!p0 [sflag:s8], $0x0  }
0x24: {  	s3 =	sadd.s32 $0x88, s3;
	s6 =	simm.s32 @!p1 $0x1082;
	[sflag:s4] =	ssyncset.s32 $0xFFFFF086  }
0x25: {  	[simem:s6], [sflag:s4] =	dma.local [hbm:s3], $0xF7A  }
0x26: {  	[smem:$0x3F9E] =	sst s1;
	(tag) =	ssettag s2;
	_ =	strace s9  }
0x27: {  	s1 =	sld [smem:$0x3FAE]  }
0x28: {  	s2 =	sld [smem:$0x3FAF]  }
0x29: {  	s4 =	sld [smem:$0x3FB1]  }
0x2a: {  	p0 =	seq.s32 s5, $0x0;
	s5 =	sld [smem:$0x3FB2]  }
0x2b: {  	s6 =	sld [smem:$0x3FB3]  }
0x2c: {  	s7 =	sld [smem:$0x3FB4]  }
0x2d: {  	s3 =	simm.s32 $0x108;
	s8 =	sld [smem:$0x3FB5]  }
0x2e: {  	s3 =	simm.s32 @!p0 $0x1082;
	s9 =	sld [smem:$0x3FB6]  }
0x2f: {  	lr =	sadd.s32 s0, s3;
	s0 =	sld [smem:$0x3FAD]  }
0x30: {  	s3 =	sld [smem:$0x3FB0]  }
0x31: {  	[smem:$0x3FB9] =	sst s10  }
0x32: {  	s10 =	sld [smem:$0x3FB7];
	_ =	sdelay $0x3  }
0x33: {  	p0 =	seq.s32 s10, $0x1;
	s10 =	sld [smem:$0x3FB9];
	_ =	sdelay $0x3  }
0x34: {  	[smem:$0x3FB9] =	sst s10  }
0x35: {  	s10 =	sld [smem:$0x3FB8];
	_ =	sdelay $0x3  }
0x36: {  	p1 =	seq.s32 s10, $0x1;
	s10 =	sld [smem:$0x3FB9];
	_ =	sdelay $0x3  }
0x37: {  	[smem:$0x3FB9] =	sst s10  }
0x38: {  	s10 =	sld [smem:$0x3FBA]  }
0x39: {  	_ = 	snop;
	(pc) =	sbr.ind lr, $3  }
0x3a: {  	_ = 	snop  }
0x3b: {  	_ = 	snop  }
0x3c: {  	p2 =	seq.s32 s10, $0x1;
	s10 =	sld [smem:$0x3FB9]  }
0x3d: {  	_ =	shalt  }
0x3e: {  	_ =	shalt  }
0x3f: {  	_ =	shalt  }
0x40: {  	_ =	shalt  }
0x41: {  	_ =	shalt  }
0x42: {  	_ =	shalt  }
0x43: {  	_ =	shalt  }
0x44: {  	_ =	shalt  }
0x45: {  	_ =	shalt  }
0x46: {  	_ =	shalt  }
0x47: {  	_ =	shalt  }
0x48: {  	_ =	shalt  }
0x49: {  	_ =	shalt  }
0x4a: {  	_ =	shalt  }
0x4b: {  	_ =	shalt  }
0x4c: {  	_ =	shalt  }
0x4d: {  	_ =	shalt  }
0x4e: {  	_ =	shalt  }
0x4f: {  	_ =	shalt  }
0x50: {  	_ =	shalt  }
0x51: {  	_ =	shalt  }
0x52: {  	_ =	shalt  }
0x53: {  	_ =	shalt  }
0x54: {  	_ =	shalt  }
0x55: {  	_ =	shalt  }
0x56: {  	_ =	shalt  }
0x57: {  	_ =	shalt  }
0x58: {  	_ =	shalt  }
0x59: {  	_ =	shalt  }
0x5a: {  	_ =	shalt  }
0x5b: {  	_ =	shalt  }
0x5c: {  	_ =	shalt  }
0x5d: {  	_ =	shalt  }
0x5e: {  	_ =	shalt  }
0x5f: {  	_ =	shalt  }
0x60: {  	_ =	shalt  }
0x61: {  	_ =	shalt  }
0x62: {  	_ =	shalt  }
0x63: {  	_ =	shalt  }
0x64: {  	_ =	shalt  }
0x65: {  	_ =	shalt  }
0x66: {  	_ =	shalt  }
0x67: {  	_ =	shalt  }
0x68: {  	_ =	shalt  }
0x69: {  	_ =	shalt  }
0x6a: {  	_ =	shalt  }
0x6b: {  	_ =	shalt  }
0x6c: {  	_ =	shalt  }
0x6d: {  	_ =	shalt  }
0x6e: {  	_ =	shalt  }
0x6f: {  	_ =	shalt  }
0x70: {  	_ =	shalt  }
0x71: {  	_ =	shalt  }
0x72: {  	_ =	shalt  }
0x73: {  	_ =	shalt  }
0x74: {  	_ =	shalt  }
0x75: {  	_ =	shalt  }
0x76: {  	_ =	shalt  }
0x77: {  	_ =	shalt  }
0x78: {  	_ =	shalt  }
0x79: {  	_ =	shalt  }
0x7a: {  	_ =	shalt  }
0x7b: {  	_ =	shalt  }
0x7c: {  	_ =	shalt  }
0x7d: {  	_ =	shalt  }
0x7e: {  	_ =	shalt  }
0x7f: {  	_ =	shalt  }
0x80: {  	_ =	shalt  }
0x81: {  	_ =	shalt  }
0x82: {  	_ =	shalt  }
0x83: {  	_ =	shalt  }
0x84: {  	_ =	shalt  }
0x85: {  	_ =	shalt  }
0x86: {  	_ =	shalt  }
0x87: {  	_ =	shalt  }
.Lfunc_end0:
.L_simem_size_0:
called_computation_lowered:
.L_overlay_start_0:
0x88: {  	s2 =	sld [smem:$0x3FD9]  }
0x89: {  	s3 =	sld [smem:$0x3FFE];
	_ =	sdelay $0x1  }
0x8a: {  	s1 =	srdreg.scid  }
0x8b: {  	s0 =	sand.u32 $0x1, s1  }
0x8c: {  	s17 =	sshll.u32 s0, $0xA;
	s2 =	sadd.s32 s3, s2  }
0x8d: {  	s2 =	sadd.s32 s2, s17  }
0x8e: {  	[smem:$0x3FC5] =	sst s2  }
0x8f: {  	_ = 	snop  }
0x90: {  	s2 =	sld [smem:$0x3FD0];
	(tm) =	ssettm $0x1  }
0x91: {  	s18 =	sld [smem:$0x3FFB];
	_ =	sdelay $0x3  }
0x92: {  	_ =	strace s18  }
0x93: {  	s3 =	sld [smem:$0x3FFC];
	_ =	sdelay $0x3  }
0x94: {  	_ =	strace s3  }
0x95: {  	s3 =	sld [smem:$0x3FFD];
	_ =	sdelay $0x3  }
0x96: {  	_ =	strace s3  }
0x97: {  	_ =	strace $0x8FFFFFFF  }
0x98: {  	s19 =	sld [smem:$0x3FDB];
	_ =	sdelay $0x1  }
0x99: {  	s4 =	simm.s32 $_scs_section_size  }
0x9a: {  	s5 =	simm.s32 $_size__tile_overlayer_lowered;
	s6 =	simm.s32 $_tile_overlayer_lowered  }
0x9b: {  	s22 =	simm.s32 $0x1BFF;
	s21 =	sshll.u32 s6, $0x1;
	s3 =	sadd.s32 s4, s19  }
0x9c: {  	s7 =	simm.s32 $0x0;
	s20 =	sshll.u32 s5, $0x1;
	s5 =	sadd.s32 s21, s3  }
0x9d: {  	[timem:s7], [sflag:s22] =	dma.local [hbm:s5], s20  }
0x9e: {  	_ =	swait.ge [sflag:s22], s20  }
0x9f: {  	s4 =	ssub.s32 $0x0, s20;
	[sflag:s22] =	ssyncset.done $0x0  }
0xa0: {  	[sflag:s22] =	ssyncadd.s32 s4;
	_ =	sdelay $0x1  }
0xa1: {  	s23 =	simm.s32 $0x1B8B  }
0xa2: {  	_ =	swait.ge [sflag:s23], $0x1  }
0xa3: {  	[sflag:s23] =	ssyncset.done $0x0  }
0xa4: {  	s25 =	simm.s32 $0x1B8E;
	s24 =	sld [smem:$0x3FFE];
	[sflag:s23] =	ssyncadd.s32 $0xFFFFFFFF  }
0xa5: {  	s26 =	simm.s32 $execute0_lowered;
	[smem:$0x3FD2] =	sst s25  }
0xa6: {  	s5 =	sshll.u32 s26, $0x1;
	_ =	strace $0x80000046;
	[dreg:$0x1] =	wrdreg $0xFFFFFFFF  }
0xa7: {  	s28 =	simm.s32 $_size_execute0_lowered;
	s3 =	sadd.s32 s3, s5;
	[dreg:$0x0] =	wrdreg $0x0  }
0xa8: {  	s5 =	sshll.u32 s28, $0x1;
	[dreg:$0x2] =	wrdreg s3  }
0xa9: {  	[dreg:$0x3] =	wrdreg s5  }
0xaa: {  	[dreg:$0x4] =	wrdreg $0xC0  }
0xab: {  	_ =	task [dreg:s7], $0x5FFFF  }
0xac: {  	[dreg:$0x1] =	wrdreg $0xFFFFFFFF  }
0xad: {  	[dreg:$0x0] =	wrdreg $0x60  }
0xae: {  	[dreg:$0x2] =	wrdreg s2  }
0xaf: {  	[dreg:$0x3] =	wrdreg s24  }
0xb0: {  	[dreg:$0x4] =	wrdreg $0x9  }
0xb1: {  	_ =	task.clear_ibuf [dreg:s7], $0x5FFFF;
	_ =	strace $0x90000046  }
0xb2: {  	s29 =	simm.s32 $0x9;
	_ =	strace $0x80000048  }
0xb3: {  	_ =	swait.ge [sflag:s29], $0x1  }
0xb4: {  	[sflag:s29] =	ssyncadd.s32 $0xFFFFFFFF  }
0xb5: {  	_ =	strace $0x90000048  }
0xb6: {  	_ =	sfence  }
0xb7: {  	s30 =	sld [smem:$0x0];
	_ =	sdelay $0x2  }
0xb8: {  	s31 =	sshll.u32 s1, $0xD;
	s1 =	sshrl.u32 s1, $0x2  }
0xb9: {  	s3 =	sand.u32 $0x4000, s31;
	s1 =	sadd.s32 s1, s30  }
0xba: {  	s0 =	sor.u32 s3, s0;
	s1 =	sshll.u32 s1, $0x11  }
0xbb: {  	s0 =	sor.u32 s1, s0  }
0xbc: {  	s0 =	sadd.s32 $0x8F2B, s0  }
0xbd: {  	[sflag:s0] =	ssyncadd.remote.s32 $0x1  }
0xbe: {  	_ =	sfence.sel $0xFFFF  }
0xbf: {  	[dreg:$0x0] =	wrdreg $0xFFFFFFFF;
	(pc) =	sbr.abs _section_cstart, $3  }
0xc0: {  	[dreg:$0x1] =	wrdreg $0xFFFFFFFF  }
0xc1: {  	_ =	task.clear_ibuf [dreg:s7], $0x2FFFF;
	_ =	strace $0x9FFFFFFF  }
0xc2: {  	(tm) =	ssettm $0x7FFFFFFF  }
0xc3: {  	_ =	shalt  }
tec
execute0_lowered:
.L_overlay_start_1:
0x0: {  	(tag) =	ssettag $0x1  }
0x1: {  	s0 =	srdreg.scid  }
0x2: {  	s2 =	stileid.u32;
	s6 =	rddreg [dreg:$0x0]  }
0x3: {  	s4 =	rddreg [dreg:$0x1];
	s3 =	simm.s32 $0x1;
	s0 =	sand.u32 $0x1, s0  }
0x4: {  	s16 =	simm.s32 $0x4000;
	s17 =	simm.s32 $0x6000;
	s1 =	sshll.u32 s0, $0x4  }
0x5: {  	s18 =	simm.s32 $0x6080;
	s8 =	sand.u32 $0x7, s2;
	s1 =	sor.u32 s2, s1  }
0x6: {  	s19 =	simm.s32 $0x6100;
	p1 =	sne.s32 s8, $0x0;
	p0 =	seq.s32 s1, $0x0  }
0x7: {  	s20 =	simm.s32 $0x6180;
	s28 =	simm.s32 $0x0;
	p0 =	por !p1, !p0  }
0x8: {  	s9 =	sadd.s32 $0x1400, s4;
	s12 =	sadd.s32 $0x1A00, s4;
	p0 =	por !p0, !p0  }
0x9: {  	s7 =	sshll.u32 s8, $0x7;
	s1 =	sshrl.u32 s1, $0x3;
	s3 =	simm.s32 @!p0 $0x0  }
0xa: {  	s0 =	ssub.s32 $0x2, s0;
	s29 =	sshll.u32 s8, $0xA;
	s1 =	ssub.s32 s1, s3  }
0xb: {  	s2 =	simm.s32 $0x0;
	s11 =	sshrl.u32 s0, $0x1;
	s5 =	smul.u32 $0x6000, s1  }
0xc: {  	[smem:$0x7FF] =	sst s2;
	s0 =	ssub.s32 s0, s11;
	s13 =	smul.u32 $0x3, s1  }
0xd: {  	_ =	strace $0x80000047;
	s3 =	sshll.u32 s1, $0xF;
	s15 =	smul.u32 $0xC00, s1  }
0xe: {  	s26 =	smul.u32 $0x18000, s1;
	s1 =	sshll.u32 s1, $0xD;
	s3 =	sor.u32 s7, s3  }
0xf: {  	s10 =	sshrl.u32 s3, $0x3;
	s3 =	simm.s32 $0x1;
	s21 =	sshrl.u32 s5, $0x3  }
0x10: {  	s22 =	sadd.s32 $0x1, s13;
	s23 =	sadd.s32 $0x2, s13;
	s7 =	sor.u32 s7, s15  }
0x11: {  	s30 =	sor.u32 s29, s26;
	s15 =	simm.s32 $0x2000;
	s14 =	sadd.s32 s10, s4  }
0x12: {  	s24 =	sshll.u32 s22, $0xA;
	s13 =	sshll.u32 s23, $0xA;
	s4 =	sadd.s32 s6, s21  }
0x13: {  	s7 =	sshrl.u32 s7, $0x3;
	s10 =	sshll.u32 s22, $0x3;
	s11 =	sshll.u32 s23, $0x3  }
0x14: {  	s31 =	sadd.s32 $0x8000, s30;
	s21 =	simm.s32 $0x6280;
	s22 =	simm.s32 $0x7280  }
0x15: {  	s23 =	simm.s32 $0x8280;
	[dreg:$0x3] =	wrdreg s4;
	s5 =	sand.u32 $0x1FFFFC00, s24  }
0x16: {  	s13 =	sand.u32 $0x1FFFFC00, s13;
	s7 =	sadd.s32 s9, s7;
	s10 =	sand.u32 $0x1FFFFF8, s10  }
0x17: {  	s11 =	sand.u32 $0x1FFFFF8, s11;
	s24 =	simm.s32 $0x9280;
	s25 =	sadd.s32 s6, s5  }
0x18: {  	s6 =	sadd.s32 s6, s13;
	s10 =	sor.u32 s8, s10;
	s11 =	sor.u32 s8, s11  }
0x19: {  	s13 =	sadd.s32 $0x10000, s30;
	[dreg:$0x4] =	wrdreg s25;
	s10 =	sshll.u32 s10, $0x4  }
0x1a: {  	v0 =	vlaneseq.u32;
	s11 =	sshll.u32 s11, $0x4;
	s13 =	sshrl.u32 s13, $0x3;
	s8 =	sadd.s32 s9, s10  }
0x1b: {  	v1 =	vmul.u32 $0x80, v0;
	s9 =	sadd.s32 s9, s11;
	s10 =	sshrl.u32 s30, $0x3;
	s11 =	sshrl.u32 s31, $0x3  }
0x1c: {  	v3 =	vimm.s32 $0x0;
	s25 =	simm.s32 $0x400;
	s10 =	sadd.s32 s12, s10;
	s11 =	sadd.s32 s12, s11  }
0x1d: {  	v4 =	vor.u32 $0x10, v0;
	v5 =	vor.u32 $0x800, v1;
	v2 =	vmov s1;
	s12 =	sadd.s32 s12, s13;
	s13 =	sadd.s32 $0xDA00, s14;
	s14 =	smax.u32 s0, $0x1  }
.LBB2_1:
0x1e: {  	s0 =	rddreg [dreg:$0x3]  }
0x1f: {  	[tilespmem:s2], [sflag:$0x1] =	stream.linear.gather [hbm4b:s0+s2], $0x2000, $0x38;
	[tilespmem:$0xA280] =	vst v63  }
0x20: {  	_ =	swait.ge [sflag:s3], $0x2000  }
0x21: {  	[sflag:s3] =	ssyncset.done $0x0  }
0x22: {  	s31 =	rddreg [dreg:$0x4];
	[sflag:s3] =	ssyncadd.s32 $0xFFFFE000  }
0x23: {  	[tilespmem:s15], [sflag:$0x1] =	stream.linear.gather [hbm4b:s31+s2], $0x2000, $0x38;
	[tilespmem:$0xA280] =	vst v63  }
0x24: {  	_ =	swait.ge [sflag:s3], $0x2000  }
0x25: {  	[sflag:s3] =	ssyncset.done $0x0  }
0x26: {  	[sflag:s3] =	ssyncadd.s32 $0xFFFFE000  }
0x27: {  	[tilespmem:s16], [sflag:$0x1] =	stream.linear.gather [hbm4b:s6+s2], $0x2000, $0x38;
	[tilespmem:$0xA280] =	vst v63  }
0x28: {  	_ =	swait.ge [sflag:s3], $0x2000  }
0x29: {  	[sflag:s3] =	ssyncset.done $0x0  }
0x2a: {  	[sflag:s3] =	ssyncadd.s32 $0xFFFFE000  }
0x2b: {  	[tilespmem:s17], [sflag:$0x1] =	stream.linear.gather [hbm4b:s7+s2], $0x80, $0x38;
	[tilespmem:$0xA280] =	vst v63  }
0x2c: {  	_ =	swait.ge [sflag:s3], $0x80  }
0x2d: {  	[sflag:s3] =	ssyncset.done $0x0  }
0x2e: {  	[sflag:s3] =	ssyncadd.s32 $0xFFFFFF80  }
0x2f: {  	[tilespmem:s18], [sflag:$0x1] =	stream.linear.gather [hbm4b:s8+s2], $0x80, $0x38;
	[tilespmem:$0xA280] =	vst v63  }
0x30: {  	_ =	swait.ge [sflag:s3], $0x80  }
0x31: {  	[sflag:s3] =	ssyncset.done $0x0  }
0x32: {  	[sflag:s3] =	ssyncadd.s32 $0xFFFFFF80  }
0x33: {  	[tilespmem:s19], [sflag:$0x1] =	stream.linear.gather [hbm4b:s9+s2], $0x80, $0x38;
	[tilespmem:$0xA280] =	vst v63  }
0x34: {  	_ =	swait.ge [sflag:s3], $0x80  }
0x35: {  	[sflag:s3] =	ssyncset.done $0x0  }
0x36: {  	s29 =	simm.s32 $0x0;
	[sflag:s3] =	ssyncadd.s32 $0xFFFFFF80  }
.LBB2_2:
0x37: {  	v9 =	vmov s29;
	_ =	sdelay $0x4  }
0x38: {  	v8 =	vld.idx.msk [tilespmem:v9+s17+$0x0], $0xffff  }
0x39: {  	s30 =	simm.s32 $0x0;
	v7 =	vld.idx.msk [tilespmem:v9+s18+$0x0], $0xffff  }
0x3a: {  	v10 =	vimm.s32 $0x0;
	s31 =	simm.s32 $0x4040;
	s1 =	simm.s32 $0x2040;
	s0 =	simm.s32 $0x40;
	v6 =	vld.idx.msk [tilespmem:v9+s19+$0x0], $0xffff  }
.LBB2_3:
0x3b: {  	v11 =	vld [tilespmem:s0+$0xFFFFFFC0]  }
0x3c: {  	v12 =	vld [tilespmem:s1+$0xFFFFFFC0]  }
0x3d: {  	v13 =	vld [tilespmem:s31+$0xFFFFFFC0]  }
0x3e: {  	v14 =	vld [tilespmem:s0+$0xFFFFFFD0]  }
0x3f: {  	v15 =	vld [tilespmem:s1+$0xFFFFFFD0]  }
0x40: {  	v16 =	vld [tilespmem:s31+$0xFFFFFFD0]  }
0x41: {  	v17 =	vld [tilespmem:s0+$0xFFFFFFE0]  }
0x42: {  	v18 =	vld [tilespmem:s1+$0xFFFFFFE0]  }
0x43: {  	v19 =	vld [tilespmem:s31+$0xFFFFFFE0]  }
0x44: {  	v20 =	vld [tilespmem:s0+$0xFFFFFFF0]  }
0x45: {  	v21 =	vld [tilespmem:s1+$0xFFFFFFF0]  }
0x46: {  	v49 =	vld [tilespmem:s31+$0xFFFFFFF0]  }
0x47: {  	v22 =	vld [tilespmem:s0+$0x0]  }
0x48: {  	v51 =	vld [tilespmem:s1+$0x0];
	v11 =	vsub.f32 v11, v8;
	v12 =	vsub.f32 v12, v7  }
0x49: {  	v23 =	vld [tilespmem:s0+$0x10];
	v13 =	vsub.f32 v13, v6;
	v14 =	vsub.f32 v14, v8  }
0x4a: {  	v55 =	vld [tilespmem:s1+$0x10];
	v15 =	vsub.f32 v15, v7;
	v48 =	vsub.f32 v16, v6  }
0x4b: {  	v60 =	vld [tilespmem:s0+$0x20];
	v17 =	vsub.f32 v17, v8;
	v50 =	vsub.f32 v18, v7  }
0x4c: {  	v24 =	vld [tilespmem:s1+$0x20];
	v20 =	vsub.f32 v20, v8;
	v21 =	vsub.f32 v21, v7  }
0x4d: {  	v25 =	vld [tilespmem:s0+$0x30];
	v54 =	vsub.f32 v19, v6;
	v58 =	vsub.f32 v22, v8  }
0x4e: {  	v61 =	vld [tilespmem:s1+$0x30];
	v18 =	vsub.f32 v51, v7;
	v16 =	vsub.f32 v49, v6  }
0x4f: {  	v63 =	vld [tilespmem:s31+$0x20];
	v23 =	vsub.f32 v23, v8;
	v19 =	vsub.f32 v55, v7;
	v11 =	vmul.f32 v11, v11  }
0x50: {  	v53 =	vld [tilespmem:s31+$0x0];
	v28 =	vsub.f32 v60, v8;
	v12 =	vmul.f32 v12, v12;
	v47 =	vmul.f32 v13, v13  }
0x51: {  	v29 =	vsub.f32 v24, v7;
	v14 =	vmul.f32 v14, v14;
	v15 =	vmul.f32 v15, v15  }
0x52: {  	v30 =	vsub.f32 v25, v8;
	v13 =	vmul.f32 v48, v48;
	v52 =	vmul.f32 v17, v17  }
0x53: {  	v31 =	vsub.f32 v61, v7;
	v56 =	vmul.f32 v20, v20;
	v57 =	vmul.f32 v21, v21  }
0x54: {  	v32 =	vsub.f32 v63, v6;
	v21 =	vmul.f32 v58, v58;
	v18 =	vmul.f32 v18, v18  }
0x55: {  	v17 =	vsub.f32 v53, v6;
	v16 =	vmul.f32 v16, v16;
	v62 =	vmul.f32 v23, v23  }
0x56: {  	v27 =	vld [tilespmem:s31+$0x30];
	v19 =	vmul.f32 v19, v19;
	v33 =	vmul.f32 v32, v32;
	v11 =	vadd.f32 v12, v11  }
0x57: {  	v59 =	vld [tilespmem:s31+$0x10];
	v14 =	vadd.f32 v15, v14;
	v12 =	vmul.f32 v50, v50;
	v15 =	vadd.f32 v57, v56  }
0x58: {  	v18 =	vadd.f32 v18, v21;
	v17 =	vmul.f32 v17, v17;
	v11 =	vadd.f32 v47, v11  }
0x59: {  	v13 =	vadd.f32 v13, v14;
	v12 =	vadd.f32 v12, v52;
	v14 =	vmul.f32 v54, v54  }
0x5a: {  	v15 =	vadd.f32 v16, v15;
	v26 =	vadd.f32 v17, v18;
	v18 =	vmul.f32 v29, v29  }
0x5b: {  	v17 =	vsub.f32 v27, v6;
	v12 =	vadd.f32 v14, v12;
	vm2 =	vle.f32 v11, $3.999999910e-02  }
0x5c: {  	v11 =	vsub.f32 v59, v6;
	v14 =	vadd.f32 v19, v62;
	vm1 =	vle.f32 v13, $3.999999910e-02  }
0x5d: {  	v13 =	vmul.f32 v28, v28;
	v19 =	vmul.f32 v31, v31;
	vm6 =	vle.f32 v15, $3.999999910e-02  }
0x5e: {  	v34 =	vmul.f32 v17, v17;
	vm5 =	vle.f32 v26, $3.999999910e-02;
	v11 =	vmul.f32 v11, v11  }
0x5f: {  	v35 =	vsel vm2, $0x1, v3;
	v36 =	vmpcnt.ones.xlane vm2;
	v39 =	vsel vm1, $0x1, v3  }
0x60: {  	v40 =	vmpcnt.ones.xlane vm6;
	v16 =	vmpcnt.ones.xlane vm5;
	v11 =	vadd.f32 v11, v14  }
0x61: {  	vm0 =	vle.f32 v12, $3.999999910e-02;
	v12 =	vmul.f32 v30, v30;
	v13 =	vadd.f32 v18, v13  }
0x62: {  	(xrf0) =	vadd.scan.msk.s32 $0xffff, v35;
	v37 =	vadd.s32 v10, v36;
	vm7 =	vle.f32 v11, $3.999999910e-02;
	v11 =	vmpcnt.ones.xlane vm1  }
0x63: {  	v38 =	vmpcnt.ones.xlane vm0;
	v12 =	vadd.f32 v19, v12;
	v13 =	vadd.f32 v33, v13  }
0x64: {  	v42 =	vsel vm6, $0x1, v3;
	v41 =	vsel vm0, $0x1, v3;
	v11 =	vadd.s32 v37, v11  }
0x65: {  	(xrf0) =	vadd.scan.msk.s32 $0xffff, v39;
	v12 =	vadd.f32 v34, v12;
	vm3 =	vle.f32 v13, $3.999999910e-02;
	v13 =	vadd.s32 v11, v38  }
0x66: {  	v44 =	vsel vm5, $0x1, v3;
	(xrf0) =	vadd.scan.msk.s32 $0xffff, v41;
	v43 =	vmpcnt.ones.xlane vm7;
	v15 =	vadd.s32 v13, v40  }
0x67: {  	(xrf0) =	vadd.scan.msk.s32 $0xffff, v42;
	v45 =	vmpcnt.ones.xlane vm3;
	vm4 =	vle.f32 v12, $3.999999910e-02;
	v16 =	vadd.s32 v15, v16  }
0x68: {  	v47 =	vsel vm7, $0x1, v3;
	v46, _, _ =	vpop (xrf0);
	(xrf0) =	vadd.scan.msk.s32 $0xffff, v44;
	v48 =	vmpcnt.ones.xlane vm4;
	v17 =	vadd.s32 v16, v43  }
0x69: {  	v19 =	vadd.s32 v46, v10;
	(xrf0) =	vadd.scan.msk.s32 $0xffff, v47;
	v10 =	vsel vm3, $0x1, v3;
	v49 =	vadd.s32 v17, v45  }
0x6a: {  	v50 =	vsel vm4, $0x1, v3;
	(xrf0) =	vadd.scan.msk.s32 $0xffff, v10;
	v10 =	vadd.s32 v49, v48  }
0x6b: {  	v51, _, _ =	vpop (xrf0);
	(xrf0) =	vadd.scan.msk.s32 $0xffff, v50;
	v52 =	vxor.u32 $0x80000000, v10  }
0x6c: {  	v53, _, _ =	vpop (xrf0);
	(xrf0) =	vmax.scan.msk.u32 $0xffff, v52  }
0x6d: {  	v54, _, _ =	vpop (xrf0)  }
0x6e: {  	v55, _, _ =	vpop (xrf0)  }
0x6f: {  	v56, _, _ =	vpop (xrf0)  }
0x70: {  	v57, _, _ =	vpop (xrf0)  }
0x71: {  	v58, _, _ =	vpop (xrf0)  }
0x72: {  	v26, _, _ =	vpop (xrf0)  }
0x73: {  	(v2sf) =	vpush v26, $0xF;
	_ =	sdelay $0x6  }
0x74: {  	v12 =	vadd.s32 v37, v51;
	v19 =	vadd.s32 $0xFFFFFFFF, v19  }
0x75: {  	v11 =	vadd.s32 v11, v53;
	v12 =	vadd.s32 $0xFFFFFFFF, v12  }
0x76: {  	v13 =	vadd.s32 v13, v54;
	v11 =	vadd.s32 $0xFFFFFFFF, v11  }
0x77: {  	v13 =	vadd.s32 $0xFFFFFFFF, v13  }
0x78: {  	s26 =	sadd.s32 $0x10, s30;
	v59 =	vor.u32 s30, v0  }
0x79: {  	s4 =	sadd.s32 $0x20, s30;
	v60 =	vor.u32 s26, v0;
	[tilespmem:v19+s20+$0x0] =	vst.idx.msk vm2, v59  }
0x7a: {  	s5 =	sadd.s32 $0x30, s30;
	v62 =	vor.u32 s4, v0;
	[tilespmem:v12+s20+$0x0] =	vst.idx.msk vm1, v60  }
0x7b: {  	s4 =	sadd.s32 $0x40, s30;
	v15 =	vadd.s32 v15, v55;
	[tilespmem:v11+s20+$0x0] =	vst.idx.msk vm0, v62;
	v11 =	vor.u32 s5, v0  }
0x7c: {  	v16 =	vadd.s32 v16, v56;
	v15 =	vadd.s32 $0xFFFFFFFF, v15;
	[tilespmem:v13+s20+$0x0] =	vst.idx.msk vm6, v11;
	v11 =	vor.u32 s4, v0;
	s4 =	spop (v2sf)  }
0x7d: {  	p0 =	sgt.u32 s30, $0x1F7F;
	v17 =	vadd.s32 v17, v57;
	v16 =	vadd.s32 $0xFFFFFFFF, v16;
	s26 =	sxor.u32 $0x80000000, s4  }
0x7e: {  	v61 =	vadd.s32 v49, v58;
	v17 =	vadd.s32 $0xFFFFFFFF, v17;
	p1 =	slt.s32 @!p0 s26, $0x20  }
0x7f: {  	v12 =	vadd.s32 $0xFFFFFFFF, v61;
	p0 =	por p0, !p1  }
.Ltmp0:
0x80: {  	s5 =	sadd.s32 $0x50, s30;
	(pc) =	sbr.rel @!p0 .LBB2_3-.Ltmp0, $4  }
0x81: {  	[tilespmem:v15+s20+$0x0] =	vst.idx.msk vm5, v11;
	v11 =	vor.u32 s5, v0;
	s5 =	sadd.s32 $0x60, s30  }
0x82: {  	[tilespmem:v16+s20+$0x0] =	vst.idx.msk vm7, v11;
	v11 =	vor.u32 s5, v0;
	s5 =	sadd.s32 $0x70, s30  }
0x83: {  	s31 =	sadd.s32 $0x80, s31;
	v63 =	vor.u32 s5, v0;
	[tilespmem:v17+s20+$0x0] =	vst.idx.msk vm3, v11  }
0x84: {  	s1 =	sadd.s32 $0x80, s1;
	s0 =	sadd.s32 $0x80, s0;
	s30 =	sadd.s32 $0x80, s30;
	[tilespmem:v12+s20+$0x0] =	vst.idx.msk vm4, v63  }
0x85: {  	v10 =	vld.msk [tilespmem:s20+$0x0], $0xffff  }
0x86: {  	v11 =	vld [tilespmem:$0x6180];
	_ =	sdelay $0x1  }
0x87: {  	v12 =	vld [tilespmem:$0x6190]  }
0x88: {  	p0 =	sgt.s32 s26, $0x0;
	v13 =	vmov s26;
	v14 =	vor.u32 v1, v9  }
0x89: {  	v60 =	vor.u32 v5, v9;
	vm0 =	vgt.s32 v13, v0;
	v10 =	vpsel !p0, $0x0, v10  }
0x8a: {  	v11 =	vsel vm0, v11, v10  }
0x8b: {  	vm15 =	vgt.s32 v13, v4  }
0x8c: {  	v10 =	vsel vm15, v12, v10;
	v61 =	vadd.s32 v2, v11  }
0x8d: {  	v62 =	vadd.s32 v2, v10;
	[tilespmem:v14+s21+$0x0] =	vst.idx.msk $0xffff, v61  }
0x8e: {  	[tilespmem:v60+s21+$0x0] =	vst.idx.msk $0xffff, v62  }
0x8f: {  	v12 =	vld.idx.msk [tilespmem:v11+s2+$0x0], $0xffff;
	_ =	sdelay $0x4  }
0x90: {  	v12 =	vsub.f32 v12, v8;
	_ =	sdelay $0x1  }
0x91: {  	[tilespmem:v14+s22+$0x0] =	vst.idx.msk $0xffff, v12  }
0x92: {  	v12 =	vld.idx.msk [tilespmem:v10+s2+$0x0], $0xffff;
	_ =	sdelay $0x4  }
0x93: {  	v63 =	vsub.f32 v12, v8;
	_ =	sdelay $0x1  }
0x94: {  	[tilespmem:v60+s22+$0x0] =	vst.idx.msk $0xffff, v63  }
0x95: {  	v8 =	vld.idx.msk [tilespmem:v11+s15+$0x0], $0xffff;
	_ =	sdelay $0x4  }
0x96: {  	v8 =	vsub.f32 v8, v7;
	_ =	sdelay $0x1  }
0x97: {  	[tilespmem:v14+s23+$0x0] =	vst.idx.msk $0xffff, v8  }
0x98: {  	v8 =	vld.idx.msk [tilespmem:v10+s15+$0x0], $0xffff;
	_ =	sdelay $0x4  }
0x99: {  	v7 =	vsub.f32 v8, v7;
	_ =	sdelay $0x1  }
0x9a: {  	[tilespmem:v60+s23+$0x0] =	vst.idx.msk $0xffff, v7  }
0x9b: {  	v7 =	vld.idx.msk [tilespmem:v11+s16+$0x0], $0xffff;
	_ =	sdelay $0x4  }
0x9c: {  	v7 =	vsub.f32 v7, v6;
	_ =	sdelay $0x1  }
0x9d: {  	[tilespmem:v14+s24+$0x0] =	vst.idx.msk $0xffff, v7  }
0x9e: {  	v7 =	vld.idx.msk [tilespmem:v10+s16+$0x0], $0xffff  }
0x9f: {  	s29 =	sadd.s32 $0x1, s29  }
0xa0: {  	p0 =	sne.s32 s29, $0x80  }
.Ltmp1:
0xa1: {  	_ = 	snop;
	(pc) =	sbr.rel @p0 .LBB2_2-.Ltmp1, $3  }
0xa2: {  	_ = 	snop  }
0xa3: {  	v6 =	vsub.f32 v7, v6;
	_ =	sdelay $0x1  }
0xa4: {  	[tilespmem:v60+s24+$0x0] =	vst.idx.msk $0xffff, v6  }
0xa5: {  	[hbm4b:s10+s25] =	stream.strided.scatter [tilespmem:s22], [sflag:$0x1], $0x1000, s15, s25, $0x38;
	[tilespmem:$0xA280] =	vst v63  }
0xa6: {  	_ =	swait.ge [sflag:s3], $0x1000  }
0xa7: {  	[sflag:s3] =	ssyncset.done $0x0  }
0xa8: {  	[sflag:s3] =	ssyncadd.s32 $0xFFFFF000  }
0xa9: {  	[hbm4b:s11+s25] =	stream.strided.scatter [tilespmem:s23], [sflag:$0x1], $0x1000, s15, s25, $0x38;
	[tilespmem:$0xA280] =	vst v63  }
0xaa: {  	_ =	swait.ge [sflag:s3], $0x1000  }
0xab: {  	[sflag:s3] =	ssyncset.done $0x0  }
0xac: {  	[sflag:s3] =	ssyncadd.s32 $0xFFFFF000  }
0xad: {  	[hbm4b:s12+s25] =	stream.strided.scatter [tilespmem:s24], [sflag:$0x1], $0x1000, s15, s25, $0x38;
	[tilespmem:$0xA280] =	vst v63  }
0xae: {  	s28 =	sadd.s32 $0x1, s28;
	_ =	swait.ge [sflag:s3], $0x1000  }
0xaf: {  	p0 =	sne.s32 s28, s14;
	[sflag:s3] =	ssyncset.done $0x0  }
.Ltmp2:
0xb0: {  	s0 =	simm.s32 $0x80;
	[sflag:s3] =	ssyncadd.s32 $0xFFFFF000;
	(pc) =	sbr.rel @p0 .LBB2_1-.Ltmp2, $4  }
0xb1: {  	[hbm4b:s13+s0] =	stream.strided.scatter [tilespmem:s21], [sflag:$0x1], $0x1000, s25, s0, $0x38;
	[tilespmem:$0xA280] =	vst v63  }
0xb2: {  	_ =	swait.ge [sflag:s3], $0x1000  }
0xb3: {  	[sflag:s3] =	ssyncset.done $0x0  }
0xb4: {  	[sflag:s3] =	ssyncadd.s32 $0xFFFFF000  }
0xb5: {  	_ =	sfence.sel $0x180000  }
0xb6: {  	[bflag:$0x0] =	sbarrier.arrive $0xFFFF  }
0xb7: {  	_ =	strace $0x90000047  }
0xb8: {  	s0 =	stileid.u32;
	[bflag:$0x2] =	sbarrier.arrive $0xFFFF  }
0xb9: {  	p0 =	sne.s32 s0, $0x0;
	s0 =	rddreg [dreg:$0x2]  }
0xba: {  	s0 =	sadd.s32 @!p0 $0x100000, s0  }
0xbb: {  	[sflag:s0] =	ssyncadd.tile.s32 @!p0 $0x1;
	_ =	shalt  }
.Lfunc_end2:
_tile_overlayer_lowered:
.L_overlay_start_2:
0xbc: {  	(tag) =	ssettag $0x2  }
0xbd: {  	s0 =	rddreg [dreg:$0x0];
	s2 =	stileid.u32  }
0xbe: {  	s1 =	rddreg [dreg:$0x1];
	p0 =	sne.s32 s2, $0x0  }
0xbf: {  	s3 =	rddreg [dreg:$0x2];
	[bflag:$0x3] =	sbarrier.arrive $0xFFFF;
	s2 =	simm.s32 @!p0 $0x1C01  }
0xc0: {  	[timem:s3], [sflag:s2] =	dma.local @!p0 [hbm:s0], s1  }
0xc1: {  	s0 =	simm.s32 @!p0 $0x1  }
0xc2: {  	_ =	swait.ge @!p0 [sflag:s0], s1  }
0xc3: {  	s1 =	ssub.s32 @!p0 $0x0, s1;
	[sflag:s0] =	ssyncset.done @!p0 $0x0  }
0xc4: {  	[sflag:s0] =	ssyncadd.s32 @!p0 s1  }
0xc5: {  	[bflag:$0x3] =	sbarrier.arrive $0xFFFF  }
0xc6: {  	_ =	shalt  }

</sc_bundles>
